<compile_context>
chip_gen: v7x
topology: tpu7x:2x2x1
jax: 0.10.2.dev20260603
libtpu: 0.0.44.dev20260713+nightly
codegen_flags: <defaults>
</compile_context>

<pallas_src>
import functools
import numpy as np
import jax
import jax.numpy as jnp
from jax import lax
from jax.experimental import pallas as pl
from jax.experimental.pallas import tpu as pltpu
from jax.experimental.pallas import tpu_sc as plsc

_N = 262144
_C = 80
_BINS = 10

_NSC = 57344
_NTC = _N - _NSC
_BLOCK_N = 8192
_GRID = _NTC // _BLOCK_N

_W = 32
_RPW = _NSC // _W
_CHUNK = 128
_NCHUNK = _RPW // _CHUNK

_EDGES = [float(v) for v in np.arange(_BINS + 1, dtype=np.float32)
          / np.float32(_BINS)]

_LOGITS = [float(np.log(np.float64(e) / (1.0 - np.float64(e))))
           for e in _EDGES[1:_BINS]]

_L1P = [float(np.float32(c)) for c in
        np.polyfit(np.linspace(0.0, 1.0, 65537),
                   np.log1p(np.linspace(0.0, 1.0, 65537)), 7)]



def _tc_body(tgt_ref, pred_ref, sacc_ref, cacc_ref):
    i = pl.program_id(0)

    @pl.when(i == 0)
    def _init():
        sacc_ref[...] = jnp.zeros_like(sacc_ref)
        cacc_ref[...] = jnp.zeros_like(cacc_ref)

    p = pred_ref[...]
    t = tgt_ref[...]
    col = jax.lax.broadcasted_iota(jnp.int32, (_BLOCK_N, _C), 1)
    is_t = col == t

    pm = jnp.where(is_t, -p, p)
    q = jnp.exp(-jnp.abs(p))
    bce = jnp.maximum(pm, 0.0) + jnp.log1p(q)

    geF = [(pm >= _LOGITS[k - 1]).astype(jnp.float32)
           for k in range(1, _BINS)]
    h = [bce * geF[k] for k in range(_BINS - 1)]

    def _acc3(x):
        return jnp.sum(x.reshape(_BLOCK_N // 8, 8, _C), axis=0)

    for k in range(_BINS - 1):
        cacc_ref[k] = cacc_ref[k] + _acc3(geF[k])

    for b in range(_BINS):
        if b == 0:
            masked = bce - h[0]
        elif b == _BINS - 1:
            masked = h[_BINS - 2]
        else:
            masked = h[b - 1] - h[b]
        sacc_ref[b] = sacc_ref[b] + _acc3(masked)



_sc_mesh = plsc.VectorSubcoreMesh(core_axis_name="c", subcore_axis_name="s")


@functools.partial(
    pl.kernel,
    mesh=_sc_mesh,
    out_type=jax.ShapeDtypeStruct((_W, 2 * _BINS - 1, 16), jnp.float32),
    scratch_types=[
        pltpu.VMEM((_CHUNK * _C,), jnp.float32),
        pltpu.VMEM((_CHUNK,), jnp.int32),
        pltpu.VMEM((2 * _BINS - 1, 16), jnp.float32),
    ],
)
def _sc_part(pred_hbm, tgt_hbm, out_hbm, pbuf, tbuf, obuf):
    wid = lax.axis_index("s") * 2 + lax.axis_index("c")
    row0 = wid * _RPW
    iota = lax.iota(jnp.int32, 16)

    def _log1p_poly(q):
        c = _L1P
        q2 = q * q
        q4 = q2 * q2
        hi = (c[0] * q + c[1]) * q2 + (c[2] * q + c[3])
        lo = (c[4] * q + c[5]) * q2 + (c[6] * q + c[7])
        return hi * q4 + lo

    _dnums = lax.GatherDimensionNumbers(
        offset_dims=(), collapsed_slice_dims=(0,), start_index_map=(0,)
    )

    def row_body(j, acc):
        tv, base0, acc3 = acc
        jv = jnp.zeros((16,), jnp.int32) + j
        t = lax.gather(tv, jv[:, None], _dnums, (1,),
                       mode=lax.GatherScatterMode.PROMISE_IN_BOUNDS)
        base = base0 + j * _C
        sums = list(acc3[:_BINS])
        cnts = list(acc3[_BINS:])
        for m in range(_C // 16):
            v = pbuf[pl.ds(base + m * 16, 16)]
            is_t = (iota + (16 * m)) == t
            pm = jnp.where(is_t, -v, v)
            q = jnp.exp(-jnp.abs(v))
            bce = jnp.maximum(pm, 0.0) + _log1p_poly(q)

            geF = [jnp.where(pm >= _LOGITS[k - 1], 1.0, 0.0)
                   for k in range(1, _BINS)]
            h = [bce * geF[k] for k in range(_BINS - 1)]
            for b in range(_BINS):
                if b == 0:
                    masked = bce - h[0]
                elif b == _BINS - 1:
                    masked = h[_BINS - 2]
                else:
                    masked = h[b - 1] - h[b]
                sums[b] = sums[b] + masked
            for k in range(_BINS - 1):
                cnts[k] = cnts[k] + geF[k]
        return tv, base0, tuple(sums + cnts)

    def grp_body(gi, acc3):
        tv = tbuf[pl.ds(gi * 16, 16)]
        base0 = gi * 16 * _C
        _, _, acc3 = lax.fori_loop(0, 16, row_body, (tv, base0, acc3))
        return acc3

    def chunk_body(ci, acc3):
        base = row0 + ci * _CHUNK
        pltpu.sync_copy(pred_hbm.at[pl.ds(base * _C, _CHUNK * _C)], pbuf)
        pltpu.sync_copy(tgt_hbm.at[pl.ds(base, _CHUNK)], tbuf)
        return lax.fori_loop(0, _CHUNK // 16, grp_body, acc3)

    zero = jnp.zeros((16,), jnp.float32)
    acc3 = tuple(zero for _ in range(2 * _BINS - 1))
    acc3 = lax.fori_loop(0, _NCHUNK, chunk_body, acc3)

    for j in range(2 * _BINS - 1):
        obuf[j, :] = acc3[j]
    pltpu.sync_copy(obuf, out_hbm.at[wid])



def _fin_body(sacc_ref, cacc_ref, scp_ref, out_ref):
    scp = scp_ref[...]
    cge = [jnp.int32(_N * _C)]
    for k in range(_BINS - 1):
        c_tc = jnp.sum(cacc_ref[k].astype(jnp.int32))
        c_sc = jnp.sum(scp[:, _BINS + k, :].astype(jnp.int32))
        cge.append(c_tc + c_sc)
    cge.append(jnp.int32(0))

    loss = jnp.float32(0.0)
    nn = jnp.float32(0.0)
    for b in range(_BINS):
        c = cge[b] - cge[b + 1]
        s = jnp.sum(sacc_ref[b]) + jnp.sum(scp[:, b, :])
        ne = c > 0
        nn = nn + ne.astype(jnp.float32)
        cf = jnp.maximum(c.astype(jnp.float32), 1.0)
        loss = loss + jnp.where(ne, s / cf, 0.0)
    out_ref[0, 0] = loss / jnp.maximum(nn, 1.0)



def kernel(pred, target):
    t2 = target.reshape(_N, 1)
    sacc, cacc = pl.pallas_call(
        _tc_body,
        grid=(_GRID,),
        in_specs=[
            pl.BlockSpec((_BLOCK_N, 1), lambda i: (i, 0)),
            pl.BlockSpec((_BLOCK_N, _C), lambda i: (i, 0)),
        ],
        out_specs=[
            pl.BlockSpec((_BINS, 8, _C), lambda i: (0, 0, 0)),
            pl.BlockSpec((_BINS - 1, 8, _C), lambda i: (0, 0, 0)),
        ],
        out_shape=[
            jax.ShapeDtypeStruct((_BINS, 8, _C), jnp.float32),
            jax.ShapeDtypeStruct((_BINS - 1, 8, _C), jnp.float32),
        ],
        interpret=False,
    )(t2, pred)

    scp = _sc_part(pred[_NTC:].reshape(_NSC * _C), target[_NTC:])

    loss = pl.pallas_call(
        _fin_body,
        out_specs=pl.BlockSpec(memory_space=pltpu.SMEM),
        out_shape=jax.ShapeDtypeStruct((1, 1), jnp.float32),
        interpret=False,
    )(sacc, cacc, scp)
    return loss[0, 0]

# --- scband reference (transcript-rebuilt; emitter-appended) ---
"""Pipeline reference for scband-ghmc-80195629351056 (READ-ONLY COPY).

The authoritative reference and input builder live on the scoring server;
editing this copy changes nothing except your own understanding.
"""

import jax, jax.numpy as jnp
import numpy as np

BINS = 10
MOMENTUM = 0.0
LOSS_WEIGHT = 1.0
N = 262144
C = 80


def setup_inputs(seed: int = 0) -> dict:
    key = jax.random.key(seed)
    k1, k2 = jax.random.split(key)
    pred = jax.random.normal(k1, (N, C), dtype=jnp.float32)
    target = jax.random.randint(k2, (N,), 0, C, dtype=jnp.int32)
    return {"pred": pred, "target": target}


def reference(pred, target):
    # edges of the gradient-norm histogram
    edges = jnp.arange(BINS + 1, dtype=jnp.float32) / BINS
    edges = edges.at[-1].add(1e-6)

    # target (class indices) -> one-hot, as in torch scatter_(1, target, 1)
    t_onehot = jax.nn.one_hot(target, C, dtype=pred.dtype)
    label_weight = jnp.ones_like(t_onehot)
    valid = label_weight > 0
    valid_f = valid.astype(jnp.float32)
    tot = jnp.maximum(jnp.sum(valid_f), 1.0)

    # gradient norm g = |sigmoid(pred).detach() - target|
    g = jnp.abs(jax.lax.stop_gradient(jax.nn.sigmoid(pred)) - t_onehot)

    # bin each element: inds = (g >= edges[i]) & (g < edges[i+1])
    bin_idx = jnp.clip(
        jnp.searchsorted(edges, g.ravel(), side="right") - 1, 0, BINS - 1
    )
    counts = jnp.bincount(
        bin_idx, weights=valid_f.ravel(), length=BINS
    )
    nonempty = counts > 0
    n_nonempty = jnp.sum(nonempty.astype(jnp.float32))

    # weights[inds] = tot / num_in_bin (momentum == 0 path)
    per_bin_w = jnp.where(nonempty, tot / jnp.maximum(counts, 1.0), 0.0)
    weights = per_bin_w[bin_idx].reshape(g.shape) * valid_f
    weights = jnp.where(
        n_nonempty > 0, weights / jnp.maximum(n_nonempty, 1.0), weights
    )
    weights = jax.lax.stop_gradient(weights)

    # binary_cross_entropy_with_logits, weighted, reduction='sum'
    bce = (
        jnp.maximum(pred, 0.0)
        - pred * t_onehot
        + jnp.log1p(jnp.exp(-jnp.abs(pred)))
    )
    loss = jnp.sum(bce * weights) / tot
    return loss * LOSS_WEIGHT

if __name__ == "__main__":
    import jax
    _d = setup_inputs()
    print(jax.jit(kernel)(*tuple(_d.values())))

</pallas_src>

<mosaic_0001>
#map = affine_map<(d0, d1) -> (0)>
#map1 = affine_map<(d0, d1) -> (0, 0, 0)>
module attributes {stable_mosaic.version = 14 : i64} {
  func.func @_sc_part(%arg0: i32, %arg1: i32, %arg2: memref<4587520xf32, #tpu.memory_space<hbm>>, %arg3: memref<57344xi32, #tpu.memory_space<hbm>>, %arg4: memref<32x19x16xf32, #tpu.memory_space<hbm>>, %arg5: memref<10240xf32, #tpu.memory_space<vmem>>, %arg6: memref<128xi32, #tpu.memory_space<vmem>>, %arg7: memref<19x16xf32, #tpu.memory_space<vmem>>) attributes {dimension_semantics = [#tpu.dimension_semantics<core_parallel>, #tpu.dimension_semantics<subcore_parallel>], iteration_bounds = array<i64: 2, 16>, scalar_prefetch = 0 : i64, scratch_operands = 3 : i64, tpu.core_type = #tpu.core_type<sc_vector_subcore>, window_params = [{transform_indices = #map}, {transform_indices = #map}, {transform_indices = #map1}]} {
    %mul3A = arith.constant 2 : i32
    %mul3A_0 = arith.muli %arg1, %mul3A : i32
    %add3A = arith.addi %mul3A_0, %arg0 : i32
    %mul3A_1 = arith.constant 1792 : i32
    %mul3A_2 = arith.muli %add3A, %mul3A_1 : i32
    %iota3A = tpu.iota {dimensions = array<i32: 0>} : vector<16xi32>
    %broadcast_in_dim3A = arith.constant 0.000000e+00 : f32
    %broadcast_in_dim3A_3 = vector.broadcast %broadcast_in_dim3A : f32 to vector<16xf32>
    %scan3A = arith.constant 0 : i32
    %scan3A_4 = arith.constant 14 : i32
    %scan3A_5 = arith.addi %scan3A, %scan3A_4 : i32
    %scan3A_6 = arith.constant 1 : i32
    %scan3A_7:19 = scf.for %scan3A_122 = %scan3A to %scan3A_5 step %scan3A_6 iter_args(%scan3A_123 = %broadcast_in_dim3A_3, %scan3A_124 = %broadcast_in_dim3A_3, %scan3A_125 = %broadcast_in_dim3A_3, %scan3A_126 = %broadcast_in_dim3A_3, %scan3A_127 = %broadcast_in_dim3A_3, %scan3A_128 = %broadcast_in_dim3A_3, %scan3A_129 = %broadcast_in_dim3A_3, %scan3A_130 = %broadcast_in_dim3A_3, %scan3A_131 = %broadcast_in_dim3A_3, %scan3A_132 = %broadcast_in_dim3A_3, %scan3A_133 = %broadcast_in_dim3A_3, %scan3A_134 = %broadcast_in_dim3A_3, %scan3A_135 = %broadcast_in_dim3A_3, %scan3A_136 = %broadcast_in_dim3A_3, %scan3A_137 = %broadcast_in_dim3A_3, %scan3A_138 = %broadcast_in_dim3A_3, %scan3A_139 = %broadcast_in_dim3A_3, %scan3A_140 = %broadcast_in_dim3A_3, %scan3A_141 = %broadcast_in_dim3A_3) -> (vector<16xf32>, vector<16xf32>, vector<16xf32>, vector<16xf32>, vector<16xf32>, vector<16xf32>, vector<16xf32>, vector<16xf32>, vector<16xf32>, vector<16xf32>, vector<16xf32>, vector<16xf32>, vector<16xf32>, vector<16xf32>, vector<16xf32>, vector<16xf32>, vector<16xf32>, vector<16xf32>, vector<16xf32>)  : i32 {
      %mul3A_142 = arith.constant 128 : i32
      %mul3A_143 = arith.muli %scan3A_122, %mul3A_142 : i32
      %add3A_144 = arith.addi %mul3A_2, %mul3A_143 : i32
      %mul3A_145 = arith.constant 80 : i32
      %mul3A_146 = arith.muli %add3A_144, %mul3A_145 : i32
      "tpu.region"() ({
        %run_scoped3A = tpu.sem_alloc : memref<!tpu.dma_semaphore, #tpu.memory_space<semaphore_mem>>
        %dma_start3A = tpu.memref_slice %arg2[%mul3A_146] : memref<4587520xf32, #tpu.memory_space<hbm>> -> memref<10240xf32, #tpu.memory_space<hbm>>
        %dma_start3A_153 = tpu.memref_slice %arg2[%mul3A_146] : memref<4587520xf32, #tpu.memory_space<hbm>> -> memref<10240xf32, #tpu.memory_space<hbm>>
        tpu.enqueue_dma source(%dma_start3A_153 : memref<10240xf32, #tpu.memory_space<hbm>>) target(%arg5 : memref<10240xf32, #tpu.memory_space<vmem>>) target_semaphore(%run_scoped3A : memref<!tpu.dma_semaphore, #tpu.memory_space<semaphore_mem>>)
        %dma_wait3A = tpu.memref_slice %arg2[%mul3A_146] : memref<4587520xf32, #tpu.memory_space<hbm>> -> memref<10240xf32, #tpu.memory_space<hbm>>
        %dma_wait3A_154 = tpu.memref_slice %arg2[%mul3A_146] : memref<4587520xf32, #tpu.memory_space<hbm>> -> memref<10240xf32, #tpu.memory_space<hbm>>
        tpu.wait_dma2 semaphore(%run_scoped3A : memref<!tpu.dma_semaphore, #tpu.memory_space<semaphore_mem>>) src(%dma_wait3A_154 : memref<10240xf32, #tpu.memory_space<hbm>>) dst(%arg5 : memref<10240xf32, #tpu.memory_space<vmem>>)
        tpu.yield
      }) : () -> ()
      "tpu.region"() ({
        %run_scoped3A = tpu.sem_alloc : memref<!tpu.dma_semaphore, #tpu.memory_space<semaphore_mem>>
        %dma_start3A = tpu.memref_slice %arg3[%add3A_144] : memref<57344xi32, #tpu.memory_space<hbm>> -> memref<128xi32, #tpu.memory_space<hbm>>
        %dma_start3A_153 = tpu.memref_slice %arg3[%add3A_144] : memref<57344xi32, #tpu.memory_space<hbm>> -> memref<128xi32, #tpu.memory_space<hbm>>
        tpu.enqueue_dma source(%dma_start3A_153 : memref<128xi32, #tpu.memory_space<hbm>>) target(%arg6 : memref<128xi32, #tpu.memory_space<vmem>>) target_semaphore(%run_scoped3A : memref<!tpu.dma_semaphore, #tpu.memory_space<semaphore_mem>>)
        %dma_wait3A = tpu.memref_slice %arg3[%add3A_144] : memref<57344xi32, #tpu.memory_space<hbm>> -> memref<128xi32, #tpu.memory_space<hbm>>
        %dma_wait3A_154 = tpu.memref_slice %arg3[%add3A_144] : memref<57344xi32, #tpu.memory_space<hbm>> -> memref<128xi32, #tpu.memory_space<hbm>>
        tpu.wait_dma2 semaphore(%run_scoped3A : memref<!tpu.dma_semaphore, #tpu.memory_space<semaphore_mem>>) src(%dma_wait3A_154 : memref<128xi32, #tpu.memory_space<hbm>>) dst(%arg6 : memref<128xi32, #tpu.memory_space<vmem>>)
        tpu.yield
      }) : () -> ()
      %scan3A_147 = arith.constant 0 : i32
      %scan3A_148 = arith.constant 8 : i32
      %scan3A_149 = arith.addi %scan3A_147, %scan3A_148 : i32
      %scan3A_150 = arith.constant 1 : i32
      %scan3A_151:19 = scf.for %scan3A_153 = %scan3A_147 to %scan3A_149 step %scan3A_150 iter_args(%scan3A_154 = %scan3A_123, %scan3A_155 = %scan3A_124, %scan3A_156 = %scan3A_125, %scan3A_157 = %scan3A_126, %scan3A_158 = %scan3A_127, %scan3A_159 = %scan3A_128, %scan3A_160 = %scan3A_129, %scan3A_161 = %scan3A_130, %scan3A_162 = %scan3A_131, %scan3A_163 = %scan3A_132, %scan3A_164 = %scan3A_133, %scan3A_165 = %scan3A_134, %scan3A_166 = %scan3A_135, %scan3A_167 = %scan3A_136, %scan3A_168 = %scan3A_137, %scan3A_169 = %scan3A_138, %scan3A_170 = %scan3A_139, %scan3A_171 = %scan3A_140, %scan3A_172 = %scan3A_141) -> (vector<16xf32>, vector<16xf32>, vector<16xf32>, vector<16xf32>, vector<16xf32>, vector<16xf32>, vector<16xf32>, vector<16xf32>, vector<16xf32>, vector<16xf32>, vector<16xf32>, vector<16xf32>, vector<16xf32>, vector<16xf32>, vector<16xf32>, vector<16xf32>, vector<16xf32>, vector<16xf32>, vector<16xf32>)  : i32 {
        %mul3A_173 = arith.constant 16 : i32
        %mul3A_174 = arith.muli %scan3A_153, %mul3A_173 : i32
        %get3A = arith.index_cast %mul3A_174 : i32 to index
        %get3A_175 = tpu.vector_load %arg6[%get3A] {strides = array<i32>} : memref<128xi32, #tpu.memory_space<vmem>>, vector<16xi32>,
        %get3A_176 = vector.shape_cast %get3A_175 : vector<16xi32> to vector<16xi32>
        %mul3A_177 = arith.constant 16 : i32
        %mul3A_178 = arith.muli %scan3A_153, %mul3A_177 : i32
        %mul3A_179 = arith.constant 80 : i32
        %mul3A_180 = arith.muli %mul3A_178, %mul3A_179 : i32
        %scan3A_181 = arith.constant 0 : i32
        %scan3A_182 = arith.constant 16 : i32
        %scan3A_183 = arith.addi %scan3A_181, %scan3A_182 : i32
        %scan3A_184 = arith.constant 1 : i32
        %scan3A_185:19 = scf.for %scan3A_187 = %scan3A_181 to %scan3A_183 step %scan3A_184 iter_args(%scan3A_188 = %scan3A_154, %scan3A_189 = %scan3A_155, %scan3A_190 = %scan3A_156, %scan3A_191 = %scan3A_157, %scan3A_192 = %scan3A_158, %scan3A_193 = %scan3A_159, %scan3A_194 = %scan3A_160, %scan3A_195 = %scan3A_161, %scan3A_196 = %scan3A_162, %scan3A_197 = %scan3A_163, %scan3A_198 = %scan3A_164, %scan3A_199 = %scan3A_165, %scan3A_200 = %scan3A_166, %scan3A_201 = %scan3A_167, %scan3A_202 = %scan3A_168, %scan3A_203 = %scan3A_169, %scan3A_204 = %scan3A_170, %scan3A_205 = %scan3A_171, %scan3A_206 = %scan3A_172) -> (vector<16xf32>, vector<16xf32>, vector<16xf32>, vector<16xf32>, vector<16xf32>, vector<16xf32>, vector<16xf32>, vector<16xf32>, vector<16xf32>, vector<16xf32>, vector<16xf32>, vector<16xf32>, vector<16xf32>, vector<16xf32>, vector<16xf32>, vector<16xf32>, vector<16xf32>, vector<16xf32>, vector<16xf32>)  : i32 {
          %broadcast_in_dim3A_207 = arith.constant 0 : i32
          %broadcast_in_dim3A_208 = vector.broadcast %broadcast_in_dim3A_207 : i32 to vector<16xi32>
          %add3A_209 = vector.broadcast %scan3A_187 : i32 to vector<16xi32>
          %add3A_210 = arith.addi %broadcast_in_dim3A_208, %add3A_209 : vector<16xi32>
          %broadcast_in_dim3A_211 = vector.shape_cast %add3A_210 : vector<16xi32> to vector<16x1xi32>
          %gather3A = vector.shape_cast %broadcast_in_dim3A_211 : vector<16x1xi32> to vector<16xi32>
          %gather3A_212 = tpu.dynamic_gather %get3A_176[%gather3A] in [0] : vector<16xi32>, vector<16xi32> -> vector<16xi32>
          %mul3A_213 = arith.constant 80 : i32
          %mul3A_214 = arith.muli %scan3A_187, %mul3A_213 : i32
          %add3A_215 = arith.addi %mul3A_180, %mul3A_214 : i32
          %add3A_216 = arith.constant 0 : i32
          %add3A_217 = arith.addi %add3A_215, %add3A_216 : i32
          %get3A_218 = arith.index_cast %add3A_217 : i32 to index
          %get3A_219 = tpu.vector_load %arg5[%get3A_218] {strides = array<i32>} : memref<10240xf32, #tpu.memory_space<vmem>>, vector<16xf32>,
          %get3A_220 = vector.shape_cast %get3A_219 : vector<16xf32> to vector<16xf32>
          %add3A_221 = arith.constant 0 : i32
          %add3A_222 = vector.broadcast %add3A_221 : i32 to vector<16xi32>
          %add3A_223 = arith.addi %iota3A, %add3A_222 : vector<16xi32>
          %eq3A = arith.cmpi eq, %add3A_223, %gather3A_212 : vector<16xi32>
          %neg3A = arith.constant 0.000000e+00 : f32
          %neg3A_224 = vector.broadcast %neg3A : f32 to vector<16xf32>
          %neg3A_225 = arith.subf %neg3A_224, %get3A_220 : vector<16xf32>
          %select_n3A = arith.select %eq3A, %neg3A_225, %get3A_220 : vector<16xi1>, vector<16xf32>
          %abs3A = math.absf %get3A_220 : vector<16xf32>
          %neg3A_226 = arith.constant 0.000000e+00 : f32
          %neg3A_227 = vector.broadcast %neg3A_226 : f32 to vector<16xf32>
          %neg3A_228 = arith.subf %neg3A_227, %abs3A : vector<16xf32>
          %exp3A = math.exp %neg3A_228 : vector<16xf32>
          %max3A = arith.constant 0.000000e+00 : f32
          %max3A_229 = vector.broadcast %max3A : f32 to vector<16xf32>
          %max3A_230 = arith.maximumf %select_n3A, %max3A_229 : vector<16xf32>
          %mul3A_231 = arith.mulf %exp3A, %exp3A : vector<16xf32>
          %mul3A_232 = arith.mulf %mul3A_231, %mul3A_231 : vector<16xf32>
          %mul3A_233 = arith.constant 0.0101189427 : f32
          %mul3A_234 = vector.broadcast %mul3A_233 : f32 to vector<16xf32>
          %mul3A_235 = arith.mulf %mul3A_234, %exp3A : vector<16xf32>
          %add3A_236 = arith.constant -0.0526241586 : f32
          %add3A_237 = vector.broadcast %add3A_236 : f32 to vector<16xf32>
          %add3A_238 = arith.addf %mul3A_235, %add3A_237 : vector<16xf32>
          %mul3A_239 = arith.mulf %add3A_238, %mul3A_231 : vector<16xf32>
          %mul3A_240 = arith.constant 0.130763739 : f32
          %mul3A_241 = vector.broadcast %mul3A_240 : f32 to vector<16xf32>
          %mul3A_242 = arith.mulf %mul3A_241, %exp3A : vector<16xf32>
          %add3A_243 = arith.constant -0.222835064 : f32
          %add3A_244 = vector.broadcast %add3A_243 : f32 to vector<16xf32>
          %add3A_245 = arith.addf %mul3A_242, %add3A_244 : vector<16xf32>
          %add3A_246 = arith.addf %mul3A_239, %add3A_245 : vector<16xf32>
          %mul3A_247 = arith.constant 0.326972514 : f32
          %mul3A_248 = vector.broadcast %mul3A_247 : f32 to vector<16xf32>
          %mul3A_249 = arith.mulf %mul3A_248, %exp3A : vector<16xf32>
          %add3A_250 = arith.constant -0.499206424 : f32
          %add3A_251 = vector.broadcast %add3A_250 : f32 to vector<16xf32>
          %add3A_252 = arith.addf %mul3A_249, %add3A_251 : vector<16xf32>
          %mul3A_253 = arith.mulf %add3A_252, %mul3A_231 : vector<16xf32>
          %mul3A_254 = arith.constant 0.999957442 : f32
          %mul3A_255 = vector.broadcast %mul3A_254 : f32 to vector<16xf32>
          %mul3A_256 = arith.mulf %mul3A_255, %exp3A : vector<16xf32>
          %add3A_257 = arith.constant 5.6276491E-7 : f32
          %add3A_258 = vector.broadcast %add3A_257 : f32 to vector<16xf32>
          %add3A_259 = arith.addf %mul3A_256, %add3A_258 : vector<16xf32>
          %add3A_260 = arith.addf %mul3A_253, %add3A_259 : vector<16xf32>
          %mul3A_261 = arith.mulf %add3A_246, %mul3A_232 : vector<16xf32>
          %add3A_262 = arith.addf %mul3A_261, %add3A_260 : vector<16xf32>
          %add3A_263 = arith.addf %max3A_230, %add3A_262 : vector<16xf32>
          %ge3A = arith.constant -2.19722462 : f32
          %ge3A_264 = vector.broadcast %ge3A : f32 to vector<16xf32>
          %ge3A_265 = arith.cmpf oge, %select_n3A, %ge3A_264 : vector<16xf32>
          %jit3A = arith.constant 1.000000e+00 : f32
          %jit3A_266 = arith.constant 0.000000e+00 : f32
          %broadcast_in_dim3A_267 = vector.broadcast %jit3A : f32 to vector<16xf32>
          %broadcast_in_dim3A_268 = vector.broadcast %jit3A_266 : f32 to vector<16xf32>
          %select_n3A_269 = arith.select %ge3A_265, %broadcast_in_dim3A_267, %broadcast_in_dim3A_268 : vector<16xi1>, vector<16xf32>
          %ge3A_270 = arith.constant -1.38629436 : f32
          %ge3A_271 = vector.broadcast %ge3A_270 : f32 to vector<16xf32>
          %ge3A_272 = arith.cmpf oge, %select_n3A, %ge3A_271 : vector<16xf32>
          %jit3A_273 = arith.constant 1.000000e+00 : f32
          %jit3A_274 = arith.constant 0.000000e+00 : f32
          %broadcast_in_dim3A_275 = vector.broadcast %jit3A_273 : f32 to vector<16xf32>
          %broadcast_in_dim3A_276 = vector.broadcast %jit3A_274 : f32 to vector<16xf32>
          %select_n3A_277 = arith.select %ge3A_272, %broadcast_in_dim3A_275, %broadcast_in_dim3A_276 : vector<16xi1>, vector<16xf32>
          %ge3A_278 = arith.constant -0.847297787 : f32
          %ge3A_279 = vector.broadcast %ge3A_278 : f32 to vector<16xf32>
          %ge3A_280 = arith.cmpf oge, %select_n3A, %ge3A_279 : vector<16xf32>
          %jit3A_281 = arith.constant 1.000000e+00 : f32
          %jit3A_282 = arith.constant 0.000000e+00 : f32
          %broadcast_in_dim3A_283 = vector.broadcast %jit3A_281 : f32 to vector<16xf32>
          %broadcast_in_dim3A_284 = vector.broadcast %jit3A_282 : f32 to vector<16xf32>
          %select_n3A_285 = arith.select %ge3A_280, %broadcast_in_dim3A_283, %broadcast_in_dim3A_284 : vector<16xi1>, vector<16xf32>
          %ge3A_286 = arith.constant -0.405465096 : f32
          %ge3A_287 = vector.broadcast %ge3A_286 : f32 to vector<16xf32>
          %ge3A_288 = arith.cmpf oge, %select_n3A, %ge3A_287 : vector<16xf32>
          %jit3A_289 = arith.constant 1.000000e+00 : f32
          %jit3A_290 = arith.constant 0.000000e+00 : f32
          %broadcast_in_dim3A_291 = vector.broadcast %jit3A_289 : f32 to vector<16xf32>
          %broadcast_in_dim3A_292 = vector.broadcast %jit3A_290 : f32 to vector<16xf32>
          %select_n3A_293 = arith.select %ge3A_288, %broadcast_in_dim3A_291, %broadcast_in_dim3A_292 : vector<16xi1>, vector<16xf32>
          %ge3A_294 = arith.constant 0.000000e+00 : f32
          %ge3A_295 = vector.broadcast %ge3A_294 : f32 to vector<16xf32>
          %ge3A_296 = arith.cmpf oge, %select_n3A, %ge3A_295 : vector<16xf32>
          %jit3A_297 = arith.constant 1.000000e+00 : f32
          %jit3A_298 = arith.constant 0.000000e+00 : f32
          %broadcast_in_dim3A_299 = vector.broadcast %jit3A_297 : f32 to vector<16xf32>
          %broadcast_in_dim3A_300 = vector.broadcast %jit3A_298 : f32 to vector<16xf32>
          %select_n3A_301 = arith.select %ge3A_296, %broadcast_in_dim3A_299, %broadcast_in_dim3A_300 : vector<16xi1>, vector<16xf32>
          %ge3A_302 = arith.constant 0.405465215 : f32
          %ge3A_303 = vector.broadcast %ge3A_302 : f32 to vector<16xf32>
          %ge3A_304 = arith.cmpf oge, %select_n3A, %ge3A_303 : vector<16xf32>
          %jit3A_305 = arith.constant 1.000000e+00 : f32
          %jit3A_306 = arith.constant 0.000000e+00 : f32
          %broadcast_in_dim3A_307 = vector.broadcast %jit3A_305 : f32 to vector<16xf32>
          %broadcast_in_dim3A_308 = vector.broadcast %jit3A_306 : f32 to vector<16xf32>
          %select_n3A_309 = arith.select %ge3A_304, %broadcast_in_dim3A_307, %broadcast_in_dim3A_308 : vector<16xi1>, vector<16xf32>
          %ge3A_310 = arith.constant 0.847297787 : f32
          %ge3A_311 = vector.broadcast %ge3A_310 : f32 to vector<16xf32>
          %ge3A_312 = arith.cmpf oge, %select_n3A, %ge3A_311 : vector<16xf32>
          %jit3A_313 = arith.constant 1.000000e+00 : f32
          %jit3A_314 = arith.constant 0.000000e+00 : f32
          %broadcast_in_dim3A_315 = vector.broadcast %jit3A_313 : f32 to vector<16xf32>
          %broadcast_in_dim3A_316 = vector.broadcast %jit3A_314 : f32 to vector<16xf32>
          %select_n3A_317 = arith.select %ge3A_312, %broadcast_in_dim3A_315, %broadcast_in_dim3A_316 : vector<16xi1>, vector<16xf32>
          %ge3A_318 = arith.constant 1.38629448 : f32
          %ge3A_319 = vector.broadcast %ge3A_318 : f32 to vector<16xf32>
          %ge3A_320 = arith.cmpf oge, %select_n3A, %ge3A_319 : vector<16xf32>
          %jit3A_321 = arith.constant 1.000000e+00 : f32
          %jit3A_322 = arith.constant 0.000000e+00 : f32
          %broadcast_in_dim3A_323 = vector.broadcast %jit3A_321 : f32 to vector<16xf32>
          %broadcast_in_dim3A_324 = vector.broadcast %jit3A_322 : f32 to vector<16xf32>
          %select_n3A_325 = arith.select %ge3A_320, %broadcast_in_dim3A_323, %broadcast_in_dim3A_324 : vector<16xi1>, vector<16xf32>
          %ge3A_326 = arith.constant 2.19722438 : f32
          %ge3A_327 = vector.broadcast %ge3A_326 : f32 to vector<16xf32>
          %ge3A_328 = arith.cmpf oge, %select_n3A, %ge3A_327 : vector<16xf32>
          %jit3A_329 = arith.constant 1.000000e+00 : f32
          %jit3A_330 = arith.constant 0.000000e+00 : f32
          %broadcast_in_dim3A_331 = vector.broadcast %jit3A_329 : f32 to vector<16xf32>
          %broadcast_in_dim3A_332 = vector.broadcast %jit3A_330 : f32 to vector<16xf32>
          %select_n3A_333 = arith.select %ge3A_328, %broadcast_in_dim3A_331, %broadcast_in_dim3A_332 : vector<16xi1>, vector<16xf32>
          %mul3A_334 = arith.mulf %add3A_263, %select_n3A_269 : vector<16xf32>
          %mul3A_335 = arith.mulf %add3A_263, %select_n3A_277 : vector<16xf32>
          %mul3A_336 = arith.mulf %add3A_263, %select_n3A_285 : vector<16xf32>
          %mul3A_337 = arith.mulf %add3A_263, %select_n3A_293 : vector<16xf32>
          %mul3A_338 = arith.mulf %add3A_263, %select_n3A_301 : vector<16xf32>
          %mul3A_339 = arith.mulf %add3A_263, %select_n3A_309 : vector<16xf32>
          %mul3A_340 = arith.mulf %add3A_263, %select_n3A_317 : vector<16xf32>
          %mul3A_341 = arith.mulf %add3A_263, %select_n3A_325 : vector<16xf32>
          %mul3A_342 = arith.mulf %add3A_263, %select_n3A_333 : vector<16xf32>
          %sub3A = arith.subf %add3A_263, %mul3A_334 : vector<16xf32>
          %add3A_343 = arith.addf %scan3A_188, %sub3A : vector<16xf32>
          %sub3A_344 = arith.subf %mul3A_334, %mul3A_335 : vector<16xf32>
          %add3A_345 = arith.addf %scan3A_189, %sub3A_344 : vector<16xf32>
          %sub3A_346 = arith.subf %mul3A_335, %mul3A_336 : vector<16xf32>
          %add3A_347 = arith.addf %scan3A_190, %sub3A_346 : vector<16xf32>
          %sub3A_348 = arith.subf %mul3A_336, %mul3A_337 : vector<16xf32>
          %add3A_349 = arith.addf %scan3A_191, %sub3A_348 : vector<16xf32>
          %sub3A_350 = arith.subf %mul3A_337, %mul3A_338 : vector<16xf32>
          %add3A_351 = arith.addf %scan3A_192, %sub3A_350 : vector<16xf32>
          %sub3A_352 = arith.subf %mul3A_338, %mul3A_339 : vector<16xf32>
          %add3A_353 = arith.addf %scan3A_193, %sub3A_352 : vector<16xf32>
          %sub3A_354 = arith.subf %mul3A_339, %mul3A_340 : vector<16xf32>
          %add3A_355 = arith.addf %scan3A_194, %sub3A_354 : vector<16xf32>
          %sub3A_356 = arith.subf %mul3A_340, %mul3A_341 : vector<16xf32>
          %add3A_357 = arith.addf %scan3A_195, %sub3A_356 : vector<16xf32>
          %sub3A_358 = arith.subf %mul3A_341, %mul3A_342 : vector<16xf32>
          %add3A_359 = arith.addf %scan3A_196, %sub3A_358 : vector<16xf32>
          %add3A_360 = arith.addf %scan3A_197, %mul3A_342 : vector<16xf32>
          %add3A_361 = arith.addf %scan3A_198, %select_n3A_269 : vector<16xf32>
          %add3A_362 = arith.addf %scan3A_199, %select_n3A_277 : vector<16xf32>
          %add3A_363 = arith.addf %scan3A_200, %select_n3A_285 : vector<16xf32>
          %add3A_364 = arith.addf %scan3A_201, %select_n3A_293 : vector<16xf32>
          %add3A_365 = arith.addf %scan3A_202, %select_n3A_301 : vector<16xf32>
          %add3A_366 = arith.addf %scan3A_203, %select_n3A_309 : vector<16xf32>
          %add3A_367 = arith.addf %scan3A_204, %select_n3A_317 : vector<16xf32>
          %add3A_368 = arith.addf %scan3A_205, %select_n3A_325 : vector<16xf32>
          %add3A_369 = arith.addf %scan3A_206, %select_n3A_333 : vector<16xf32>
          %add3A_370 = arith.constant 16 : i32
          %add3A_371 = arith.addi %add3A_215, %add3A_370 : i32
          %get3A_372 = arith.index_cast %add3A_371 : i32 to index
          %get3A_373 = tpu.vector_load %arg5[%get3A_372] {strides = array<i32>} : memref<10240xf32, #tpu.memory_space<vmem>>, vector<16xf32>,
          %get3A_374 = vector.shape_cast %get3A_373 : vector<16xf32> to vector<16xf32>
          %add3A_375 = arith.constant 16 : i32
          %add3A_376 = vector.broadcast %add3A_375 : i32 to vector<16xi32>
          %add3A_377 = arith.addi %iota3A, %add3A_376 : vector<16xi32>
          %eq3A_378 = arith.cmpi eq, %add3A_377, %gather3A_212 : vector<16xi32>
          %neg3A_379 = arith.constant 0.000000e+00 : f32
          %neg3A_380 = vector.broadcast %neg3A_379 : f32 to vector<16xf32>
          %neg3A_381 = arith.subf %neg3A_380, %get3A_374 : vector<16xf32>
          %select_n3A_382 = arith.select %eq3A_378, %neg3A_381, %get3A_374 : vector<16xi1>, vector<16xf32>
          %abs3A_383 = math.absf %get3A_374 : vector<16xf32>
          %neg3A_384 = arith.constant 0.000000e+00 : f32
          %neg3A_385 = vector.broadcast %neg3A_384 : f32 to vector<16xf32>
          %neg3A_386 = arith.subf %neg3A_385, %abs3A_383 : vector<16xf32>
          %exp3A_387 = math.exp %neg3A_386 : vector<16xf32>
          %max3A_388 = arith.constant 0.000000e+00 : f32
          %max3A_389 = vector.broadcast %max3A_388 : f32 to vector<16xf32>
          %max3A_390 = arith.maximumf %select_n3A_382, %max3A_389 : vector<16xf32>
          %mul3A_391 = arith.mulf %exp3A_387, %exp3A_387 : vector<16xf32>
          %mul3A_392 = arith.mulf %mul3A_391, %mul3A_391 : vector<16xf32>
          %mul3A_393 = arith.constant 0.0101189427 : f32
          %mul3A_394 = vector.broadcast %mul3A_393 : f32 to vector<16xf32>
          %mul3A_395 = arith.mulf %mul3A_394, %exp3A_387 : vector<16xf32>
          %add3A_396 = arith.constant -0.0526241586 : f32
          %add3A_397 = vector.broadcast %add3A_396 : f32 to vector<16xf32>
          %add3A_398 = arith.addf %mul3A_395, %add3A_397 : vector<16xf32>
          %mul3A_399 = arith.mulf %add3A_398, %mul3A_391 : vector<16xf32>
          %mul3A_400 = arith.constant 0.130763739 : f32
          %mul3A_401 = vector.broadcast %mul3A_400 : f32 to vector<16xf32>
          %mul3A_402 = arith.mulf %mul3A_401, %exp3A_387 : vector<16xf32>
          %add3A_403 = arith.constant -0.222835064 : f32
          %add3A_404 = vector.broadcast %add3A_403 : f32 to vector<16xf32>
          %add3A_405 = arith.addf %mul3A_402, %add3A_404 : vector<16xf32>
          %add3A_406 = arith.addf %mul3A_399, %add3A_405 : vector<16xf32>
          %mul3A_407 = arith.constant 0.326972514 : f32
          %mul3A_408 = vector.broadcast %mul3A_407 : f32 to vector<16xf32>
          %mul3A_409 = arith.mulf %mul3A_408, %exp3A_387 : vector<16xf32>
          %add3A_410 = arith.constant -0.499206424 : f32
          %add3A_411 = vector.broadcast %add3A_410 : f32 to vector<16xf32>
          %add3A_412 = arith.addf %mul3A_409, %add3A_411 : vector<16xf32>
          %mul3A_413 = arith.mulf %add3A_412, %mul3A_391 : vector<16xf32>
          %mul3A_414 = arith.constant 0.999957442 : f32
          %mul3A_415 = vector.broadcast %mul3A_414 : f32 to vector<16xf32>
          %mul3A_416 = arith.mulf %mul3A_415, %exp3A_387 : vector<16xf32>
          %add3A_417 = arith.constant 5.6276491E-7 : f32
          %add3A_418 = vector.broadcast %add3A_417 : f32 to vector<16xf32>
          %add3A_419 = arith.addf %mul3A_416, %add3A_418 : vector<16xf32>
          %add3A_420 = arith.addf %mul3A_413, %add3A_419 : vector<16xf32>
          %mul3A_421 = arith.mulf %add3A_406, %mul3A_392 : vector<16xf32>
          %add3A_422 = arith.addf %mul3A_421, %add3A_420 : vector<16xf32>
          %add3A_423 = arith.addf %max3A_390, %add3A_422 : vector<16xf32>
          %ge3A_424 = arith.constant -2.19722462 : f32
          %ge3A_425 = vector.broadcast %ge3A_424 : f32 to vector<16xf32>
          %ge3A_426 = arith.cmpf oge, %select_n3A_382, %ge3A_425 : vector<16xf32>
          %jit3A_427 = arith.constant 1.000000e+00 : f32
          %jit3A_428 = arith.constant 0.000000e+00 : f32
          %broadcast_in_dim3A_429 = vector.broadcast %jit3A_427 : f32 to vector<16xf32>
          %broadcast_in_dim3A_430 = vector.broadcast %jit3A_428 : f32 to vector<16xf32>
          %select_n3A_431 = arith.select %ge3A_426, %broadcast_in_dim3A_429, %broadcast_in_dim3A_430 : vector<16xi1>, vector<16xf32>
          %ge3A_432 = arith.constant -1.38629436 : f32
          %ge3A_433 = vector.broadcast %ge3A_432 : f32 to vector<16xf32>
          %ge3A_434 = arith.cmpf oge, %select_n3A_382, %ge3A_433 : vector<16xf32>
          %jit3A_435 = arith.constant 1.000000e+00 : f32
          %jit3A_436 = arith.constant 0.000000e+00 : f32
          %broadcast_in_dim3A_437 = vector.broadcast %jit3A_435 : f32 to vector<16xf32>
          %broadcast_in_dim3A_438 = vector.broadcast %jit3A_436 : f32 to vector<16xf32>
          %select_n3A_439 = arith.select %ge3A_434, %broadcast_in_dim3A_437, %broadcast_in_dim3A_438 : vector<16xi1>, vector<16xf32>
          %ge3A_440 = arith.constant -0.847297787 : f32
          %ge3A_441 = vector.broadcast %ge3A_440 : f32 to vector<16xf32>
          %ge3A_442 = arith.cmpf oge, %select_n3A_382, %ge3A_441 : vector<16xf32>
          %jit3A_443 = arith.constant 1.000000e+00 : f32
          %jit3A_444 = arith.constant 0.000000e+00 : f32
          %broadcast_in_dim3A_445 = vector.broadcast %jit3A_443 : f32 to vector<16xf32>
          %broadcast_in_dim3A_446 = vector.broadcast %jit3A_444 : f32 to vector<16xf32>
          %select_n3A_447 = arith.select %ge3A_442, %broadcast_in_dim3A_445, %broadcast_in_dim3A_446 : vector<16xi1>, vector<16xf32>
          %ge3A_448 = arith.constant -0.405465096 : f32
          %ge3A_449 = vector.broadcast %ge3A_448 : f32 to vector<16xf32>
          %ge3A_450 = arith.cmpf oge, %select_n3A_382, %ge3A_449 : vector<16xf32>
          %jit3A_451 = arith.constant 1.000000e+00 : f32
          %jit3A_452 = arith.constant 0.000000e+00 : f32
          %broadcast_in_dim3A_453 = vector.broadcast %jit3A_451 : f32 to vector<16xf32>
          %broadcast_in_dim3A_454 = vector.broadcast %jit3A_452 : f32 to vector<16xf32>
          %select_n3A_455 = arith.select %ge3A_450, %broadcast_in_dim3A_453, %broadcast_in_dim3A_454 : vector<16xi1>, vector<16xf32>
          %ge3A_456 = arith.constant 0.000000e+00 : f32
          %ge3A_457 = vector.broadcast %ge3A_456 : f32 to vector<16xf32>
          %ge3A_458 = arith.cmpf oge, %select_n3A_382, %ge3A_457 : vector<16xf32>
          %jit3A_459 = arith.constant 1.000000e+00 : f32
          %jit3A_460 = arith.constant 0.000000e+00 : f32
          %broadcast_in_dim3A_461 = vector.broadcast %jit3A_459 : f32 to vector<16xf32>
          %broadcast_in_dim3A_462 = vector.broadcast %jit3A_460 : f32 to vector<16xf32>
          %select_n3A_463 = arith.select %ge3A_458, %broadcast_in_dim3A_461, %broadcast_in_dim3A_462 : vector<16xi1>, vector<16xf32>
          %ge3A_464 = arith.constant 0.405465215 : f32
          %ge3A_465 = vector.broadcast %ge3A_464 : f32 to vector<16xf32>
          %ge3A_466 = arith.cmpf oge, %select_n3A_382, %ge3A_465 : vector<16xf32>
          %jit3A_467 = arith.constant 1.000000e+00 : f32
          %jit3A_468 = arith.constant 0.000000e+00 : f32
          %broadcast_in_dim3A_469 = vector.broadcast %jit3A_467 : f32 to vector<16xf32>
          %broadcast_in_dim3A_470 = vector.broadcast %jit3A_468 : f32 to vector<16xf32>
          %select_n3A_471 = arith.select %ge3A_466, %broadcast_in_dim3A_469, %broadcast_in_dim3A_470 : vector<16xi1>, vector<16xf32>
          %ge3A_472 = arith.constant 0.847297787 : f32
          %ge3A_473 = vector.broadcast %ge3A_472 : f32 to vector<16xf32>
          %ge3A_474 = arith.cmpf oge, %select_n3A_382, %ge3A_473 : vector<16xf32>
          %jit3A_475 = arith.constant 1.000000e+00 : f32
          %jit3A_476 = arith.constant 0.000000e+00 : f32
          %broadcast_in_dim3A_477 = vector.broadcast %jit3A_475 : f32 to vector<16xf32>
          %broadcast_in_dim3A_478 = vector.broadcast %jit3A_476 : f32 to vector<16xf32>
          %select_n3A_479 = arith.select %ge3A_474, %broadcast_in_dim3A_477, %broadcast_in_dim3A_478 : vector<16xi1>, vector<16xf32>
          %ge3A_480 = arith.constant 1.38629448 : f32
          %ge3A_481 = vector.broadcast %ge3A_480 : f32 to vector<16xf32>
          %ge3A_482 = arith.cmpf oge, %select_n3A_382, %ge3A_481 : vector<16xf32>
          %jit3A_483 = arith.constant 1.000000e+00 : f32
          %jit3A_484 = arith.constant 0.000000e+00 : f32
          %broadcast_in_dim3A_485 = vector.broadcast %jit3A_483 : f32 to vector<16xf32>
          %broadcast_in_dim3A_486 = vector.broadcast %jit3A_484 : f32 to vector<16xf32>
          %select_n3A_487 = arith.select %ge3A_482, %broadcast_in_dim3A_485, %broadcast_in_dim3A_486 : vector<16xi1>, vector<16xf32>
          %ge3A_488 = arith.constant 2.19722438 : f32
          %ge3A_489 = vector.broadcast %ge3A_488 : f32 to vector<16xf32>
          %ge3A_490 = arith.cmpf oge, %select_n3A_382, %ge3A_489 : vector<16xf32>
          %jit3A_491 = arith.constant 1.000000e+00 : f32
          %jit3A_492 = arith.constant 0.000000e+00 : f32
          %broadcast_in_dim3A_493 = vector.broadcast %jit3A_491 : f32 to vector<16xf32>
          %broadcast_in_dim3A_494 = vector.broadcast %jit3A_492 : f32 to vector<16xf32>
          %select_n3A_495 = arith.select %ge3A_490, %broadcast_in_dim3A_493, %broadcast_in_dim3A_494 : vector<16xi1>, vector<16xf32>
          %mul3A_496 = arith.mulf %add3A_423, %select_n3A_431 : vector<16xf32>
          %mul3A_497 = arith.mulf %add3A_423, %select_n3A_439 : vector<16xf32>
          %mul3A_498 = arith.mulf %add3A_423, %select_n3A_447 : vector<16xf32>
          %mul3A_499 = arith.mulf %add3A_423, %select_n3A_455 : vector<16xf32>
          %mul3A_500 = arith.mulf %add3A_423, %select_n3A_463 : vector<16xf32>
          %mul3A_501 = arith.mulf %add3A_423, %select_n3A_471 : vector<16xf32>
          %mul3A_502 = arith.mulf %add3A_423, %select_n3A_479 : vector<16xf32>
          %mul3A_503 = arith.mulf %add3A_423, %select_n3A_487 : vector<16xf32>
          %mul3A_504 = arith.mulf %add3A_423, %select_n3A_495 : vector<16xf32>
          %sub3A_505 = arith.subf %add3A_423, %mul3A_496 : vector<16xf32>
          %add3A_506 = arith.addf %add3A_343, %sub3A_505 : vector<16xf32>
          %sub3A_507 = arith.subf %mul3A_496, %mul3A_497 : vector<16xf32>
          %add3A_508 = arith.addf %add3A_345, %sub3A_507 : vector<16xf32>
          %sub3A_509 = arith.subf %mul3A_497, %mul3A_498 : vector<16xf32>
          %add3A_510 = arith.addf %add3A_347, %sub3A_509 : vector<16xf32>
          %sub3A_511 = arith.subf %mul3A_498, %mul3A_499 : vector<16xf32>
          %add3A_512 = arith.addf %add3A_349, %sub3A_511 : vector<16xf32>
          %sub3A_513 = arith.subf %mul3A_499, %mul3A_500 : vector<16xf32>
          %add3A_514 = arith.addf %add3A_351, %sub3A_513 : vector<16xf32>
          %sub3A_515 = arith.subf %mul3A_500, %mul3A_501 : vector<16xf32>
          %add3A_516 = arith.addf %add3A_353, %sub3A_515 : vector<16xf32>
          %sub3A_517 = arith.subf %mul3A_501, %mul3A_502 : vector<16xf32>
          %add3A_518 = arith.addf %add3A_355, %sub3A_517 : vector<16xf32>
          %sub3A_519 = arith.subf %mul3A_502, %mul3A_503 : vector<16xf32>
          %add3A_520 = arith.addf %add3A_357, %sub3A_519 : vector<16xf32>
          %sub3A_521 = arith.subf %mul3A_503, %mul3A_504 : vector<16xf32>
          %add3A_522 = arith.addf %add3A_359, %sub3A_521 : vector<16xf32>
          %add3A_523 = arith.addf %add3A_360, %mul3A_504 : vector<16xf32>
          %add3A_524 = arith.addf %add3A_361, %select_n3A_431 : vector<16xf32>
          %add3A_525 = arith.addf %add3A_362, %select_n3A_439 : vector<16xf32>
          %add3A_526 = arith.addf %add3A_363, %select_n3A_447 : vector<16xf32>
          %add3A_527 = arith.addf %add3A_364, %select_n3A_455 : vector<16xf32>
          %add3A_528 = arith.addf %add3A_365, %select_n3A_463 : vector<16xf32>
          %add3A_529 = arith.addf %add3A_366, %select_n3A_471 : vector<16xf32>
          %add3A_530 = arith.addf %add3A_367, %select_n3A_479 : vector<16xf32>
          %add3A_531 = arith.addf %add3A_368, %select_n3A_487 : vector<16xf32>
          %add3A_532 = arith.addf %add3A_369, %select_n3A_495 : vector<16xf32>
          %add3A_533 = arith.constant 32 : i32
          %add3A_534 = arith.addi %add3A_215, %add3A_533 : i32
          %get3A_535 = arith.index_cast %add3A_534 : i32 to index
          %get3A_536 = tpu.vector_load %arg5[%get3A_535] {strides = array<i32>} : memref<10240xf32, #tpu.memory_space<vmem>>, vector<16xf32>,
          %get3A_537 = vector.shape_cast %get3A_536 : vector<16xf32> to vector<16xf32>
          %add3A_538 = arith.constant 32 : i32
          %add3A_539 = vector.broadcast %add3A_538 : i32 to vector<16xi32>
          %add3A_540 = arith.addi %iota3A, %add3A_539 : vector<16xi32>
          %eq3A_541 = arith.cmpi eq, %add3A_540, %gather3A_212 : vector<16xi32>
          %neg3A_542 = arith.constant 0.000000e+00 : f32
          %neg3A_543 = vector.broadcast %neg3A_542 : f32 to vector<16xf32>
          %neg3A_544 = arith.subf %neg3A_543, %get3A_537 : vector<16xf32>
          %select_n3A_545 = arith.select %eq3A_541, %neg3A_544, %get3A_537 : vector<16xi1>, vector<16xf32>
          %abs3A_546 = math.absf %get3A_537 : vector<16xf32>
          %neg3A_547 = arith.constant 0.000000e+00 : f32
          %neg3A_548 = vector.broadcast %neg3A_547 : f32 to vector<16xf32>
          %neg3A_549 = arith.subf %neg3A_548, %abs3A_546 : vector<16xf32>
          %exp3A_550 = math.exp %neg3A_549 : vector<16xf32>
          %max3A_551 = arith.constant 0.000000e+00 : f32
          %max3A_552 = vector.broadcast %max3A_551 : f32 to vector<16xf32>
          %max3A_553 = arith.maximumf %select_n3A_545, %max3A_552 : vector<16xf32>
          %mul3A_554 = arith.mulf %exp3A_550, %exp3A_550 : vector<16xf32>
          %mul3A_555 = arith.mulf %mul3A_554, %mul3A_554 : vector<16xf32>
          %mul3A_556 = arith.constant 0.0101189427 : f32
          %mul3A_557 = vector.broadcast %mul3A_556 : f32 to vector<16xf32>
          %mul3A_558 = arith.mulf %mul3A_557, %exp3A_550 : vector<16xf32>
          %add3A_559 = arith.constant -0.0526241586 : f32
          %add3A_560 = vector.broadcast %add3A_559 : f32 to vector<16xf32>
          %add3A_561 = arith.addf %mul3A_558, %add3A_560 : vector<16xf32>
          %mul3A_562 = arith.mulf %add3A_561, %mul3A_554 : vector<16xf32>
          %mul3A_563 = arith.constant 0.130763739 : f32
          %mul3A_564 = vector.broadcast %mul3A_563 : f32 to vector<16xf32>
          %mul3A_565 = arith.mulf %mul3A_564, %exp3A_550 : vector<16xf32>
          %add3A_566 = arith.constant -0.222835064 : f32
          %add3A_567 = vector.broadcast %add3A_566 : f32 to vector<16xf32>
          %add3A_568 = arith.addf %mul3A_565, %add3A_567 : vector<16xf32>
          %add3A_569 = arith.addf %mul3A_562, %add3A_568 : vector<16xf32>
          %mul3A_570 = arith.constant 0.326972514 : f32
          %mul3A_571 = vector.broadcast %mul3A_570 : f32 to vector<16xf32>
          %mul3A_572 = arith.mulf %mul3A_571, %exp3A_550 : vector<16xf32>
          %add3A_573 = arith.constant -0.499206424 : f32
          %add3A_574 = vector.broadcast %add3A_573 : f32 to vector<16xf32>
          %add3A_575 = arith.addf %mul3A_572, %add3A_574 : vector<16xf32>
          %mul3A_576 = arith.mulf %add3A_575, %mul3A_554 : vector<16xf32>
          %mul3A_577 = arith.constant 0.999957442 : f32
          %mul3A_578 = vector.broadcast %mul3A_577 : f32 to vector<16xf32>
          %mul3A_579 = arith.mulf %mul3A_578, %exp3A_550 : vector<16xf32>
          %add3A_580 = arith.constant 5.6276491E-7 : f32
          %add3A_581 = vector.broadcast %add3A_580 : f32 to vector<16xf32>
          %add3A_582 = arith.addf %mul3A_579, %add3A_581 : vector<16xf32>
          %add3A_583 = arith.addf %mul3A_576, %add3A_582 : vector<16xf32>
          %mul3A_584 = arith.mulf %add3A_569, %mul3A_555 : vector<16xf32>
          %add3A_585 = arith.addf %mul3A_584, %add3A_583 : vector<16xf32>
          %add3A_586 = arith.addf %max3A_553, %add3A_585 : vector<16xf32>
          %ge3A_587 = arith.constant -2.19722462 : f32
          %ge3A_588 = vector.broadcast %ge3A_587 : f32 to vector<16xf32>
          %ge3A_589 = arith.cmpf oge, %select_n3A_545, %ge3A_588 : vector<16xf32>
          %jit3A_590 = arith.constant 1.000000e+00 : f32
          %jit3A_591 = arith.constant 0.000000e+00 : f32
          %broadcast_in_dim3A_592 = vector.broadcast %jit3A_590 : f32 to vector<16xf32>
          %broadcast_in_dim3A_593 = vector.broadcast %jit3A_591 : f32 to vector<16xf32>
          %select_n3A_594 = arith.select %ge3A_589, %broadcast_in_dim3A_592, %broadcast_in_dim3A_593 : vector<16xi1>, vector<16xf32>
          %ge3A_595 = arith.constant -1.38629436 : f32
          %ge3A_596 = vector.broadcast %ge3A_595 : f32 to vector<16xf32>
          %ge3A_597 = arith.cmpf oge, %select_n3A_545, %ge3A_596 : vector<16xf32>
          %jit3A_598 = arith.constant 1.000000e+00 : f32
          %jit3A_599 = arith.constant 0.000000e+00 : f32
          %broadcast_in_dim3A_600 = vector.broadcast %jit3A_598 : f32 to vector<16xf32>
          %broadcast_in_dim3A_601 = vector.broadcast %jit3A_599 : f32 to vector<16xf32>
          %select_n3A_602 = arith.select %ge3A_597, %broadcast_in_dim3A_600, %broadcast_in_dim3A_601 : vector<16xi1>, vector<16xf32>
          %ge3A_603 = arith.constant -0.847297787 : f32
          %ge3A_604 = vector.broadcast %ge3A_603 : f32 to vector<16xf32>
          %ge3A_605 = arith.cmpf oge, %select_n3A_545, %ge3A_604 : vector<16xf32>
          %jit3A_606 = arith.constant 1.000000e+00 : f32
          %jit3A_607 = arith.constant 0.000000e+00 : f32
          %broadcast_in_dim3A_608 = vector.broadcast %jit3A_606 : f32 to vector<16xf32>
          %broadcast_in_dim3A_609 = vector.broadcast %jit3A_607 : f32 to vector<16xf32>
          %select_n3A_610 = arith.select %ge3A_605, %broadcast_in_dim3A_608, %broadcast_in_dim3A_609 : vector<16xi1>, vector<16xf32>
          %ge3A_611 = arith.constant -0.405465096 : f32
          %ge3A_612 = vector.broadcast %ge3A_611 : f32 to vector<16xf32>
          %ge3A_613 = arith.cmpf oge, %select_n3A_545, %ge3A_612 : vector<16xf32>
          %jit3A_614 = arith.constant 1.000000e+00 : f32
          %jit3A_615 = arith.constant 0.000000e+00 : f32
          %broadcast_in_dim3A_616 = vector.broadcast %jit3A_614 : f32 to vector<16xf32>
          %broadcast_in_dim3A_617 = vector.broadcast %jit3A_615 : f32 to vector<16xf32>
          %select_n3A_618 = arith.select %ge3A_613, %broadcast_in_dim3A_616, %broadcast_in_dim3A_617 : vector<16xi1>, vector<16xf32>
          %ge3A_619 = arith.constant 0.000000e+00 : f32
          %ge3A_620 = vector.broadcast %ge3A_619 : f32 to vector<16xf32>
          %ge3A_621 = arith.cmpf oge, %select_n3A_545, %ge3A_620 : vector<16xf32>
          %jit3A_622 = arith.constant 1.000000e+00 : f32
          %jit3A_623 = arith.constant 0.000000e+00 : f32
          %broadcast_in_dim3A_624 = vector.broadcast %jit3A_622 : f32 to vector<16xf32>
          %broadcast_in_dim3A_625 = vector.broadcast %jit3A_623 : f32 to vector<16xf32>
          %select_n3A_626 = arith.select %ge3A_621, %broadcast_in_dim3A_624, %broadcast_in_dim3A_625 : vector<16xi1>, vector<16xf32>
          %ge3A_627 = arith.constant 0.405465215 : f32
          %ge3A_628 = vector.broadcast %ge3A_627 : f32 to vector<16xf32>
          %ge3A_629 = arith.cmpf oge, %select_n3A_545, %ge3A_628 : vector<16xf32>
          %jit3A_630 = arith.constant 1.000000e+00 : f32
          %jit3A_631 = arith.constant 0.000000e+00 : f32
          %broadcast_in_dim3A_632 = vector.broadcast %jit3A_630 : f32 to vector<16xf32>
          %broadcast_in_dim3A_633 = vector.broadcast %jit3A_631 : f32 to vector<16xf32>
          %select_n3A_634 = arith.select %ge3A_629, %broadcast_in_dim3A_632, %broadcast_in_dim3A_633 : vector<16xi1>, vector<16xf32>
          %ge3A_635 = arith.constant 0.847297787 : f32
          %ge3A_636 = vector.broadcast %ge3A_635 : f32 to vector<16xf32>
          %ge3A_637 = arith.cmpf oge, %select_n3A_545, %ge3A_636 : vector<16xf32>
          %jit3A_638 = arith.constant 1.000000e+00 : f32
          %jit3A_639 = arith.constant 0.000000e+00 : f32
          %broadcast_in_dim3A_640 = vector.broadcast %jit3A_638 : f32 to vector<16xf32>
          %broadcast_in_dim3A_641 = vector.broadcast %jit3A_639 : f32 to vector<16xf32>
          %select_n3A_642 = arith.select %ge3A_637, %broadcast_in_dim3A_640, %broadcast_in_dim3A_641 : vector<16xi1>, vector<16xf32>
          %ge3A_643 = arith.constant 1.38629448 : f32
          %ge3A_644 = vector.broadcast %ge3A_643 : f32 to vector<16xf32>
          %ge3A_645 = arith.cmpf oge, %select_n3A_545, %ge3A_644 : vector<16xf32>
          %jit3A_646 = arith.constant 1.000000e+00 : f32
          %jit3A_647 = arith.constant 0.000000e+00 : f32
          %broadcast_in_dim3A_648 = vector.broadcast %jit3A_646 : f32 to vector<16xf32>
          %broadcast_in_dim3A_649 = vector.broadcast %jit3A_647 : f32 to vector<16xf32>
          %select_n3A_650 = arith.select %ge3A_645, %broadcast_in_dim3A_648, %broadcast_in_dim3A_649 : vector<16xi1>, vector<16xf32>
          %ge3A_651 = arith.constant 2.19722438 : f32
          %ge3A_652 = vector.broadcast %ge3A_651 : f32 to vector<16xf32>
          %ge3A_653 = arith.cmpf oge, %select_n3A_545, %ge3A_652 : vector<16xf32>
          %jit3A_654 = arith.constant 1.000000e+00 : f32
          %jit3A_655 = arith.constant 0.000000e+00 : f32
          %broadcast_in_dim3A_656 = vector.broadcast %jit3A_654 : f32 to vector<16xf32>
          %broadcast_in_dim3A_657 = vector.broadcast %jit3A_655 : f32 to vector<16xf32>
          %select_n3A_658 = arith.select %ge3A_653, %broadcast_in_dim3A_656, %broadcast_in_dim3A_657 : vector<16xi1>, vector<16xf32>
          %mul3A_659 = arith.mulf %add3A_586, %select_n3A_594 : vector<16xf32>
          %mul3A_660 = arith.mulf %add3A_586, %select_n3A_602 : vector<16xf32>
          %mul3A_661 = arith.mulf %add3A_586, %select_n3A_610 : vector<16xf32>
          %mul3A_662 = arith.mulf %add3A_586, %select_n3A_618 : vector<16xf32>
          %mul3A_663 = arith.mulf %add3A_586, %select_n3A_626 : vector<16xf32>
          %mul3A_664 = arith.mulf %add3A_586, %select_n3A_634 : vector<16xf32>
          %mul3A_665 = arith.mulf %add3A_586, %select_n3A_642 : vector<16xf32>
          %mul3A_666 = arith.mulf %add3A_586, %select_n3A_650 : vector<16xf32>
          %mul3A_667 = arith.mulf %add3A_586, %select_n3A_658 : vector<16xf32>
          %sub3A_668 = arith.subf %add3A_586, %mul3A_659 : vector<16xf32>
          %add3A_669 = arith.addf %add3A_506, %sub3A_668 : vector<16xf32>
          %sub3A_670 = arith.subf %mul3A_659, %mul3A_660 : vector<16xf32>
          %add3A_671 = arith.addf %add3A_508, %sub3A_670 : vector<16xf32>
          %sub3A_672 = arith.subf %mul3A_660, %mul3A_661 : vector<16xf32>
          %add3A_673 = arith.addf %add3A_510, %sub3A_672 : vector<16xf32>
          %sub3A_674 = arith.subf %mul3A_661, %mul3A_662 : vector<16xf32>
          %add3A_675 = arith.addf %add3A_512, %sub3A_674 : vector<16xf32>
          %sub3A_676 = arith.subf %mul3A_662, %mul3A_663 : vector<16xf32>
          %add3A_677 = arith.addf %add3A_514, %sub3A_676 : vector<16xf32>
          %sub3A_678 = arith.subf %mul3A_663, %mul3A_664 : vector<16xf32>
          %add3A_679 = arith.addf %add3A_516, %sub3A_678 : vector<16xf32>
          %sub3A_680 = arith.subf %mul3A_664, %mul3A_665 : vector<16xf32>
          %add3A_681 = arith.addf %add3A_518, %sub3A_680 : vector<16xf32>
          %sub3A_682 = arith.subf %mul3A_665, %mul3A_666 : vector<16xf32>
          %add3A_683 = arith.addf %add3A_520, %sub3A_682 : vector<16xf32>
          %sub3A_684 = arith.subf %mul3A_666, %mul3A_667 : vector<16xf32>
          %add3A_685 = arith.addf %add3A_522, %sub3A_684 : vector<16xf32>
          %add3A_686 = arith.addf %add3A_523, %mul3A_667 : vector<16xf32>
          %add3A_687 = arith.addf %add3A_524, %select_n3A_594 : vector<16xf32>
          %add3A_688 = arith.addf %add3A_525, %select_n3A_602 : vector<16xf32>
          %add3A_689 = arith.addf %add3A_526, %select_n3A_610 : vector<16xf32>
          %add3A_690 = arith.addf %add3A_527, %select_n3A_618 : vector<16xf32>
          %add3A_691 = arith.addf %add3A_528, %select_n3A_626 : vector<16xf32>
          %add3A_692 = arith.addf %add3A_529, %select_n3A_634 : vector<16xf32>
          %add3A_693 = arith.addf %add3A_530, %select_n3A_642 : vector<16xf32>
          %add3A_694 = arith.addf %add3A_531, %select_n3A_650 : vector<16xf32>
          %add3A_695 = arith.addf %add3A_532, %select_n3A_658 : vector<16xf32>
          %add3A_696 = arith.constant 48 : i32
          %add3A_697 = arith.addi %add3A_215, %add3A_696 : i32
          %get3A_698 = arith.index_cast %add3A_697 : i32 to index
          %get3A_699 = tpu.vector_load %arg5[%get3A_698] {strides = array<i32>} : memref<10240xf32, #tpu.memory_space<vmem>>, vector<16xf32>,
          %get3A_700 = vector.shape_cast %get3A_699 : vector<16xf32> to vector<16xf32>
          %add3A_701 = arith.constant 48 : i32
          %add3A_702 = vector.broadcast %add3A_701 : i32 to vector<16xi32>
          %add3A_703 = arith.addi %iota3A, %add3A_702 : vector<16xi32>
          %eq3A_704 = arith.cmpi eq, %add3A_703, %gather3A_212 : vector<16xi32>
          %neg3A_705 = arith.constant 0.000000e+00 : f32
          %neg3A_706 = vector.broadcast %neg3A_705 : f32 to vector<16xf32>
          %neg3A_707 = arith.subf %neg3A_706, %get3A_700 : vector<16xf32>
          %select_n3A_708 = arith.select %eq3A_704, %neg3A_707, %get3A_700 : vector<16xi1>, vector<16xf32>
          %abs3A_709 = math.absf %get3A_700 : vector<16xf32>
          %neg3A_710 = arith.constant 0.000000e+00 : f32
          %neg3A_711 = vector.broadcast %neg3A_710 : f32 to vector<16xf32>
          %neg3A_712 = arith.subf %neg3A_711, %abs3A_709 : vector<16xf32>
          %exp3A_713 = math.exp %neg3A_712 : vector<16xf32>
          %max3A_714 = arith.constant 0.000000e+00 : f32
          %max3A_715 = vector.broadcast %max3A_714 : f32 to vector<16xf32>
          %max3A_716 = arith.maximumf %select_n3A_708, %max3A_715 : vector<16xf32>
          %mul3A_717 = arith.mulf %exp3A_713, %exp3A_713 : vector<16xf32>
          %mul3A_718 = arith.mulf %mul3A_717, %mul3A_717 : vector<16xf32>
          %mul3A_719 = arith.constant 0.0101189427 : f32
          %mul3A_720 = vector.broadcast %mul3A_719 : f32 to vector<16xf32>
          %mul3A_721 = arith.mulf %mul3A_720, %exp3A_713 : vector<16xf32>
          %add3A_722 = arith.constant -0.0526241586 : f32
          %add3A_723 = vector.broadcast %add3A_722 : f32 to vector<16xf32>
          %add3A_724 = arith.addf %mul3A_721, %add3A_723 : vector<16xf32>
          %mul3A_725 = arith.mulf %add3A_724, %mul3A_717 : vector<16xf32>
          %mul3A_726 = arith.constant 0.130763739 : f32
          %mul3A_727 = vector.broadcast %mul3A_726 : f32 to vector<16xf32>
          %mul3A_728 = arith.mulf %mul3A_727, %exp3A_713 : vector<16xf32>
          %add3A_729 = arith.constant -0.222835064 : f32
          %add3A_730 = vector.broadcast %add3A_729 : f32 to vector<16xf32>
          %add3A_731 = arith.addf %mul3A_728, %add3A_730 : vector<16xf32>
          %add3A_732 = arith.addf %mul3A_725, %add3A_731 : vector<16xf32>
          %mul3A_733 = arith.constant 0.326972514 : f32
          %mul3A_734 = vector.broadcast %mul3A_733 : f32 to vector<16xf32>
          %mul3A_735 = arith.mulf %mul3A_734, %exp3A_713 : vector<16xf32>
          %add3A_736 = arith.constant -0.499206424 : f32
          %add3A_737 = vector.broadcast %add3A_736 : f32 to vector<16xf32>
          %add3A_738 = arith.addf %mul3A_735, %add3A_737 : vector<16xf32>
          %mul3A_739 = arith.mulf %add3A_738, %mul3A_717 : vector<16xf32>
          %mul3A_740 = arith.constant 0.999957442 : f32
          %mul3A_741 = vector.broadcast %mul3A_740 : f32 to vector<16xf32>
          %mul3A_742 = arith.mulf %mul3A_741, %exp3A_713 : vector<16xf32>
          %add3A_743 = arith.constant 5.6276491E-7 : f32
          %add3A_744 = vector.broadcast %add3A_743 : f32 to vector<16xf32>
          %add3A_745 = arith.addf %mul3A_742, %add3A_744 : vector<16xf32>
          %add3A_746 = arith.addf %mul3A_739, %add3A_745 : vector<16xf32>
          %mul3A_747 = arith.mulf %add3A_732, %mul3A_718 : vector<16xf32>
          %add3A_748 = arith.addf %mul3A_747, %add3A_746 : vector<16xf32>
          %add3A_749 = arith.addf %max3A_716, %add3A_748 : vector<16xf32>
          %ge3A_750 = arith.constant -2.19722462 : f32
          %ge3A_751 = vector.broadcast %ge3A_750 : f32 to vector<16xf32>
          %ge3A_752 = arith.cmpf oge, %select_n3A_708, %ge3A_751 : vector<16xf32>
          %jit3A_753 = arith.constant 1.000000e+00 : f32
          %jit3A_754 = arith.constant 0.000000e+00 : f32
          %broadcast_in_dim3A_755 = vector.broadcast %jit3A_753 : f32 to vector<16xf32>
          %broadcast_in_dim3A_756 = vector.broadcast %jit3A_754 : f32 to vector<16xf32>
          %select_n3A_757 = arith.select %ge3A_752, %broadcast_in_dim3A_755, %broadcast_in_dim3A_756 : vector<16xi1>, vector<16xf32>
          %ge3A_758 = arith.constant -1.38629436 : f32
          %ge3A_759 = vector.broadcast %ge3A_758 : f32 to vector<16xf32>
          %ge3A_760 = arith.cmpf oge, %select_n3A_708, %ge3A_759 : vector<16xf32>
          %jit3A_761 = arith.constant 1.000000e+00 : f32
          %jit3A_762 = arith.constant 0.000000e+00 : f32
          %broadcast_in_dim3A_763 = vector.broadcast %jit3A_761 : f32 to vector<16xf32>
          %broadcast_in_dim3A_764 = vector.broadcast %jit3A_762 : f32 to vector<16xf32>
          %select_n3A_765 = arith.select %ge3A_760, %broadcast_in_dim3A_763, %broadcast_in_dim3A_764 : vector<16xi1>, vector<16xf32>
          %ge3A_766 = arith.constant -0.847297787 : f32
          %ge3A_767 = vector.broadcast %ge3A_766 : f32 to vector<16xf32>
          %ge3A_768 = arith.cmpf oge, %select_n3A_708, %ge3A_767 : vector<16xf32>
          %jit3A_769 = arith.constant 1.000000e+00 : f32
          %jit3A_770 = arith.constant 0.000000e+00 : f32
          %broadcast_in_dim3A_771 = vector.broadcast %jit3A_769 : f32 to vector<16xf32>
          %broadcast_in_dim3A_772 = vector.broadcast %jit3A_770 : f32 to vector<16xf32>
          %select_n3A_773 = arith.select %ge3A_768, %broadcast_in_dim3A_771, %broadcast_in_dim3A_772 : vector<16xi1>, vector<16xf32>
          %ge3A_774 = arith.constant -0.405465096 : f32
          %ge3A_775 = vector.broadcast %ge3A_774 : f32 to vector<16xf32>
          %ge3A_776 = arith.cmpf oge, %select_n3A_708, %ge3A_775 : vector<16xf32>
          %jit3A_777 = arith.constant 1.000000e+00 : f32
          %jit3A_778 = arith.constant 0.000000e+00 : f32
          %broadcast_in_dim3A_779 = vector.broadcast %jit3A_777 : f32 to vector<16xf32>
          %broadcast_in_dim3A_780 = vector.broadcast %jit3A_778 : f32 to vector<16xf32>
          %select_n3A_781 = arith.select %ge3A_776, %broadcast_in_dim3A_779, %broadcast_in_dim3A_780 : vector<16xi1>, vector<16xf32>
          %ge3A_782 = arith.constant 0.000000e+00 : f32
          %ge3A_783 = vector.broadcast %ge3A_782 : f32 to vector<16xf32>
          %ge3A_784 = arith.cmpf oge, %select_n3A_708, %ge3A_783 : vector<16xf32>
          %jit3A_785 = arith.constant 1.000000e+00 : f32
          %jit3A_786 = arith.constant 0.000000e+00 : f32
          %broadcast_in_dim3A_787 = vector.broadcast %jit3A_785 : f32 to vector<16xf32>
          %broadcast_in_dim3A_788 = vector.broadcast %jit3A_786 : f32 to vector<16xf32>
          %select_n3A_789 = arith.select %ge3A_784, %broadcast_in_dim3A_787, %broadcast_in_dim3A_788 : vector<16xi1>, vector<16xf32>
          %ge3A_790 = arith.constant 0.405465215 : f32
          %ge3A_791 = vector.broadcast %ge3A_790 : f32 to vector<16xf32>
          %ge3A_792 = arith.cmpf oge, %select_n3A_708, %ge3A_791 : vector<16xf32>
          %jit3A_793 = arith.constant 1.000000e+00 : f32
          %jit3A_794 = arith.constant 0.000000e+00 : f32
          %broadcast_in_dim3A_795 = vector.broadcast %jit3A_793 : f32 to vector<16xf32>
          %broadcast_in_dim3A_796 = vector.broadcast %jit3A_794 : f32 to vector<16xf32>
          %select_n3A_797 = arith.select %ge3A_792, %broadcast_in_dim3A_795, %broadcast_in_dim3A_796 : vector<16xi1>, vector<16xf32>
          %ge3A_798 = arith.constant 0.847297787 : f32
          %ge3A_799 = vector.broadcast %ge3A_798 : f32 to vector<16xf32>
          %ge3A_800 = arith.cmpf oge, %select_n3A_708, %ge3A_799 : vector<16xf32>
          %jit3A_801 = arith.constant 1.000000e+00 : f32
          %jit3A_802 = arith.constant 0.000000e+00 : f32
          %broadcast_in_dim3A_803 = vector.broadcast %jit3A_801 : f32 to vector<16xf32>
          %broadcast_in_dim3A_804 = vector.broadcast %jit3A_802 : f32 to vector<16xf32>
          %select_n3A_805 = arith.select %ge3A_800, %broadcast_in_dim3A_803, %broadcast_in_dim3A_804 : vector<16xi1>, vector<16xf32>
          %ge3A_806 = arith.constant 1.38629448 : f32
          %ge3A_807 = vector.broadcast %ge3A_806 : f32 to vector<16xf32>
          %ge3A_808 = arith.cmpf oge, %select_n3A_708, %ge3A_807 : vector<16xf32>
          %jit3A_809 = arith.constant 1.000000e+00 : f32
          %jit3A_810 = arith.constant 0.000000e+00 : f32
          %broadcast_in_dim3A_811 = vector.broadcast %jit3A_809 : f32 to vector<16xf32>
          %broadcast_in_dim3A_812 = vector.broadcast %jit3A_810 : f32 to vector<16xf32>
          %select_n3A_813 = arith.select %ge3A_808, %broadcast_in_dim3A_811, %broadcast_in_dim3A_812 : vector<16xi1>, vector<16xf32>
          %ge3A_814 = arith.constant 2.19722438 : f32
          %ge3A_815 = vector.broadcast %ge3A_814 : f32 to vector<16xf32>
          %ge3A_816 = arith.cmpf oge, %select_n3A_708, %ge3A_815 : vector<16xf32>
          %jit3A_817 = arith.constant 1.000000e+00 : f32
          %jit3A_818 = arith.constant 0.000000e+00 : f32
          %broadcast_in_dim3A_819 = vector.broadcast %jit3A_817 : f32 to vector<16xf32>
          %broadcast_in_dim3A_820 = vector.broadcast %jit3A_818 : f32 to vector<16xf32>
          %select_n3A_821 = arith.select %ge3A_816, %broadcast_in_dim3A_819, %broadcast_in_dim3A_820 : vector<16xi1>, vector<16xf32>
          %mul3A_822 = arith.mulf %add3A_749, %select_n3A_757 : vector<16xf32>
          %mul3A_823 = arith.mulf %add3A_749, %select_n3A_765 : vector<16xf32>
          %mul3A_824 = arith.mulf %add3A_749, %select_n3A_773 : vector<16xf32>
          %mul3A_825 = arith.mulf %add3A_749, %select_n3A_781 : vector<16xf32>
          %mul3A_826 = arith.mulf %add3A_749, %select_n3A_789 : vector<16xf32>
          %mul3A_827 = arith.mulf %add3A_749, %select_n3A_797 : vector<16xf32>
          %mul3A_828 = arith.mulf %add3A_749, %select_n3A_805 : vector<16xf32>
          %mul3A_829 = arith.mulf %add3A_749, %select_n3A_813 : vector<16xf32>
          %mul3A_830 = arith.mulf %add3A_749, %select_n3A_821 : vector<16xf32>
          %sub3A_831 = arith.subf %add3A_749, %mul3A_822 : vector<16xf32>
          %add3A_832 = arith.addf %add3A_669, %sub3A_831 : vector<16xf32>
          %sub3A_833 = arith.subf %mul3A_822, %mul3A_823 : vector<16xf32>
          %add3A_834 = arith.addf %add3A_671, %sub3A_833 : vector<16xf32>
          %sub3A_835 = arith.subf %mul3A_823, %mul3A_824 : vector<16xf32>
          %add3A_836 = arith.addf %add3A_673, %sub3A_835 : vector<16xf32>
          %sub3A_837 = arith.subf %mul3A_824, %mul3A_825 : vector<16xf32>
          %add3A_838 = arith.addf %add3A_675, %sub3A_837 : vector<16xf32>
          %sub3A_839 = arith.subf %mul3A_825, %mul3A_826 : vector<16xf32>
          %add3A_840 = arith.addf %add3A_677, %sub3A_839 : vector<16xf32>
          %sub3A_841 = arith.subf %mul3A_826, %mul3A_827 : vector<16xf32>
          %add3A_842 = arith.addf %add3A_679, %sub3A_841 : vector<16xf32>
          %sub3A_843 = arith.subf %mul3A_827, %mul3A_828 : vector<16xf32>
          %add3A_844 = arith.addf %add3A_681, %sub3A_843 : vector<16xf32>
          %sub3A_845 = arith.subf %mul3A_828, %mul3A_829 : vector<16xf32>
          %add3A_846 = arith.addf %add3A_683, %sub3A_845 : vector<16xf32>
          %sub3A_847 = arith.subf %mul3A_829, %mul3A_830 : vector<16xf32>
          %add3A_848 = arith.addf %add3A_685, %sub3A_847 : vector<16xf32>
          %add3A_849 = arith.addf %add3A_686, %mul3A_830 : vector<16xf32>
          %add3A_850 = arith.addf %add3A_687, %select_n3A_757 : vector<16xf32>
          %add3A_851 = arith.addf %add3A_688, %select_n3A_765 : vector<16xf32>
          %add3A_852 = arith.addf %add3A_689, %select_n3A_773 : vector<16xf32>
          %add3A_853 = arith.addf %add3A_690, %select_n3A_781 : vector<16xf32>
          %add3A_854 = arith.addf %add3A_691, %select_n3A_789 : vector<16xf32>
          %add3A_855 = arith.addf %add3A_692, %select_n3A_797 : vector<16xf32>
          %add3A_856 = arith.addf %add3A_693, %select_n3A_805 : vector<16xf32>
          %add3A_857 = arith.addf %add3A_694, %select_n3A_813 : vector<16xf32>
          %add3A_858 = arith.addf %add3A_695, %select_n3A_821 : vector<16xf32>
          %add3A_859 = arith.constant 64 : i32
          %add3A_860 = arith.addi %add3A_215, %add3A_859 : i32
          %get3A_861 = arith.index_cast %add3A_860 : i32 to index
          %get3A_862 = tpu.vector_load %arg5[%get3A_861] {strides = array<i32>} : memref<10240xf32, #tpu.memory_space<vmem>>, vector<16xf32>,
          %get3A_863 = vector.shape_cast %get3A_862 : vector<16xf32> to vector<16xf32>
          %add3A_864 = arith.constant 64 : i32
          %add3A_865 = vector.broadcast %add3A_864 : i32 to vector<16xi32>
          %add3A_866 = arith.addi %iota3A, %add3A_865 : vector<16xi32>
          %eq3A_867 = arith.cmpi eq, %add3A_866, %gather3A_212 : vector<16xi32>
          %neg3A_868 = arith.constant 0.000000e+00 : f32
          %neg3A_869 = vector.broadcast %neg3A_868 : f32 to vector<16xf32>
          %neg3A_870 = arith.subf %neg3A_869, %get3A_863 : vector<16xf32>
          %select_n3A_871 = arith.select %eq3A_867, %neg3A_870, %get3A_863 : vector<16xi1>, vector<16xf32>
          %abs3A_872 = math.absf %get3A_863 : vector<16xf32>
          %neg3A_873 = arith.constant 0.000000e+00 : f32
          %neg3A_874 = vector.broadcast %neg3A_873 : f32 to vector<16xf32>
          %neg3A_875 = arith.subf %neg3A_874, %abs3A_872 : vector<16xf32>
          %exp3A_876 = math.exp %neg3A_875 : vector<16xf32>
          %max3A_877 = arith.constant 0.000000e+00 : f32
          %max3A_878 = vector.broadcast %max3A_877 : f32 to vector<16xf32>
          %max3A_879 = arith.maximumf %select_n3A_871, %max3A_878 : vector<16xf32>
          %mul3A_880 = arith.mulf %exp3A_876, %exp3A_876 : vector<16xf32>
          %mul3A_881 = arith.mulf %mul3A_880, %mul3A_880 : vector<16xf32>
          %mul3A_882 = arith.constant 0.0101189427 : f32
          %mul3A_883 = vector.broadcast %mul3A_882 : f32 to vector<16xf32>
          %mul3A_884 = arith.mulf %mul3A_883, %exp3A_876 : vector<16xf32>
          %add3A_885 = arith.constant -0.0526241586 : f32
          %add3A_886 = vector.broadcast %add3A_885 : f32 to vector<16xf32>
          %add3A_887 = arith.addf %mul3A_884, %add3A_886 : vector<16xf32>
          %mul3A_888 = arith.mulf %add3A_887, %mul3A_880 : vector<16xf32>
          %mul3A_889 = arith.constant 0.130763739 : f32
          %mul3A_890 = vector.broadcast %mul3A_889 : f32 to vector<16xf32>
          %mul3A_891 = arith.mulf %mul3A_890, %exp3A_876 : vector<16xf32>
          %add3A_892 = arith.constant -0.222835064 : f32
          %add3A_893 = vector.broadcast %add3A_892 : f32 to vector<16xf32>
          %add3A_894 = arith.addf %mul3A_891, %add3A_893 : vector<16xf32>
          %add3A_895 = arith.addf %mul3A_888, %add3A_894 : vector<16xf32>
          %mul3A_896 = arith.constant 0.326972514 : f32
          %mul3A_897 = vector.broadcast %mul3A_896 : f32 to vector<16xf32>
          %mul3A_898 = arith.mulf %mul3A_897, %exp3A_876 : vector<16xf32>
          %add3A_899 = arith.constant -0.499206424 : f32
          %add3A_900 = vector.broadcast %add3A_899 : f32 to vector<16xf32>
          %add3A_901 = arith.addf %mul3A_898, %add3A_900 : vector<16xf32>
          %mul3A_902 = arith.mulf %add3A_901, %mul3A_880 : vector<16xf32>
          %mul3A_903 = arith.constant 0.999957442 : f32
          %mul3A_904 = vector.broadcast %mul3A_903 : f32 to vector<16xf32>
          %mul3A_905 = arith.mulf %mul3A_904, %exp3A_876 : vector<16xf32>
          %add3A_906 = arith.constant 5.6276491E-7 : f32
          %add3A_907 = vector.broadcast %add3A_906 : f32 to vector<16xf32>
          %add3A_908 = arith.addf %mul3A_905, %add3A_907 : vector<16xf32>
          %add3A_909 = arith.addf %mul3A_902, %add3A_908 : vector<16xf32>
          %mul3A_910 = arith.mulf %add3A_895, %mul3A_881 : vector<16xf32>
          %add3A_911 = arith.addf %mul3A_910, %add3A_909 : vector<16xf32>
          %add3A_912 = arith.addf %max3A_879, %add3A_911 : vector<16xf32>
          %ge3A_913 = arith.constant -2.19722462 : f32
          %ge3A_914 = vector.broadcast %ge3A_913 : f32 to vector<16xf32>
          %ge3A_915 = arith.cmpf oge, %select_n3A_871, %ge3A_914 : vector<16xf32>
          %jit3A_916 = arith.constant 1.000000e+00 : f32
          %jit3A_917 = arith.constant 0.000000e+00 : f32
          %broadcast_in_dim3A_918 = vector.broadcast %jit3A_916 : f32 to vector<16xf32>
          %broadcast_in_dim3A_919 = vector.broadcast %jit3A_917 : f32 to vector<16xf32>
          %select_n3A_920 = arith.select %ge3A_915, %broadcast_in_dim3A_918, %broadcast_in_dim3A_919 : vector<16xi1>, vector<16xf32>
          %ge3A_921 = arith.constant -1.38629436 : f32
          %ge3A_922 = vector.broadcast %ge3A_921 : f32 to vector<16xf32>
          %ge3A_923 = arith.cmpf oge, %select_n3A_871, %ge3A_922 : vector<16xf32>
          %jit3A_924 = arith.constant 1.000000e+00 : f32
          %jit3A_925 = arith.constant 0.000000e+00 : f32
          %broadcast_in_dim3A_926 = vector.broadcast %jit3A_924 : f32 to vector<16xf32>
          %broadcast_in_dim3A_927 = vector.broadcast %jit3A_925 : f32 to vector<16xf32>
          %select_n3A_928 = arith.select %ge3A_923, %broadcast_in_dim3A_926, %broadcast_in_dim3A_927 : vector<16xi1>, vector<16xf32>
          %ge3A_929 = arith.constant -0.847297787 : f32
          %ge3A_930 = vector.broadcast %ge3A_929 : f32 to vector<16xf32>
          %ge3A_931 = arith.cmpf oge, %select_n3A_871, %ge3A_930 : vector<16xf32>
          %jit3A_932 = arith.constant 1.000000e+00 : f32
          %jit3A_933 = arith.constant 0.000000e+00 : f32
          %broadcast_in_dim3A_934 = vector.broadcast %jit3A_932 : f32 to vector<16xf32>
          %broadcast_in_dim3A_935 = vector.broadcast %jit3A_933 : f32 to vector<16xf32>
          %select_n3A_936 = arith.select %ge3A_931, %broadcast_in_dim3A_934, %broadcast_in_dim3A_935 : vector<16xi1>, vector<16xf32>
          %ge3A_937 = arith.constant -0.405465096 : f32
          %ge3A_938 = vector.broadcast %ge3A_937 : f32 to vector<16xf32>
          %ge3A_939 = arith.cmpf oge, %select_n3A_871, %ge3A_938 : vector<16xf32>
          %jit3A_940 = arith.constant 1.000000e+00 : f32
          %jit3A_941 = arith.constant 0.000000e+00 : f32
          %broadcast_in_dim3A_942 = vector.broadcast %jit3A_940 : f32 to vector<16xf32>
          %broadcast_in_dim3A_943 = vector.broadcast %jit3A_941 : f32 to vector<16xf32>
          %select_n3A_944 = arith.select %ge3A_939, %broadcast_in_dim3A_942, %broadcast_in_dim3A_943 : vector<16xi1>, vector<16xf32>
          %ge3A_945 = arith.constant 0.000000e+00 : f32
          %ge3A_946 = vector.broadcast %ge3A_945 : f32 to vector<16xf32>
          %ge3A_947 = arith.cmpf oge, %select_n3A_871, %ge3A_946 : vector<16xf32>
          %jit3A_948 = arith.constant 1.000000e+00 : f32
          %jit3A_949 = arith.constant 0.000000e+00 : f32
          %broadcast_in_dim3A_950 = vector.broadcast %jit3A_948 : f32 to vector<16xf32>
          %broadcast_in_dim3A_951 = vector.broadcast %jit3A_949 : f32 to vector<16xf32>
          %select_n3A_952 = arith.select %ge3A_947, %broadcast_in_dim3A_950, %broadcast_in_dim3A_951 : vector<16xi1>, vector<16xf32>
          %ge3A_953 = arith.constant 0.405465215 : f32
          %ge3A_954 = vector.broadcast %ge3A_953 : f32 to vector<16xf32>
          %ge3A_955 = arith.cmpf oge, %select_n3A_871, %ge3A_954 : vector<16xf32>
          %jit3A_956 = arith.constant 1.000000e+00 : f32
          %jit3A_957 = arith.constant 0.000000e+00 : f32
          %broadcast_in_dim3A_958 = vector.broadcast %jit3A_956 : f32 to vector<16xf32>
          %broadcast_in_dim3A_959 = vector.broadcast %jit3A_957 : f32 to vector<16xf32>
          %select_n3A_960 = arith.select %ge3A_955, %broadcast_in_dim3A_958, %broadcast_in_dim3A_959 : vector<16xi1>, vector<16xf32>
          %ge3A_961 = arith.constant 0.847297787 : f32
          %ge3A_962 = vector.broadcast %ge3A_961 : f32 to vector<16xf32>
          %ge3A_963 = arith.cmpf oge, %select_n3A_871, %ge3A_962 : vector<16xf32>
          %jit3A_964 = arith.constant 1.000000e+00 : f32
          %jit3A_965 = arith.constant 0.000000e+00 : f32
          %broadcast_in_dim3A_966 = vector.broadcast %jit3A_964 : f32 to vector<16xf32>
          %broadcast_in_dim3A_967 = vector.broadcast %jit3A_965 : f32 to vector<16xf32>
          %select_n3A_968 = arith.select %ge3A_963, %broadcast_in_dim3A_966, %broadcast_in_dim3A_967 : vector<16xi1>, vector<16xf32>
          %ge3A_969 = arith.constant 1.38629448 : f32
          %ge3A_970 = vector.broadcast %ge3A_969 : f32 to vector<16xf32>
          %ge3A_971 = arith.cmpf oge, %select_n3A_871, %ge3A_970 : vector<16xf32>
          %jit3A_972 = arith.constant 1.000000e+00 : f32
          %jit3A_973 = arith.constant 0.000000e+00 : f32
          %broadcast_in_dim3A_974 = vector.broadcast %jit3A_972 : f32 to vector<16xf32>
          %broadcast_in_dim3A_975 = vector.broadcast %jit3A_973 : f32 to vector<16xf32>
          %select_n3A_976 = arith.select %ge3A_971, %broadcast_in_dim3A_974, %broadcast_in_dim3A_975 : vector<16xi1>, vector<16xf32>
          %ge3A_977 = arith.constant 2.19722438 : f32
          %ge3A_978 = vector.broadcast %ge3A_977 : f32 to vector<16xf32>
          %ge3A_979 = arith.cmpf oge, %select_n3A_871, %ge3A_978 : vector<16xf32>
          %jit3A_980 = arith.constant 1.000000e+00 : f32
          %jit3A_981 = arith.constant 0.000000e+00 : f32
          %broadcast_in_dim3A_982 = vector.broadcast %jit3A_980 : f32 to vector<16xf32>
          %broadcast_in_dim3A_983 = vector.broadcast %jit3A_981 : f32 to vector<16xf32>
          %select_n3A_984 = arith.select %ge3A_979, %broadcast_in_dim3A_982, %broadcast_in_dim3A_983 : vector<16xi1>, vector<16xf32>
          %mul3A_985 = arith.mulf %add3A_912, %select_n3A_920 : vector<16xf32>
          %mul3A_986 = arith.mulf %add3A_912, %select_n3A_928 : vector<16xf32>
          %mul3A_987 = arith.mulf %add3A_912, %select_n3A_936 : vector<16xf32>
          %mul3A_988 = arith.mulf %add3A_912, %select_n3A_944 : vector<16xf32>
          %mul3A_989 = arith.mulf %add3A_912, %select_n3A_952 : vector<16xf32>
          %mul3A_990 = arith.mulf %add3A_912, %select_n3A_960 : vector<16xf32>
          %mul3A_991 = arith.mulf %add3A_912, %select_n3A_968 : vector<16xf32>
          %mul3A_992 = arith.mulf %add3A_912, %select_n3A_976 : vector<16xf32>
          %mul3A_993 = arith.mulf %add3A_912, %select_n3A_984 : vector<16xf32>
          %sub3A_994 = arith.subf %add3A_912, %mul3A_985 : vector<16xf32>
          %add3A_995 = arith.addf %add3A_832, %sub3A_994 : vector<16xf32>
          %sub3A_996 = arith.subf %mul3A_985, %mul3A_986 : vector<16xf32>
          %add3A_997 = arith.addf %add3A_834, %sub3A_996 : vector<16xf32>
          %sub3A_998 = arith.subf %mul3A_986, %mul3A_987 : vector<16xf32>
          %add3A_999 = arith.addf %add3A_836, %sub3A_998 : vector<16xf32>
          %sub3A_1000 = arith.subf %mul3A_987, %mul3A_988 : vector<16xf32>
          %add3A_1001 = arith.addf %add3A_838, %sub3A_1000 : vector<16xf32>
          %sub3A_1002 = arith.subf %mul3A_988, %mul3A_989 : vector<16xf32>
          %add3A_1003 = arith.addf %add3A_840, %sub3A_1002 : vector<16xf32>
          %sub3A_1004 = arith.subf %mul3A_989, %mul3A_990 : vector<16xf32>
          %add3A_1005 = arith.addf %add3A_842, %sub3A_1004 : vector<16xf32>
          %sub3A_1006 = arith.subf %mul3A_990, %mul3A_991 : vector<16xf32>
          %add3A_1007 = arith.addf %add3A_844, %sub3A_1006 : vector<16xf32>
          %sub3A_1008 = arith.subf %mul3A_991, %mul3A_992 : vector<16xf32>
          %add3A_1009 = arith.addf %add3A_846, %sub3A_1008 : vector<16xf32>
          %sub3A_1010 = arith.subf %mul3A_992, %mul3A_993 : vector<16xf32>
          %add3A_1011 = arith.addf %add3A_848, %sub3A_1010 : vector<16xf32>
          %add3A_1012 = arith.addf %add3A_849, %mul3A_993 : vector<16xf32>
          %add3A_1013 = arith.addf %add3A_850, %select_n3A_920 : vector<16xf32>
          %add3A_1014 = arith.addf %add3A_851, %select_n3A_928 : vector<16xf32>
          %add3A_1015 = arith.addf %add3A_852, %select_n3A_936 : vector<16xf32>
          %add3A_1016 = arith.addf %add3A_853, %select_n3A_944 : vector<16xf32>
          %add3A_1017 = arith.addf %add3A_854, %select_n3A_952 : vector<16xf32>
          %add3A_1018 = arith.addf %add3A_855, %select_n3A_960 : vector<16xf32>
          %add3A_1019 = arith.addf %add3A_856, %select_n3A_968 : vector<16xf32>
          %add3A_1020 = arith.addf %add3A_857, %select_n3A_976 : vector<16xf32>
          %add3A_1021 = arith.addf %add3A_858, %select_n3A_984 : vector<16xf32>
          scf.yield %add3A_995, %add3A_997, %add3A_999, %add3A_1001, %add3A_1003, %add3A_1005, %add3A_1007, %add3A_1009, %add3A_1011, %add3A_1012, %add3A_1013, %add3A_1014, %add3A_1015, %add3A_1016, %add3A_1017, %add3A_1018, %add3A_1019, %add3A_1020, %add3A_1021 : vector<16xf32>, vector<16xf32>, vector<16xf32>, vector<16xf32>, vector<16xf32>, vector<16xf32>, vector<16xf32>, vector<16xf32>, vector<16xf32>, vector<16xf32>, vector<16xf32>, vector<16xf32>, vector<16xf32>, vector<16xf32>, vector<16xf32>, vector<16xf32>, vector<16xf32>, vector<16xf32>, vector<16xf32>
        }
        %scan3A_186 = arith.constant 16 : i32
        scf.yield %scan3A_185#0, %scan3A_185#1, %scan3A_185#2, %scan3A_185#3, %scan3A_185#4, %scan3A_185#5, %scan3A_185#6, %scan3A_185#7, %scan3A_185#8, %scan3A_185#9, %scan3A_185#10, %scan3A_185#11, %scan3A_185#12, %scan3A_185#13, %scan3A_185#14, %scan3A_185#15, %scan3A_185#16, %scan3A_185#17, %scan3A_185#18 : vector<16xf32>, vector<16xf32>, vector<16xf32>, vector<16xf32>, vector<16xf32>, vector<16xf32>, vector<16xf32>, vector<16xf32>, vector<16xf32>, vector<16xf32>, vector<16xf32>, vector<16xf32>, vector<16xf32>, vector<16xf32>, vector<16xf32>, vector<16xf32>, vector<16xf32>, vector<16xf32>, vector<16xf32>
      }
      %scan3A_152 = arith.constant 8 : i32
      scf.yield %scan3A_151#0, %scan3A_151#1, %scan3A_151#2, %scan3A_151#3, %scan3A_151#4, %scan3A_151#5, %scan3A_151#6, %scan3A_151#7, %scan3A_151#8, %scan3A_151#9, %scan3A_151#10, %scan3A_151#11, %scan3A_151#12, %scan3A_151#13, %scan3A_151#14, %scan3A_151#15, %scan3A_151#16, %scan3A_151#17, %scan3A_151#18 : vector<16xf32>, vector<16xf32>, vector<16xf32>, vector<16xf32>, vector<16xf32>, vector<16xf32>, vector<16xf32>, vector<16xf32>, vector<16xf32>, vector<16xf32>, vector<16xf32>, vector<16xf32>, vector<16xf32>, vector<16xf32>, vector<16xf32>, vector<16xf32>, vector<16xf32>, vector<16xf32>, vector<16xf32>
    }
    %scan3A_8 = arith.constant 14 : i32
    %swap3A = arith.constant 0 : i32
    %swap3A_9 = arith.index_cast %swap3A : i32 to index
    %swap3A_10 = arith.constant 0 : index
    %swap3A_11 = tpu.vector_load %arg7[%swap3A_9, %swap3A_10] {strides = array<i32>} : memref<19x16xf32, #tpu.memory_space<vmem>>, vector<1x16xf32>,
    %swap3A_12 = vector.shape_cast %swap3A_11 : vector<1x16xf32> to vector<16xf32>
    %swap3A_13 = vector.shape_cast %scan3A_7#0 : vector<16xf32> to vector<1x16xf32>
    tpu.vector_store %arg7[%swap3A_9, %swap3A_10], %swap3A_13 {strides = array<i32>} : memref<19x16xf32, #tpu.memory_space<vmem>>, vector<1x16xf32>,
    %swap3A_14 = arith.constant 1 : i32
    %swap3A_15 = arith.index_cast %swap3A_14 : i32 to index
    %swap3A_16 = arith.constant 0 : index
    %swap3A_17 = tpu.vector_load %arg7[%swap3A_15, %swap3A_16] {strides = array<i32>} : memref<19x16xf32, #tpu.memory_space<vmem>>, vector<1x16xf32>,
    %swap3A_18 = vector.shape_cast %swap3A_17 : vector<1x16xf32> to vector<16xf32>
    %swap3A_19 = vector.shape_cast %scan3A_7#1 : vector<16xf32> to vector<1x16xf32>
    tpu.vector_store %arg7[%swap3A_15, %swap3A_16], %swap3A_19 {strides = array<i32>} : memref<19x16xf32, #tpu.memory_space<vmem>>, vector<1x16xf32>,
    %swap3A_20 = arith.constant 2 : i32
    %swap3A_21 = arith.index_cast %swap3A_20 : i32 to index
    %swap3A_22 = arith.constant 0 : index
    %swap3A_23 = tpu.vector_load %arg7[%swap3A_21, %swap3A_22] {strides = array<i32>} : memref<19x16xf32, #tpu.memory_space<vmem>>, vector<1x16xf32>,
    %swap3A_24 = vector.shape_cast %swap3A_23 : vector<1x16xf32> to vector<16xf32>
    %swap3A_25 = vector.shape_cast %scan3A_7#2 : vector<16xf32> to vector<1x16xf32>
    tpu.vector_store %arg7[%swap3A_21, %swap3A_22], %swap3A_25 {strides = array<i32>} : memref<19x16xf32, #tpu.memory_space<vmem>>, vector<1x16xf32>,
    %swap3A_26 = arith.constant 3 : i32
    %swap3A_27 = arith.index_cast %swap3A_26 : i32 to index
    %swap3A_28 = arith.constant 0 : index
    %swap3A_29 = tpu.vector_load %arg7[%swap3A_27, %swap3A_28] {strides = array<i32>} : memref<19x16xf32, #tpu.memory_space<vmem>>, vector<1x16xf32>,
    %swap3A_30 = vector.shape_cast %swap3A_29 : vector<1x16xf32> to vector<16xf32>
    %swap3A_31 = vector.shape_cast %scan3A_7#3 : vector<16xf32> to vector<1x16xf32>
    tpu.vector_store %arg7[%swap3A_27, %swap3A_28], %swap3A_31 {strides = array<i32>} : memref<19x16xf32, #tpu.memory_space<vmem>>, vector<1x16xf32>,
    %swap3A_32 = arith.constant 4 : i32
    %swap3A_33 = arith.index_cast %swap3A_32 : i32 to index
    %swap3A_34 = arith.constant 0 : index
    %swap3A_35 = tpu.vector_load %arg7[%swap3A_33, %swap3A_34] {strides = array<i32>} : memref<19x16xf32, #tpu.memory_space<vmem>>, vector<1x16xf32>,
    %swap3A_36 = vector.shape_cast %swap3A_35 : vector<1x16xf32> to vector<16xf32>
    %swap3A_37 = vector.shape_cast %scan3A_7#4 : vector<16xf32> to vector<1x16xf32>
    tpu.vector_store %arg7[%swap3A_33, %swap3A_34], %swap3A_37 {strides = array<i32>} : memref<19x16xf32, #tpu.memory_space<vmem>>, vector<1x16xf32>,
    %swap3A_38 = arith.constant 5 : i32
    %swap3A_39 = arith.index_cast %swap3A_38 : i32 to index
    %swap3A_40 = arith.constant 0 : index
    %swap3A_41 = tpu.vector_load %arg7[%swap3A_39, %swap3A_40] {strides = array<i32>} : memref<19x16xf32, #tpu.memory_space<vmem>>, vector<1x16xf32>,
    %swap3A_42 = vector.shape_cast %swap3A_41 : vector<1x16xf32> to vector<16xf32>
    %swap3A_43 = vector.shape_cast %scan3A_7#5 : vector<16xf32> to vector<1x16xf32>
    tpu.vector_store %arg7[%swap3A_39, %swap3A_40], %swap3A_43 {strides = array<i32>} : memref<19x16xf32, #tpu.memory_space<vmem>>, vector<1x16xf32>,
    %swap3A_44 = arith.constant 6 : i32
    %swap3A_45 = arith.index_cast %swap3A_44 : i32 to index
    %swap3A_46 = arith.constant 0 : index
    %swap3A_47 = tpu.vector_load %arg7[%swap3A_45, %swap3A_46] {strides = array<i32>} : memref<19x16xf32, #tpu.memory_space<vmem>>, vector<1x16xf32>,
    %swap3A_48 = vector.shape_cast %swap3A_47 : vector<1x16xf32> to vector<16xf32>
    %swap3A_49 = vector.shape_cast %scan3A_7#6 : vector<16xf32> to vector<1x16xf32>
    tpu.vector_store %arg7[%swap3A_45, %swap3A_46], %swap3A_49 {strides = array<i32>} : memref<19x16xf32, #tpu.memory_space<vmem>>, vector<1x16xf32>,
    %swap3A_50 = arith.constant 7 : i32
    %swap3A_51 = arith.index_cast %swap3A_50 : i32 to index
    %swap3A_52 = arith.constant 0 : index
    %swap3A_53 = tpu.vector_load %arg7[%swap3A_51, %swap3A_52] {strides = array<i32>} : memref<19x16xf32, #tpu.memory_space<vmem>>, vector<1x16xf32>,
    %swap3A_54 = vector.shape_cast %swap3A_53 : vector<1x16xf32> to vector<16xf32>
    %swap3A_55 = vector.shape_cast %scan3A_7#7 : vector<16xf32> to vector<1x16xf32>
    tpu.vector_store %arg7[%swap3A_51, %swap3A_52], %swap3A_55 {strides = array<i32>} : memref<19x16xf32, #tpu.memory_space<vmem>>, vector<1x16xf32>,
    %swap3A_56 = arith.constant 8 : i32
    %swap3A_57 = arith.index_cast %swap3A_56 : i32 to index
    %swap3A_58 = arith.constant 0 : index
    %swap3A_59 = tpu.vector_load %arg7[%swap3A_57, %swap3A_58] {strides = array<i32>} : memref<19x16xf32, #tpu.memory_space<vmem>>, vector<1x16xf32>,
    %swap3A_60 = vector.shape_cast %swap3A_59 : vector<1x16xf32> to vector<16xf32>
    %swap3A_61 = vector.shape_cast %scan3A_7#8 : vector<16xf32> to vector<1x16xf32>
    tpu.vector_store %arg7[%swap3A_57, %swap3A_58], %swap3A_61 {strides = array<i32>} : memref<19x16xf32, #tpu.memory_space<vmem>>, vector<1x16xf32>,
    %swap3A_62 = arith.constant 9 : i32
    %swap3A_63 = arith.index_cast %swap3A_62 : i32 to index
    %swap3A_64 = arith.constant 0 : index
    %swap3A_65 = tpu.vector_load %arg7[%swap3A_63, %swap3A_64] {strides = array<i32>} : memref<19x16xf32, #tpu.memory_space<vmem>>, vector<1x16xf32>,
    %swap3A_66 = vector.shape_cast %swap3A_65 : vector<1x16xf32> to vector<16xf32>
    %swap3A_67 = vector.shape_cast %scan3A_7#9 : vector<16xf32> to vector<1x16xf32>
    tpu.vector_store %arg7[%swap3A_63, %swap3A_64], %swap3A_67 {strides = array<i32>} : memref<19x16xf32, #tpu.memory_space<vmem>>, vector<1x16xf32>,
    %swap3A_68 = arith.constant 10 : i32
    %swap3A_69 = arith.index_cast %swap3A_68 : i32 to index
    %swap3A_70 = arith.constant 0 : index
    %swap3A_71 = tpu.vector_load %arg7[%swap3A_69, %swap3A_70] {strides = array<i32>} : memref<19x16xf32, #tpu.memory_space<vmem>>, vector<1x16xf32>,
    %swap3A_72 = vector.shape_cast %swap3A_71 : vector<1x16xf32> to vector<16xf32>
    %swap3A_73 = vector.shape_cast %scan3A_7#10 : vector<16xf32> to vector<1x16xf32>
    tpu.vector_store %arg7[%swap3A_69, %swap3A_70], %swap3A_73 {strides = array<i32>} : memref<19x16xf32, #tpu.memory_space<vmem>>, vector<1x16xf32>,
    %swap3A_74 = arith.constant 11 : i32
    %swap3A_75 = arith.index_cast %swap3A_74 : i32 to index
    %swap3A_76 = arith.constant 0 : index
    %swap3A_77 = tpu.vector_load %arg7[%swap3A_75, %swap3A_76] {strides = array<i32>} : memref<19x16xf32, #tpu.memory_space<vmem>>, vector<1x16xf32>,
    %swap3A_78 = vector.shape_cast %swap3A_77 : vector<1x16xf32> to vector<16xf32>
    %swap3A_79 = vector.shape_cast %scan3A_7#11 : vector<16xf32> to vector<1x16xf32>
    tpu.vector_store %arg7[%swap3A_75, %swap3A_76], %swap3A_79 {strides = array<i32>} : memref<19x16xf32, #tpu.memory_space<vmem>>, vector<1x16xf32>,
    %swap3A_80 = arith.constant 12 : i32
    %swap3A_81 = arith.index_cast %swap3A_80 : i32 to index
    %swap3A_82 = arith.constant 0 : index
    %swap3A_83 = tpu.vector_load %arg7[%swap3A_81, %swap3A_82] {strides = array<i32>} : memref<19x16xf32, #tpu.memory_space<vmem>>, vector<1x16xf32>,
    %swap3A_84 = vector.shape_cast %swap3A_83 : vector<1x16xf32> to vector<16xf32>
    %swap3A_85 = vector.shape_cast %scan3A_7#12 : vector<16xf32> to vector<1x16xf32>
    tpu.vector_store %arg7[%swap3A_81, %swap3A_82], %swap3A_85 {strides = array<i32>} : memref<19x16xf32, #tpu.memory_space<vmem>>, vector<1x16xf32>,
    %swap3A_86 = arith.constant 13 : i32
    %swap3A_87 = arith.index_cast %swap3A_86 : i32 to index
    %swap3A_88 = arith.constant 0 : index
    %swap3A_89 = tpu.vector_load %arg7[%swap3A_87, %swap3A_88] {strides = array<i32>} : memref<19x16xf32, #tpu.memory_space<vmem>>, vector<1x16xf32>,
    %swap3A_90 = vector.shape_cast %swap3A_89 : vector<1x16xf32> to vector<16xf32>
    %swap3A_91 = vector.shape_cast %scan3A_7#13 : vector<16xf32> to vector<1x16xf32>
    tpu.vector_store %arg7[%swap3A_87, %swap3A_88], %swap3A_91 {strides = array<i32>} : memref<19x16xf32, #tpu.memory_space<vmem>>, vector<1x16xf32>,
    %swap3A_92 = arith.constant 14 : i32
    %swap3A_93 = arith.index_cast %swap3A_92 : i32 to index
    %swap3A_94 = arith.constant 0 : index
    %swap3A_95 = tpu.vector_load %arg7[%swap3A_93, %swap3A_94] {strides = array<i32>} : memref<19x16xf32, #tpu.memory_space<vmem>>, vector<1x16xf32>,
    %swap3A_96 = vector.shape_cast %swap3A_95 : vector<1x16xf32> to vector<16xf32>
    %swap3A_97 = vector.shape_cast %scan3A_7#14 : vector<16xf32> to vector<1x16xf32>
    tpu.vector_store %arg7[%swap3A_93, %swap3A_94], %swap3A_97 {strides = array<i32>} : memref<19x16xf32, #tpu.memory_space<vmem>>, vector<1x16xf32>,
    %swap3A_98 = arith.constant 15 : i32
    %swap3A_99 = arith.index_cast %swap3A_98 : i32 to index
    %swap3A_100 = arith.constant 0 : index
    %swap3A_101 = tpu.vector_load %arg7[%swap3A_99, %swap3A_100] {strides = array<i32>} : memref<19x16xf32, #tpu.memory_space<vmem>>, vector<1x16xf32>,
    %swap3A_102 = vector.shape_cast %swap3A_101 : vector<1x16xf32> to vector<16xf32>
    %swap3A_103 = vector.shape_cast %scan3A_7#15 : vector<16xf32> to vector<1x16xf32>
    tpu.vector_store %arg7[%swap3A_99, %swap3A_100], %swap3A_103 {strides = array<i32>} : memref<19x16xf32, #tpu.memory_space<vmem>>, vector<1x16xf32>,
    %swap3A_104 = arith.constant 16 : i32
    %swap3A_105 = arith.index_cast %swap3A_104 : i32 to index
    %swap3A_106 = arith.constant 0 : index
    %swap3A_107 = tpu.vector_load %arg7[%swap3A_105, %swap3A_106] {strides = array<i32>} : memref<19x16xf32, #tpu.memory_space<vmem>>, vector<1x16xf32>,
    %swap3A_108 = vector.shape_cast %swap3A_107 : vector<1x16xf32> to vector<16xf32>
    %swap3A_109 = vector.shape_cast %scan3A_7#16 : vector<16xf32> to vector<1x16xf32>
    tpu.vector_store %arg7[%swap3A_105, %swap3A_106], %swap3A_109 {strides = array<i32>} : memref<19x16xf32, #tpu.memory_space<vmem>>, vector<1x16xf32>,
    %swap3A_110 = arith.constant 17 : i32
    %swap3A_111 = arith.index_cast %swap3A_110 : i32 to index
    %swap3A_112 = arith.constant 0 : index
    %swap3A_113 = tpu.vector_load %arg7[%swap3A_111, %swap3A_112] {strides = array<i32>} : memref<19x16xf32, #tpu.memory_space<vmem>>, vector<1x16xf32>,
    %swap3A_114 = vector.shape_cast %swap3A_113 : vector<1x16xf32> to vector<16xf32>
    %swap3A_115 = vector.shape_cast %scan3A_7#17 : vector<16xf32> to vector<1x16xf32>
    tpu.vector_store %arg7[%swap3A_111, %swap3A_112], %swap3A_115 {strides = array<i32>} : memref<19x16xf32, #tpu.memory_space<vmem>>, vector<1x16xf32>,
    %swap3A_116 = arith.constant 18 : i32
    %swap3A_117 = arith.index_cast %swap3A_116 : i32 to index
    %swap3A_118 = arith.constant 0 : index
    %swap3A_119 = tpu.vector_load %arg7[%swap3A_117, %swap3A_118] {strides = array<i32>} : memref<19x16xf32, #tpu.memory_space<vmem>>, vector<1x16xf32>,
    %swap3A_120 = vector.shape_cast %swap3A_119 : vector<1x16xf32> to vector<16xf32>
    %swap3A_121 = vector.shape_cast %scan3A_7#18 : vector<16xf32> to vector<1x16xf32>
    tpu.vector_store %arg7[%swap3A_117, %swap3A_118], %swap3A_121 {strides = array<i32>} : memref<19x16xf32, #tpu.memory_space<vmem>>, vector<1x16xf32>,
    "tpu.region"() ({
      %run_scoped3A = tpu.sem_alloc : memref<!tpu.dma_semaphore, #tpu.memory_space<semaphore_mem>>
      %dma_start3A = arith.constant 0 : i32
      %dma_start3A_122 = arith.constant 0 : i32
      %dma_start3A_123 = tpu.memref_slice %arg4[%add3A, %dma_start3A, %dma_start3A_122] : memref<32x19x16xf32, #tpu.memory_space<hbm>> -> memref<1x19x16xf32, #tpu.memory_space<hbm>>
      %dma_start3A_124 = tpu.memref_squeeze %dma_start3A_123 : memref<1x19x16xf32, #tpu.memory_space<hbm>> -> memref<19x16xf32, #tpu.memory_space<hbm>>
      %dma_start3A_125 = arith.constant 0 : i32
      %dma_start3A_126 = arith.constant 0 : i32
      %dma_start3A_127 = tpu.memref_slice %arg4[%add3A, %dma_start3A_125, %dma_start3A_126] : memref<32x19x16xf32, #tpu.memory_space<hbm>> -> memref<1x19x16xf32, #tpu.memory_space<hbm>>
      %dma_start3A_128 = tpu.memref_squeeze %dma_start3A_127 : memref<1x19x16xf32, #tpu.memory_space<hbm>> -> memref<19x16xf32, #tpu.memory_space<hbm>>
      tpu.enqueue_dma source(%arg7 : memref<19x16xf32, #tpu.memory_space<vmem>>) target(%dma_start3A_128 : memref<19x16xf32, #tpu.memory_space<hbm>>) target_semaphore(%run_scoped3A : memref<!tpu.dma_semaphore, #tpu.memory_space<semaphore_mem>>)
      %dma_wait3A = arith.constant 0 : i32
      %dma_wait3A_129 = arith.constant 0 : i32
      %dma_wait3A_130 = tpu.memref_slice %arg4[%add3A, %dma_wait3A, %dma_wait3A_129] : memref<32x19x16xf32, #tpu.memory_space<hbm>> -> memref<1x19x16xf32, #tpu.memory_space<hbm>>
      %dma_wait3A_131 = tpu.memref_squeeze %dma_wait3A_130 : memref<1x19x16xf32, #tpu.memory_space<hbm>> -> memref<19x16xf32, #tpu.memory_space<hbm>>
      %dma_wait3A_132 = arith.constant 0 : i32
      %dma_wait3A_133 = arith.constant 0 : i32
      %dma_wait3A_134 = tpu.memref_slice %arg4[%add3A, %dma_wait3A_132, %dma_wait3A_133] : memref<32x19x16xf32, #tpu.memory_space<hbm>> -> memref<1x19x16xf32, #tpu.memory_space<hbm>>
      %dma_wait3A_135 = tpu.memref_squeeze %dma_wait3A_134 : memref<1x19x16xf32, #tpu.memory_space<hbm>> -> memref<19x16xf32, #tpu.memory_space<hbm>>
      tpu.wait_dma2 semaphore(%run_scoped3A : memref<!tpu.dma_semaphore, #tpu.memory_space<semaphore_mem>>) src(%arg7 : memref<19x16xf32, #tpu.memory_space<vmem>>) dst(%dma_wait3A_135 : memref<19x16xf32, #tpu.memory_space<hbm>>)
      tpu.yield
    }) : () -> ()
    return
  }
}

module attributes {stable_mosaic.version = 14 : i64} {
  func.func @_tc_body(%arg0: i32, %arg1: memref<8192x1xi32, #tpu.memory_space<vmem>>, %arg2: memref<8192x80xf32, #tpu.memory_space<vmem>>, %arg3: memref<10x8x80xf32, #tpu.memory_space<vmem>>, %arg4: memref<9x8x80xf32, #tpu.memory_space<vmem>>) attributes {dimension_semantics = [#tpu.dimension_semantics<arbitrary>], iteration_bounds = array<i64: 25>, scalar_prefetch = 0 : i64, scratch_operands = 0 : i64, tpu.core_type = #tpu.core_type<tc>, window_params = [{transform_indices = @transform_0, window_bounds = array<i64: 8192, 1>}, {transform_indices = @transform_1, window_bounds = array<i64: 8192, 80>}, {pipeline_mode = #tpu.pipeline_mode<synchronous>, transform_indices = @transform_2, window_bounds = array<i64: 10, 8, 80>}, {pipeline_mode = #tpu.pipeline_mode<synchronous>, transform_indices = @transform_3, window_bounds = array<i64: 9, 8, 80>}]} {
    %eq3A = arith.constant 0 : i32
    %eq3A_0 = arith.cmpi eq, %arg0, %eq3A : i32
    %convert_element_type3A = arith.extui %eq3A_0 : i1 to i32
    %cond3A = arith.constant 0 : i32
    %cond3A_1 = arith.cmpi ne, %convert_element_type3A, %cond3A : i32
    scf.if %cond3A_1 {
      %broadcast_in_dim3A = arith.constant 0.000000e+00 : f32
      %broadcast_in_dim3A_358 = vector.broadcast %broadcast_in_dim3A : f32 to vector<10x8x80xf32>
      %swap3A_359 = arith.constant 0 : index
      %swap3A_360 = arith.constant 0 : index
      %swap3A_361 = arith.constant 0 : index
      %swap3A_362 = vector.load %arg3[%swap3A_359, %swap3A_360, %swap3A_361] : memref<10x8x80xf32, #tpu.memory_space<vmem>>, vector<10x8x80xf32>
      tpu.vector_store %arg3[%swap3A_359, %swap3A_360, %swap3A_361], %broadcast_in_dim3A_358 {strides = array<i32>} : memref<10x8x80xf32, #tpu.memory_space<vmem>>, vector<10x8x80xf32>,
      %broadcast_in_dim3A_363 = arith.constant 0.000000e+00 : f32
      %broadcast_in_dim3A_364 = vector.broadcast %broadcast_in_dim3A_363 : f32 to vector<9x8x80xf32>
      %swap3A_365 = arith.constant 0 : index
      %swap3A_366 = arith.constant 0 : index
      %swap3A_367 = arith.constant 0 : index
      %swap3A_368 = vector.load %arg4[%swap3A_365, %swap3A_366, %swap3A_367] : memref<9x8x80xf32, #tpu.memory_space<vmem>>, vector<9x8x80xf32>
      tpu.vector_store %arg4[%swap3A_365, %swap3A_366, %swap3A_367], %broadcast_in_dim3A_364 {strides = array<i32>} : memref<9x8x80xf32, #tpu.memory_space<vmem>>, vector<9x8x80xf32>,
    } else {
    }
    %get3A = arith.constant 0 : index
    %get3A_2 = arith.constant 0 : index
    %get3A_3 = vector.load %arg2[%get3A, %get3A_2] : memref<8192x80xf32, #tpu.memory_space<vmem>>, vector<8192x80xf32>
    %get3A_4 = arith.constant 0 : index
    %get3A_5 = arith.constant 0 : index
    %get3A_6 = vector.load %arg1[%get3A_4, %get3A_5] : memref<8192x1xi32, #tpu.memory_space<vmem>>, vector<8192x1xi32>
    %iota3A = tpu.iota {dimensions = array<i32: 1>} : vector<8192x80xi32>
    %eq3A_7 = vector.broadcast %get3A_6 : vector<8192x1xi32> to vector<8192x80xi32>
    %eq3A_8 = arith.cmpi eq, %iota3A, %eq3A_7 : vector<8192x80xi32>
    %neg3A = arith.constant 0.000000e+00 : f32
    %neg3A_9 = vector.broadcast %neg3A : f32 to vector<8192x80xf32>
    %neg3A_10 = arith.subf %neg3A_9, %get3A_3 : vector<8192x80xf32>
    %select_n3A = arith.select %eq3A_8, %neg3A_10, %get3A_3 : vector<8192x80xi1>, vector<8192x80xf32>
    %abs3A = math.absf %get3A_3 : vector<8192x80xf32>
    %neg3A_11 = arith.constant 0.000000e+00 : f32
    %neg3A_12 = vector.broadcast %neg3A_11 : f32 to vector<8192x80xf32>
    %neg3A_13 = arith.subf %neg3A_12, %abs3A : vector<8192x80xf32>
    %exp3A = math.exp %neg3A_13 : vector<8192x80xf32>
    %max3A = arith.constant 0.000000e+00 : f32
    %max3A_14 = vector.broadcast %max3A : f32 to vector<8192x80xf32>
    %max3A_15 = arith.maximumf %select_n3A, %max3A_14 : vector<8192x80xf32>
    %log1p3A = math.log1p %exp3A : vector<8192x80xf32>
    %add3A = arith.addf %max3A_15, %log1p3A : vector<8192x80xf32>
    %ge3A = arith.constant -2.19722462 : f32
    %ge3A_16 = vector.broadcast %ge3A : f32 to vector<8192x80xf32>
    %ge3A_17 = arith.cmpf oge, %select_n3A, %ge3A_16 : vector<8192x80xf32>
    %convert_element_type3A_18 = arith.extui %ge3A_17 : vector<8192x80xi1> to vector<8192x80xi32>
    %convert_element_type3A_19 = arith.sitofp %convert_element_type3A_18 : vector<8192x80xi32> to vector<8192x80xf32>
    %ge3A_20 = arith.constant -1.38629436 : f32
    %ge3A_21 = vector.broadcast %ge3A_20 : f32 to vector<8192x80xf32>
    %ge3A_22 = arith.cmpf oge, %select_n3A, %ge3A_21 : vector<8192x80xf32>
    %convert_element_type3A_23 = arith.extui %ge3A_22 : vector<8192x80xi1> to vector<8192x80xi32>
    %convert_element_type3A_24 = arith.sitofp %convert_element_type3A_23 : vector<8192x80xi32> to vector<8192x80xf32>
    %ge3A_25 = arith.constant -0.847297787 : f32
    %ge3A_26 = vector.broadcast %ge3A_25 : f32 to vector<8192x80xf32>
    %ge3A_27 = arith.cmpf oge, %select_n3A, %ge3A_26 : vector<8192x80xf32>
    %convert_element_type3A_28 = arith.extui %ge3A_27 : vector<8192x80xi1> to vector<8192x80xi32>
    %convert_element_type3A_29 = arith.sitofp %convert_element_type3A_28 : vector<8192x80xi32> to vector<8192x80xf32>
    %ge3A_30 = arith.constant -0.405465096 : f32
    %ge3A_31 = vector.broadcast %ge3A_30 : f32 to vector<8192x80xf32>
    %ge3A_32 = arith.cmpf oge, %select_n3A, %ge3A_31 : vector<8192x80xf32>
    %convert_element_type3A_33 = arith.extui %ge3A_32 : vector<8192x80xi1> to vector<8192x80xi32>
    %convert_element_type3A_34 = arith.sitofp %convert_element_type3A_33 : vector<8192x80xi32> to vector<8192x80xf32>
    %ge3A_35 = arith.constant 0.000000e+00 : f32
    %ge3A_36 = vector.broadcast %ge3A_35 : f32 to vector<8192x80xf32>
    %ge3A_37 = arith.cmpf oge, %select_n3A, %ge3A_36 : vector<8192x80xf32>
    %convert_element_type3A_38 = arith.extui %ge3A_37 : vector<8192x80xi1> to vector<8192x80xi32>
    %convert_element_type3A_39 = arith.sitofp %convert_element_type3A_38 : vector<8192x80xi32> to vector<8192x80xf32>
    %ge3A_40 = arith.constant 0.405465215 : f32
    %ge3A_41 = vector.broadcast %ge3A_40 : f32 to vector<8192x80xf32>
    %ge3A_42 = arith.cmpf oge, %select_n3A, %ge3A_41 : vector<8192x80xf32>
    %convert_element_type3A_43 = arith.extui %ge3A_42 : vector<8192x80xi1> to vector<8192x80xi32>
    %convert_element_type3A_44 = arith.sitofp %convert_element_type3A_43 : vector<8192x80xi32> to vector<8192x80xf32>
    %ge3A_45 = arith.constant 0.847297787 : f32
    %ge3A_46 = vector.broadcast %ge3A_45 : f32 to vector<8192x80xf32>
    %ge3A_47 = arith.cmpf oge, %select_n3A, %ge3A_46 : vector<8192x80xf32>
    %convert_element_type3A_48 = arith.extui %ge3A_47 : vector<8192x80xi1> to vector<8192x80xi32>
    %convert_element_type3A_49 = arith.sitofp %convert_element_type3A_48 : vector<8192x80xi32> to vector<8192x80xf32>
    %ge3A_50 = arith.constant 1.38629448 : f32
    %ge3A_51 = vector.broadcast %ge3A_50 : f32 to vector<8192x80xf32>
    %ge3A_52 = arith.cmpf oge, %select_n3A, %ge3A_51 : vector<8192x80xf32>
    %convert_element_type3A_53 = arith.extui %ge3A_52 : vector<8192x80xi1> to vector<8192x80xi32>
    %convert_element_type3A_54 = arith.sitofp %convert_element_type3A_53 : vector<8192x80xi32> to vector<8192x80xf32>
    %ge3A_55 = arith.constant 2.19722438 : f32
    %ge3A_56 = vector.broadcast %ge3A_55 : f32 to vector<8192x80xf32>
    %ge3A_57 = arith.cmpf oge, %select_n3A, %ge3A_56 : vector<8192x80xf32>
    %convert_element_type3A_58 = arith.extui %ge3A_57 : vector<8192x80xi1> to vector<8192x80xi32>
    %convert_element_type3A_59 = arith.sitofp %convert_element_type3A_58 : vector<8192x80xi32> to vector<8192x80xf32>
    %mul3A = arith.mulf %add3A, %convert_element_type3A_19 : vector<8192x80xf32>
    %mul3A_60 = arith.mulf %add3A, %convert_element_type3A_24 : vector<8192x80xf32>
    %mul3A_61 = arith.mulf %add3A, %convert_element_type3A_29 : vector<8192x80xf32>
    %mul3A_62 = arith.mulf %add3A, %convert_element_type3A_34 : vector<8192x80xf32>
    %mul3A_63 = arith.mulf %add3A, %convert_element_type3A_39 : vector<8192x80xf32>
    %mul3A_64 = arith.mulf %add3A, %convert_element_type3A_44 : vector<8192x80xf32>
    %mul3A_65 = arith.mulf %add3A, %convert_element_type3A_49 : vector<8192x80xf32>
    %mul3A_66 = arith.mulf %add3A, %convert_element_type3A_54 : vector<8192x80xf32>
    %mul3A_67 = arith.mulf %add3A, %convert_element_type3A_59 : vector<8192x80xf32>
    %get3A_68 = arith.constant 0 : index
    %get3A_69 = arith.constant 0 : index
    %get3A_70 = arith.constant 0 : index
    %get3A_71 = vector.load %arg4[%get3A_68, %get3A_69, %get3A_70] : memref<9x8x80xf32, #tpu.memory_space<vmem>>, vector<1x8x80xf32>
    %get3A_72 = vector.shape_cast %get3A_71 : vector<1x8x80xf32> to vector<8x80xf32>
    %reshape3A = vector.shape_cast %convert_element_type3A_19 : vector<8192x80xf32> to vector<1024x8x80xf32>
    %reduce_sum3A = arith.constant dense<0.000000e+00> : vector<8x80xf32>
    %reduce_sum3A_73 = vector.multi_reduction <add>, %reshape3A, %reduce_sum3A [0] : vector<1024x8x80xf32> to vector<8x80xf32>
    %add3A_74 = arith.addf %get3A_72, %reduce_sum3A_73 : vector<8x80xf32>
    %swap3A = arith.constant 0 : index
    %swap3A_75 = arith.constant 0 : index
    %swap3A_76 = arith.constant 0 : index
    %swap3A_77 = vector.load %arg4[%swap3A, %swap3A_75, %swap3A_76] : memref<9x8x80xf32, #tpu.memory_space<vmem>>, vector<1x8x80xf32>
    %swap3A_78 = vector.shape_cast %swap3A_77 : vector<1x8x80xf32> to vector<8x80xf32>
    %swap3A_79 = vector.shape_cast %add3A_74 : vector<8x80xf32> to vector<1x8x80xf32>
    tpu.vector_store %arg4[%swap3A, %swap3A_75, %swap3A_76], %swap3A_79 {strides = array<i32>} : memref<9x8x80xf32, #tpu.memory_space<vmem>>, vector<1x8x80xf32>,
    %get3A_80 = arith.constant 1 : index
    %get3A_81 = arith.constant 0 : index
    %get3A_82 = arith.constant 0 : index
    %get3A_83 = vector.load %arg4[%get3A_80, %get3A_81, %get3A_82] : memref<9x8x80xf32, #tpu.memory_space<vmem>>, vector<1x8x80xf32>
    %get3A_84 = vector.shape_cast %get3A_83 : vector<1x8x80xf32> to vector<8x80xf32>
    %reshape3A_85 = vector.shape_cast %convert_element_type3A_24 : vector<8192x80xf32> to vector<1024x8x80xf32>
    %reduce_sum3A_86 = arith.constant dense<0.000000e+00> : vector<8x80xf32>
    %reduce_sum3A_87 = vector.multi_reduction <add>, %reshape3A_85, %reduce_sum3A_86 [0] : vector<1024x8x80xf32> to vector<8x80xf32>
    %add3A_88 = arith.addf %get3A_84, %reduce_sum3A_87 : vector<8x80xf32>
    %swap3A_89 = arith.constant 1 : index
    %swap3A_90 = arith.constant 0 : index
    %swap3A_91 = arith.constant 0 : index
    %swap3A_92 = vector.load %arg4[%swap3A_89, %swap3A_90, %swap3A_91] : memref<9x8x80xf32, #tpu.memory_space<vmem>>, vector<1x8x80xf32>
    %swap3A_93 = vector.shape_cast %swap3A_92 : vector<1x8x80xf32> to vector<8x80xf32>
    %swap3A_94 = vector.shape_cast %add3A_88 : vector<8x80xf32> to vector<1x8x80xf32>
    tpu.vector_store %arg4[%swap3A_89, %swap3A_90, %swap3A_91], %swap3A_94 {strides = array<i32>} : memref<9x8x80xf32, #tpu.memory_space<vmem>>, vector<1x8x80xf32>,
    %get3A_95 = arith.constant 2 : index
    %get3A_96 = arith.constant 0 : index
    %get3A_97 = arith.constant 0 : index
    %get3A_98 = vector.load %arg4[%get3A_95, %get3A_96, %get3A_97] : memref<9x8x80xf32, #tpu.memory_space<vmem>>, vector<1x8x80xf32>
    %get3A_99 = vector.shape_cast %get3A_98 : vector<1x8x80xf32> to vector<8x80xf32>
    %reshape3A_100 = vector.shape_cast %convert_element_type3A_29 : vector<8192x80xf32> to vector<1024x8x80xf32>
    %reduce_sum3A_101 = arith.constant dense<0.000000e+00> : vector<8x80xf32>
    %reduce_sum3A_102 = vector.multi_reduction <add>, %reshape3A_100, %reduce_sum3A_101 [0] : vector<1024x8x80xf32> to vector<8x80xf32>
    %add3A_103 = arith.addf %get3A_99, %reduce_sum3A_102 : vector<8x80xf32>
    %swap3A_104 = arith.constant 2 : index
    %swap3A_105 = arith.constant 0 : index
    %swap3A_106 = arith.constant 0 : index
    %swap3A_107 = vector.load %arg4[%swap3A_104, %swap3A_105, %swap3A_106] : memref<9x8x80xf32, #tpu.memory_space<vmem>>, vector<1x8x80xf32>
    %swap3A_108 = vector.shape_cast %swap3A_107 : vector<1x8x80xf32> to vector<8x80xf32>
    %swap3A_109 = vector.shape_cast %add3A_103 : vector<8x80xf32> to vector<1x8x80xf32>
    tpu.vector_store %arg4[%swap3A_104, %swap3A_105, %swap3A_106], %swap3A_109 {strides = array<i32>} : memref<9x8x80xf32, #tpu.memory_space<vmem>>, vector<1x8x80xf32>,
    %get3A_110 = arith.constant 3 : index
    %get3A_111 = arith.constant 0 : index
    %get3A_112 = arith.constant 0 : index
    %get3A_113 = vector.load %arg4[%get3A_110, %get3A_111, %get3A_112] : memref<9x8x80xf32, #tpu.memory_space<vmem>>, vector<1x8x80xf32>
    %get3A_114 = vector.shape_cast %get3A_113 : vector<1x8x80xf32> to vector<8x80xf32>
    %reshape3A_115 = vector.shape_cast %convert_element_type3A_34 : vector<8192x80xf32> to vector<1024x8x80xf32>
    %reduce_sum3A_116 = arith.constant dense<0.000000e+00> : vector<8x80xf32>
    %reduce_sum3A_117 = vector.multi_reduction <add>, %reshape3A_115, %reduce_sum3A_116 [0] : vector<1024x8x80xf32> to vector<8x80xf32>
    %add3A_118 = arith.addf %get3A_114, %reduce_sum3A_117 : vector<8x80xf32>
    %swap3A_119 = arith.constant 3 : index
    %swap3A_120 = arith.constant 0 : index
    %swap3A_121 = arith.constant 0 : index
    %swap3A_122 = vector.load %arg4[%swap3A_119, %swap3A_120, %swap3A_121] : memref<9x8x80xf32, #tpu.memory_space<vmem>>, vector<1x8x80xf32>
    %swap3A_123 = vector.shape_cast %swap3A_122 : vector<1x8x80xf32> to vector<8x80xf32>
    %swap3A_124 = vector.shape_cast %add3A_118 : vector<8x80xf32> to vector<1x8x80xf32>
    tpu.vector_store %arg4[%swap3A_119, %swap3A_120, %swap3A_121], %swap3A_124 {strides = array<i32>} : memref<9x8x80xf32, #tpu.memory_space<vmem>>, vector<1x8x80xf32>,
    %get3A_125 = arith.constant 4 : index
    %get3A_126 = arith.constant 0 : index
    %get3A_127 = arith.constant 0 : index
    %get3A_128 = vector.load %arg4[%get3A_125, %get3A_126, %get3A_127] : memref<9x8x80xf32, #tpu.memory_space<vmem>>, vector<1x8x80xf32>
    %get3A_129 = vector.shape_cast %get3A_128 : vector<1x8x80xf32> to vector<8x80xf32>
    %reshape3A_130 = vector.shape_cast %convert_element_type3A_39 : vector<8192x80xf32> to vector<1024x8x80xf32>
    %reduce_sum3A_131 = arith.constant dense<0.000000e+00> : vector<8x80xf32>
    %reduce_sum3A_132 = vector.multi_reduction <add>, %reshape3A_130, %reduce_sum3A_131 [0] : vector<1024x8x80xf32> to vector<8x80xf32>
    %add3A_133 = arith.addf %get3A_129, %reduce_sum3A_132 : vector<8x80xf32>
    %swap3A_134 = arith.constant 4 : index
    %swap3A_135 = arith.constant 0 : index
    %swap3A_136 = arith.constant 0 : index
    %swap3A_137 = vector.load %arg4[%swap3A_134, %swap3A_135, %swap3A_136] : memref<9x8x80xf32, #tpu.memory_space<vmem>>, vector<1x8x80xf32>
    %swap3A_138 = vector.shape_cast %swap3A_137 : vector<1x8x80xf32> to vector<8x80xf32>
    %swap3A_139 = vector.shape_cast %add3A_133 : vector<8x80xf32> to vector<1x8x80xf32>
    tpu.vector_store %arg4[%swap3A_134, %swap3A_135, %swap3A_136], %swap3A_139 {strides = array<i32>} : memref<9x8x80xf32, #tpu.memory_space<vmem>>, vector<1x8x80xf32>,
    %get3A_140 = arith.constant 5 : index
    %get3A_141 = arith.constant 0 : index
    %get3A_142 = arith.constant 0 : index
    %get3A_143 = vector.load %arg4[%get3A_140, %get3A_141, %get3A_142] : memref<9x8x80xf32, #tpu.memory_space<vmem>>, vector<1x8x80xf32>
    %get3A_144 = vector.shape_cast %get3A_143 : vector<1x8x80xf32> to vector<8x80xf32>
    %reshape3A_145 = vector.shape_cast %convert_element_type3A_44 : vector<8192x80xf32> to vector<1024x8x80xf32>
    %reduce_sum3A_146 = arith.constant dense<0.000000e+00> : vector<8x80xf32>
    %reduce_sum3A_147 = vector.multi_reduction <add>, %reshape3A_145, %reduce_sum3A_146 [0] : vector<1024x8x80xf32> to vector<8x80xf32>
    %add3A_148 = arith.addf %get3A_144, %reduce_sum3A_147 : vector<8x80xf32>
    %swap3A_149 = arith.constant 5 : index
    %swap3A_150 = arith.constant 0 : index
    %swap3A_151 = arith.constant 0 : index
    %swap3A_152 = vector.load %arg4[%swap3A_149, %swap3A_150, %swap3A_151] : memref<9x8x80xf32, #tpu.memory_space<vmem>>, vector<1x8x80xf32>
    %swap3A_153 = vector.shape_cast %swap3A_152 : vector<1x8x80xf32> to vector<8x80xf32>
    %swap3A_154 = vector.shape_cast %add3A_148 : vector<8x80xf32> to vector<1x8x80xf32>
    tpu.vector_store %arg4[%swap3A_149, %swap3A_150, %swap3A_151], %swap3A_154 {strides = array<i32>} : memref<9x8x80xf32, #tpu.memory_space<vmem>>, vector<1x8x80xf32>,
    %get3A_155 = arith.constant 6 : index
    %get3A_156 = arith.constant 0 : index
    %get3A_157 = arith.constant 0 : index
    %get3A_158 = vector.load %arg4[%get3A_155, %get3A_156, %get3A_157] : memref<9x8x80xf32, #tpu.memory_space<vmem>>, vector<1x8x80xf32>
    %get3A_159 = vector.shape_cast %get3A_158 : vector<1x8x80xf32> to vector<8x80xf32>
    %reshape3A_160 = vector.shape_cast %convert_element_type3A_49 : vector<8192x80xf32> to vector<1024x8x80xf32>
    %reduce_sum3A_161 = arith.constant dense<0.000000e+00> : vector<8x80xf32>
    %reduce_sum3A_162 = vector.multi_reduction <add>, %reshape3A_160, %reduce_sum3A_161 [0] : vector<1024x8x80xf32> to vector<8x80xf32>
    %add3A_163 = arith.addf %get3A_159, %reduce_sum3A_162 : vector<8x80xf32>
    %swap3A_164 = arith.constant 6 : index
    %swap3A_165 = arith.constant 0 : index
    %swap3A_166 = arith.constant 0 : index
    %swap3A_167 = vector.load %arg4[%swap3A_164, %swap3A_165, %swap3A_166] : memref<9x8x80xf32, #tpu.memory_space<vmem>>, vector<1x8x80xf32>
    %swap3A_168 = vector.shape_cast %swap3A_167 : vector<1x8x80xf32> to vector<8x80xf32>
    %swap3A_169 = vector.shape_cast %add3A_163 : vector<8x80xf32> to vector<1x8x80xf32>
    tpu.vector_store %arg4[%swap3A_164, %swap3A_165, %swap3A_166], %swap3A_169 {strides = array<i32>} : memref<9x8x80xf32, #tpu.memory_space<vmem>>, vector<1x8x80xf32>,
    %get3A_170 = arith.constant 7 : index
    %get3A_171 = arith.constant 0 : index
    %get3A_172 = arith.constant 0 : index
    %get3A_173 = vector.load %arg4[%get3A_170, %get3A_171, %get3A_172] : memref<9x8x80xf32, #tpu.memory_space<vmem>>, vector<1x8x80xf32>
    %get3A_174 = vector.shape_cast %get3A_173 : vector<1x8x80xf32> to vector<8x80xf32>
    %reshape3A_175 = vector.shape_cast %convert_element_type3A_54 : vector<8192x80xf32> to vector<1024x8x80xf32>
    %reduce_sum3A_176 = arith.constant dense<0.000000e+00> : vector<8x80xf32>
    %reduce_sum3A_177 = vector.multi_reduction <add>, %reshape3A_175, %reduce_sum3A_176 [0] : vector<1024x8x80xf32> to vector<8x80xf32>
    %add3A_178 = arith.addf %get3A_174, %reduce_sum3A_177 : vector<8x80xf32>
    %swap3A_179 = arith.constant 7 : index
    %swap3A_180 = arith.constant 0 : index
    %swap3A_181 = arith.constant 0 : index
    %swap3A_182 = vector.load %arg4[%swap3A_179, %swap3A_180, %swap3A_181] : memref<9x8x80xf32, #tpu.memory_space<vmem>>, vector<1x8x80xf32>
    %swap3A_183 = vector.shape_cast %swap3A_182 : vector<1x8x80xf32> to vector<8x80xf32>
    %swap3A_184 = vector.shape_cast %add3A_178 : vector<8x80xf32> to vector<1x8x80xf32>
    tpu.vector_store %arg4[%swap3A_179, %swap3A_180, %swap3A_181], %swap3A_184 {strides = array<i32>} : memref<9x8x80xf32, #tpu.memory_space<vmem>>, vector<1x8x80xf32>,
    %get3A_185 = arith.constant 8 : index
    %get3A_186 = arith.constant 0 : index
    %get3A_187 = arith.constant 0 : index
    %get3A_188 = vector.load %arg4[%get3A_185, %get3A_186, %get3A_187] : memref<9x8x80xf32, #tpu.memory_space<vmem>>, vector<1x8x80xf32>
    %get3A_189 = vector.shape_cast %get3A_188 : vector<1x8x80xf32> to vector<8x80xf32>
    %reshape3A_190 = vector.shape_cast %convert_element_type3A_59 : vector<8192x80xf32> to vector<1024x8x80xf32>
    %reduce_sum3A_191 = arith.constant dense<0.000000e+00> : vector<8x80xf32>
    %reduce_sum3A_192 = vector.multi_reduction <add>, %reshape3A_190, %reduce_sum3A_191 [0] : vector<1024x8x80xf32> to vector<8x80xf32>
    %add3A_193 = arith.addf %get3A_189, %reduce_sum3A_192 : vector<8x80xf32>
    %swap3A_194 = arith.constant 8 : index
    %swap3A_195 = arith.constant 0 : index
    %swap3A_196 = arith.constant 0 : index
    %swap3A_197 = vector.load %arg4[%swap3A_194, %swap3A_195, %swap3A_196] : memref<9x8x80xf32, #tpu.memory_space<vmem>>, vector<1x8x80xf32>
    %swap3A_198 = vector.shape_cast %swap3A_197 : vector<1x8x80xf32> to vector<8x80xf32>
    %swap3A_199 = vector.shape_cast %add3A_193 : vector<8x80xf32> to vector<1x8x80xf32>
    tpu.vector_store %arg4[%swap3A_194, %swap3A_195, %swap3A_196], %swap3A_199 {strides = array<i32>} : memref<9x8x80xf32, #tpu.memory_space<vmem>>, vector<1x8x80xf32>,
    %sub3A = arith.subf %add3A, %mul3A : vector<8192x80xf32>
    %get3A_200 = arith.constant 0 : index
    %get3A_201 = arith.constant 0 : index
    %get3A_202 = arith.constant 0 : index
    %get3A_203 = vector.load %arg3[%get3A_200, %get3A_201, %get3A_202] : memref<10x8x80xf32, #tpu.memory_space<vmem>>, vector<1x8x80xf32>
    %get3A_204 = vector.shape_cast %get3A_203 : vector<1x8x80xf32> to vector<8x80xf32>
    %reshape3A_205 = vector.shape_cast %sub3A : vector<8192x80xf32> to vector<1024x8x80xf32>
    %reduce_sum3A_206 = arith.constant dense<0.000000e+00> : vector<8x80xf32>
    %reduce_sum3A_207 = vector.multi_reduction <add>, %reshape3A_205, %reduce_sum3A_206 [0] : vector<1024x8x80xf32> to vector<8x80xf32>
    %add3A_208 = arith.addf %get3A_204, %reduce_sum3A_207 : vector<8x80xf32>
    %swap3A_209 = arith.constant 0 : index
    %swap3A_210 = arith.constant 0 : index
    %swap3A_211 = arith.constant 0 : index
    %swap3A_212 = vector.load %arg3[%swap3A_209, %swap3A_210, %swap3A_211] : memref<10x8x80xf32, #tpu.memory_space<vmem>>, vector<1x8x80xf32>
    %swap3A_213 = vector.shape_cast %swap3A_212 : vector<1x8x80xf32> to vector<8x80xf32>
    %swap3A_214 = vector.shape_cast %add3A_208 : vector<8x80xf32> to vector<1x8x80xf32>
    tpu.vector_store %arg3[%swap3A_209, %swap3A_210, %swap3A_211], %swap3A_214 {strides = array<i32>} : memref<10x8x80xf32, #tpu.memory_space<vmem>>, vector<1x8x80xf32>,
    %sub3A_215 = arith.subf %mul3A, %mul3A_60 : vector<8192x80xf32>
    %get3A_216 = arith.constant 1 : index
    %get3A_217 = arith.constant 0 : index
    %get3A_218 = arith.constant 0 : index
    %get3A_219 = vector.load %arg3[%get3A_216, %get3A_217, %get3A_218] : memref<10x8x80xf32, #tpu.memory_space<vmem>>, vector<1x8x80xf32>
    %get3A_220 = vector.shape_cast %get3A_219 : vector<1x8x80xf32> to vector<8x80xf32>
    %reshape3A_221 = vector.shape_cast %sub3A_215 : vector<8192x80xf32> to vector<1024x8x80xf32>
    %reduce_sum3A_222 = arith.constant dense<0.000000e+00> : vector<8x80xf32>
    %reduce_sum3A_223 = vector.multi_reduction <add>, %reshape3A_221, %reduce_sum3A_222 [0] : vector<1024x8x80xf32> to vector<8x80xf32>
    %add3A_224 = arith.addf %get3A_220, %reduce_sum3A_223 : vector<8x80xf32>
    %swap3A_225 = arith.constant 1 : index
    %swap3A_226 = arith.constant 0 : index
    %swap3A_227 = arith.constant 0 : index
    %swap3A_228 = vector.load %arg3[%swap3A_225, %swap3A_226, %swap3A_227] : memref<10x8x80xf32, #tpu.memory_space<vmem>>, vector<1x8x80xf32>
    %swap3A_229 = vector.shape_cast %swap3A_228 : vector<1x8x80xf32> to vector<8x80xf32>
    %swap3A_230 = vector.shape_cast %add3A_224 : vector<8x80xf32> to vector<1x8x80xf32>
    tpu.vector_store %arg3[%swap3A_225, %swap3A_226, %swap3A_227], %swap3A_230 {strides = array<i32>} : memref<10x8x80xf32, #tpu.memory_space<vmem>>, vector<1x8x80xf32>,
    %sub3A_231 = arith.subf %mul3A_60, %mul3A_61 : vector<8192x80xf32>
    %get3A_232 = arith.constant 2 : index
    %get3A_233 = arith.constant 0 : index
    %get3A_234 = arith.constant 0 : index
    %get3A_235 = vector.load %arg3[%get3A_232, %get3A_233, %get3A_234] : memref<10x8x80xf32, #tpu.memory_space<vmem>>, vector<1x8x80xf32>
    %get3A_236 = vector.shape_cast %get3A_235 : vector<1x8x80xf32> to vector<8x80xf32>
    %reshape3A_237 = vector.shape_cast %sub3A_231 : vector<8192x80xf32> to vector<1024x8x80xf32>
    %reduce_sum3A_238 = arith.constant dense<0.000000e+00> : vector<8x80xf32>
    %reduce_sum3A_239 = vector.multi_reduction <add>, %reshape3A_237, %reduce_sum3A_238 [0] : vector<1024x8x80xf32> to vector<8x80xf32>
    %add3A_240 = arith.addf %get3A_236, %reduce_sum3A_239 : vector<8x80xf32>
    %swap3A_241 = arith.constant 2 : index
    %swap3A_242 = arith.constant 0 : index
    %swap3A_243 = arith.constant 0 : index
    %swap3A_244 = vector.load %arg3[%swap3A_241, %swap3A_242, %swap3A_243] : memref<10x8x80xf32, #tpu.memory_space<vmem>>, vector<1x8x80xf32>
    %swap3A_245 = vector.shape_cast %swap3A_244 : vector<1x8x80xf32> to vector<8x80xf32>
    %swap3A_246 = vector.shape_cast %add3A_240 : vector<8x80xf32> to vector<1x8x80xf32>
    tpu.vector_store %arg3[%swap3A_241, %swap3A_242, %swap3A_243], %swap3A_246 {strides = array<i32>} : memref<10x8x80xf32, #tpu.memory_space<vmem>>, vector<1x8x80xf32>,
    %sub3A_247 = arith.subf %mul3A_61, %mul3A_62 : vector<8192x80xf32>
    %get3A_248 = arith.constant 3 : index
    %get3A_249 = arith.constant 0 : index
    %get3A_250 = arith.constant 0 : index
    %get3A_251 = vector.load %arg3[%get3A_248, %get3A_249, %get3A_250] : memref<10x8x80xf32, #tpu.memory_space<vmem>>, vector<1x8x80xf32>
    %get3A_252 = vector.shape_cast %get3A_251 : vector<1x8x80xf32> to vector<8x80xf32>
    %reshape3A_253 = vector.shape_cast %sub3A_247 : vector<8192x80xf32> to vector<1024x8x80xf32>
    %reduce_sum3A_254 = arith.constant dense<0.000000e+00> : vector<8x80xf32>
    %reduce_sum3A_255 = vector.multi_reduction <add>, %reshape3A_253, %reduce_sum3A_254 [0] : vector<1024x8x80xf32> to vector<8x80xf32>
    %add3A_256 = arith.addf %get3A_252, %reduce_sum3A_255 : vector<8x80xf32>
    %swap3A_257 = arith.constant 3 : index
    %swap3A_258 = arith.constant 0 : index
    %swap3A_259 = arith.constant 0 : index
    %swap3A_260 = vector.load %arg3[%swap3A_257, %swap3A_258, %swap3A_259] : memref<10x8x80xf32, #tpu.memory_space<vmem>>, vector<1x8x80xf32>
    %swap3A_261 = vector.shape_cast %swap3A_260 : vector<1x8x80xf32> to vector<8x80xf32>
    %swap3A_262 = vector.shape_cast %add3A_256 : vector<8x80xf32> to vector<1x8x80xf32>
    tpu.vector_store %arg3[%swap3A_257, %swap3A_258, %swap3A_259], %swap3A_262 {strides = array<i32>} : memref<10x8x80xf32, #tpu.memory_space<vmem>>, vector<1x8x80xf32>,
    %sub3A_263 = arith.subf %mul3A_62, %mul3A_63 : vector<8192x80xf32>
    %get3A_264 = arith.constant 4 : index
    %get3A_265 = arith.constant 0 : index
    %get3A_266 = arith.constant 0 : index
    %get3A_267 = vector.load %arg3[%get3A_264, %get3A_265, %get3A_266] : memref<10x8x80xf32, #tpu.memory_space<vmem>>, vector<1x8x80xf32>
    %get3A_268 = vector.shape_cast %get3A_267 : vector<1x8x80xf32> to vector<8x80xf32>
    %reshape3A_269 = vector.shape_cast %sub3A_263 : vector<8192x80xf32> to vector<1024x8x80xf32>
    %reduce_sum3A_270 = arith.constant dense<0.000000e+00> : vector<8x80xf32>
    %reduce_sum3A_271 = vector.multi_reduction <add>, %reshape3A_269, %reduce_sum3A_270 [0] : vector<1024x8x80xf32> to vector<8x80xf32>
    %add3A_272 = arith.addf %get3A_268, %reduce_sum3A_271 : vector<8x80xf32>
    %swap3A_273 = arith.constant 4 : index
    %swap3A_274 = arith.constant 0 : index
    %swap3A_275 = arith.constant 0 : index
    %swap3A_276 = vector.load %arg3[%swap3A_273, %swap3A_274, %swap3A_275] : memref<10x8x80xf32, #tpu.memory_space<vmem>>, vector<1x8x80xf32>
    %swap3A_277 = vector.shape_cast %swap3A_276 : vector<1x8x80xf32> to vector<8x80xf32>
    %swap3A_278 = vector.shape_cast %add3A_272 : vector<8x80xf32> to vector<1x8x80xf32>
    tpu.vector_store %arg3[%swap3A_273, %swap3A_274, %swap3A_275], %swap3A_278 {strides = array<i32>} : memref<10x8x80xf32, #tpu.memory_space<vmem>>, vector<1x8x80xf32>,
    %sub3A_279 = arith.subf %mul3A_63, %mul3A_64 : vector<8192x80xf32>
    %get3A_280 = arith.constant 5 : index
    %get3A_281 = arith.constant 0 : index
    %get3A_282 = arith.constant 0 : index
    %get3A_283 = vector.load %arg3[%get3A_280, %get3A_281, %get3A_282] : memref<10x8x80xf32, #tpu.memory_space<vmem>>, vector<1x8x80xf32>
    %get3A_284 = vector.shape_cast %get3A_283 : vector<1x8x80xf32> to vector<8x80xf32>
    %reshape3A_285 = vector.shape_cast %sub3A_279 : vector<8192x80xf32> to vector<1024x8x80xf32>
    %reduce_sum3A_286 = arith.constant dense<0.000000e+00> : vector<8x80xf32>
    %reduce_sum3A_287 = vector.multi_reduction <add>, %reshape3A_285, %reduce_sum3A_286 [0] : vector<1024x8x80xf32> to vector<8x80xf32>
    %add3A_288 = arith.addf %get3A_284, %reduce_sum3A_287 : vector<8x80xf32>
    %swap3A_289 = arith.constant 5 : index
    %swap3A_290 = arith.constant 0 : index
    %swap3A_291 = arith.constant 0 : index
    %swap3A_292 = vector.load %arg3[%swap3A_289, %swap3A_290, %swap3A_291] : memref<10x8x80xf32, #tpu.memory_space<vmem>>, vector<1x8x80xf32>
    %swap3A_293 = vector.shape_cast %swap3A_292 : vector<1x8x80xf32> to vector<8x80xf32>
    %swap3A_294 = vector.shape_cast %add3A_288 : vector<8x80xf32> to vector<1x8x80xf32>
    tpu.vector_store %arg3[%swap3A_289, %swap3A_290, %swap3A_291], %swap3A_294 {strides = array<i32>} : memref<10x8x80xf32, #tpu.memory_space<vmem>>, vector<1x8x80xf32>,
    %sub3A_295 = arith.subf %mul3A_64, %mul3A_65 : vector<8192x80xf32>
    %get3A_296 = arith.constant 6 : index
    %get3A_297 = arith.constant 0 : index
    %get3A_298 = arith.constant 0 : index
    %get3A_299 = vector.load %arg3[%get3A_296, %get3A_297, %get3A_298] : memref<10x8x80xf32, #tpu.memory_space<vmem>>, vector<1x8x80xf32>
    %get3A_300 = vector.shape_cast %get3A_299 : vector<1x8x80xf32> to vector<8x80xf32>
    %reshape3A_301 = vector.shape_cast %sub3A_295 : vector<8192x80xf32> to vector<1024x8x80xf32>
    %reduce_sum3A_302 = arith.constant dense<0.000000e+00> : vector<8x80xf32>
    %reduce_sum3A_303 = vector.multi_reduction <add>, %reshape3A_301, %reduce_sum3A_302 [0] : vector<1024x8x80xf32> to vector<8x80xf32>
    %add3A_304 = arith.addf %get3A_300, %reduce_sum3A_303 : vector<8x80xf32>
    %swap3A_305 = arith.constant 6 : index
    %swap3A_306 = arith.constant 0 : index
    %swap3A_307 = arith.constant 0 : index
    %swap3A_308 = vector.load %arg3[%swap3A_305, %swap3A_306, %swap3A_307] : memref<10x8x80xf32, #tpu.memory_space<vmem>>, vector<1x8x80xf32>
    %swap3A_309 = vector.shape_cast %swap3A_308 : vector<1x8x80xf32> to vector<8x80xf32>
    %swap3A_310 = vector.shape_cast %add3A_304 : vector<8x80xf32> to vector<1x8x80xf32>
    tpu.vector_store %arg3[%swap3A_305, %swap3A_306, %swap3A_307], %swap3A_310 {strides = array<i32>} : memref<10x8x80xf32, #tpu.memory_space<vmem>>, vector<1x8x80xf32>,
    %sub3A_311 = arith.subf %mul3A_65, %mul3A_66 : vector<8192x80xf32>
    %get3A_312 = arith.constant 7 : index
    %get3A_313 = arith.constant 0 : index
    %get3A_314 = arith.constant 0 : index
    %get3A_315 = vector.load %arg3[%get3A_312, %get3A_313, %get3A_314] : memref<10x8x80xf32, #tpu.memory_space<vmem>>, vector<1x8x80xf32>
    %get3A_316 = vector.shape_cast %get3A_315 : vector<1x8x80xf32> to vector<8x80xf32>
    %reshape3A_317 = vector.shape_cast %sub3A_311 : vector<8192x80xf32> to vector<1024x8x80xf32>
    %reduce_sum3A_318 = arith.constant dense<0.000000e+00> : vector<8x80xf32>
    %reduce_sum3A_319 = vector.multi_reduction <add>, %reshape3A_317, %reduce_sum3A_318 [0] : vector<1024x8x80xf32> to vector<8x80xf32>
    %add3A_320 = arith.addf %get3A_316, %reduce_sum3A_319 : vector<8x80xf32>
    %swap3A_321 = arith.constant 7 : index
    %swap3A_322 = arith.constant 0 : index
    %swap3A_323 = arith.constant 0 : index
    %swap3A_324 = vector.load %arg3[%swap3A_321, %swap3A_322, %swap3A_323] : memref<10x8x80xf32, #tpu.memory_space<vmem>>, vector<1x8x80xf32>
    %swap3A_325 = vector.shape_cast %swap3A_324 : vector<1x8x80xf32> to vector<8x80xf32>
    %swap3A_326 = vector.shape_cast %add3A_320 : vector<8x80xf32> to vector<1x8x80xf32>
    tpu.vector_store %arg3[%swap3A_321, %swap3A_322, %swap3A_323], %swap3A_326 {strides = array<i32>} : memref<10x8x80xf32, #tpu.memory_space<vmem>>, vector<1x8x80xf32>,
    %sub3A_327 = arith.subf %mul3A_66, %mul3A_67 : vector<8192x80xf32>
    %get3A_328 = arith.constant 8 : index
    %get3A_329 = arith.constant 0 : index
    %get3A_330 = arith.constant 0 : index
    %get3A_331 = vector.load %arg3[%get3A_328, %get3A_329, %get3A_330] : memref<10x8x80xf32, #tpu.memory_space<vmem>>, vector<1x8x80xf32>
    %get3A_332 = vector.shape_cast %get3A_331 : vector<1x8x80xf32> to vector<8x80xf32>
    %reshape3A_333 = vector.shape_cast %sub3A_327 : vector<8192x80xf32> to vector<1024x8x80xf32>
    %reduce_sum3A_334 = arith.constant dense<0.000000e+00> : vector<8x80xf32>
    %reduce_sum3A_335 = vector.multi_reduction <add>, %reshape3A_333, %reduce_sum3A_334 [0] : vector<1024x8x80xf32> to vector<8x80xf32>
    %add3A_336 = arith.addf %get3A_332, %reduce_sum3A_335 : vector<8x80xf32>
    %swap3A_337 = arith.constant 8 : index
    %swap3A_338 = arith.constant 0 : index
    %swap3A_339 = arith.constant 0 : index
    %swap3A_340 = vector.load %arg3[%swap3A_337, %swap3A_338, %swap3A_339] : memref<10x8x80xf32, #tpu.memory_space<vmem>>, vector<1x8x80xf32>
    %swap3A_341 = vector.shape_cast %swap3A_340 : vector<1x8x80xf32> to vector<8x80xf32>
    %swap3A_342 = vector.shape_cast %add3A_336 : vector<8x80xf32> to vector<1x8x80xf32>
    tpu.vector_store %arg3[%swap3A_337, %swap3A_338, %swap3A_339], %swap3A_342 {strides = array<i32>} : memref<10x8x80xf32, #tpu.memory_space<vmem>>, vector<1x8x80xf32>,
    %get3A_343 = arith.constant 9 : index
    %get3A_344 = arith.constant 0 : index
    %get3A_345 = arith.constant 0 : index
    %get3A_346 = vector.load %arg3[%get3A_343, %get3A_344, %get3A_345] : memref<10x8x80xf32, #tpu.memory_space<vmem>>, vector<1x8x80xf32>
    %get3A_347 = vector.shape_cast %get3A_346 : vector<1x8x80xf32> to vector<8x80xf32>
    %reshape3A_348 = vector.shape_cast %mul3A_67 : vector<8192x80xf32> to vector<1024x8x80xf32>
    %reduce_sum3A_349 = arith.constant dense<0.000000e+00> : vector<8x80xf32>
    %reduce_sum3A_350 = vector.multi_reduction <add>, %reshape3A_348, %reduce_sum3A_349 [0] : vector<1024x8x80xf32> to vector<8x80xf32>
    %add3A_351 = arith.addf %get3A_347, %reduce_sum3A_350 : vector<8x80xf32>
    %swap3A_352 = arith.constant 9 : index
    %swap3A_353 = arith.constant 0 : index
    %swap3A_354 = arith.constant 0 : index
    %swap3A_355 = vector.load %arg3[%swap3A_352, %swap3A_353, %swap3A_354] : memref<10x8x80xf32, #tpu.memory_space<vmem>>, vector<1x8x80xf32>
    %swap3A_356 = vector.shape_cast %swap3A_355 : vector<1x8x80xf32> to vector<8x80xf32>
    %swap3A_357 = vector.shape_cast %add3A_351 : vector<8x80xf32> to vector<1x8x80xf32>
    tpu.vector_store %arg3[%swap3A_352, %swap3A_353, %swap3A_354], %swap3A_357 {strides = array<i32>} : memref<10x8x80xf32, #tpu.memory_space<vmem>>, vector<1x8x80xf32>,
    return
  }
  func.func @transform_0(%arg0: i32) -> (i32, i32) {
    %c0_i32 = arith.constant 0 : i32
    %c0_i32_0 = arith.constant 0 : i32
    return %arg0, %c0_i32 : i32, i32
  }
  func.func @transform_1(%arg0: i32) -> (i32, i32) {
    %c0_i32 = arith.constant 0 : i32
    %c0_i32_0 = arith.constant 0 : i32
    return %arg0, %c0_i32 : i32, i32
  }
  func.func @transform_2(%arg0: i32) -> (i32, i32, i32) {
    %c0_i32 = arith.constant 0 : i32
    %c0_i32_0 = arith.constant 0 : i32
    %c0_i32_1 = arith.constant 0 : i32
    %c0_i32_2 = arith.constant 0 : i32
    return %c0_i32, %c0_i32_0, %c0_i32_1 : i32, i32, i32
  }
  func.func @transform_3(%arg0: i32) -> (i32, i32, i32) {
    %c0_i32 = arith.constant 0 : i32
    %c0_i32_0 = arith.constant 0 : i32
    %c0_i32_1 = arith.constant 0 : i32
    %c0_i32_2 = arith.constant 0 : i32
    return %c0_i32, %c0_i32_0, %c0_i32_1 : i32, i32, i32
  }
}

module attributes {stable_mosaic.version = 14 : i64} {
  func.func @_fin_body(%arg0: memref<10x8x80xf32, #tpu.memory_space<vmem>>, %arg1: memref<9x8x80xf32, #tpu.memory_space<vmem>>, %arg2: memref<32x19x16xf32, #tpu.memory_space<vmem>>, %arg3: memref<1x1xf32, #tpu.memory_space<smem>>) attributes {dimension_semantics = [], scalar_prefetch = 0 : i64, scratch_operands = 0 : i64, tpu.core_type = #tpu.core_type<tc>} {
    %get3A = arith.constant 0 : index
    %get3A_0 = arith.constant 0 : index
    %get3A_1 = arith.constant 0 : index
    %get3A_2 = vector.load %arg2[%get3A, %get3A_0, %get3A_1] : memref<32x19x16xf32, #tpu.memory_space<vmem>>, vector<32x19x16xf32>
    %get3A_3 = arith.constant 0 : index
    %get3A_4 = arith.constant 0 : index
    %get3A_5 = arith.constant 0 : index
    %get3A_6 = vector.load %arg1[%get3A_3, %get3A_4, %get3A_5] : memref<9x8x80xf32, #tpu.memory_space<vmem>>, vector<1x8x80xf32>
    %get3A_7 = vector.shape_cast %get3A_6 : vector<1x8x80xf32> to vector<8x80xf32>
    %convert_element_type3A = arith.fptosi %get3A_7 : vector<8x80xf32> to vector<8x80xi32>
    %reduce_sum3A = vector.shape_cast %convert_element_type3A : vector<8x80xi32> to vector<1x8x80xi32>
    %reduce_sum3A_8 = arith.constant dense<0> : vector<1xi32>
    %reduce_sum3A_9 = vector.multi_reduction <add>, %reduce_sum3A, %reduce_sum3A_8 [1, 2] : vector<1x8x80xi32> to vector<1xi32>
    %reduce_sum3A_10 = vector.shape_cast %reduce_sum3A_9 : vector<1xi32> to vector<1x1x1xi32>
    %reduce_sum3A_11 = vector.extract %reduce_sum3A_10[0, 0, 0] : i32 from vector<1x1x1xi32>
    %slice3A = vector.extract_strided_slice %get3A_2 {offsets = [0, 10, 0], sizes = [32, 1, 16], strides = [1, 1, 1]} : vector<32x19x16xf32> to vector<32x1x16xf32>
    %squeeze3A = vector.shape_cast %slice3A : vector<32x1x16xf32> to vector<32x16xf32>
    %convert_element_type3A_12 = arith.fptosi %squeeze3A : vector<32x16xf32> to vector<32x16xi32>
    %reduce_sum3A_13 = vector.shape_cast %convert_element_type3A_12 : vector<32x16xi32> to vector<1x32x16xi32>
    %reduce_sum3A_14 = arith.constant dense<0> : vector<1xi32>
    %reduce_sum3A_15 = vector.multi_reduction <add>, %reduce_sum3A_13, %reduce_sum3A_14 [1, 2] : vector<1x32x16xi32> to vector<1xi32>
    %reduce_sum3A_16 = vector.shape_cast %reduce_sum3A_15 : vector<1xi32> to vector<1x1x1xi32>
    %reduce_sum3A_17 = vector.extract %reduce_sum3A_16[0, 0, 0] : i32 from vector<1x1x1xi32>
    %add3A = arith.addi %reduce_sum3A_11, %reduce_sum3A_17 : i32
    %get3A_18 = arith.constant 1 : index
    %get3A_19 = arith.constant 0 : index
    %get3A_20 = arith.constant 0 : index
    %get3A_21 = vector.load %arg1[%get3A_18, %get3A_19, %get3A_20] : memref<9x8x80xf32, #tpu.memory_space<vmem>>, vector<1x8x80xf32>
    %get3A_22 = vector.shape_cast %get3A_21 : vector<1x8x80xf32> to vector<8x80xf32>
    %convert_element_type3A_23 = arith.fptosi %get3A_22 : vector<8x80xf32> to vector<8x80xi32>
    %reduce_sum3A_24 = vector.shape_cast %convert_element_type3A_23 : vector<8x80xi32> to vector<1x8x80xi32>
    %reduce_sum3A_25 = arith.constant dense<0> : vector<1xi32>
    %reduce_sum3A_26 = vector.multi_reduction <add>, %reduce_sum3A_24, %reduce_sum3A_25 [1, 2] : vector<1x8x80xi32> to vector<1xi32>
    %reduce_sum3A_27 = vector.shape_cast %reduce_sum3A_26 : vector<1xi32> to vector<1x1x1xi32>
    %reduce_sum3A_28 = vector.extract %reduce_sum3A_27[0, 0, 0] : i32 from vector<1x1x1xi32>
    %slice3A_29 = vector.extract_strided_slice %get3A_2 {offsets = [0, 11, 0], sizes = [32, 1, 16], strides = [1, 1, 1]} : vector<32x19x16xf32> to vector<32x1x16xf32>
    %squeeze3A_30 = vector.shape_cast %slice3A_29 : vector<32x1x16xf32> to vector<32x16xf32>
    %convert_element_type3A_31 = arith.fptosi %squeeze3A_30 : vector<32x16xf32> to vector<32x16xi32>
    %reduce_sum3A_32 = vector.shape_cast %convert_element_type3A_31 : vector<32x16xi32> to vector<1x32x16xi32>
    %reduce_sum3A_33 = arith.constant dense<0> : vector<1xi32>
    %reduce_sum3A_34 = vector.multi_reduction <add>, %reduce_sum3A_32, %reduce_sum3A_33 [1, 2] : vector<1x32x16xi32> to vector<1xi32>
    %reduce_sum3A_35 = vector.shape_cast %reduce_sum3A_34 : vector<1xi32> to vector<1x1x1xi32>
    %reduce_sum3A_36 = vector.extract %reduce_sum3A_35[0, 0, 0] : i32 from vector<1x1x1xi32>
    %add3A_37 = arith.addi %reduce_sum3A_28, %reduce_sum3A_36 : i32
    %get3A_38 = arith.constant 2 : index
    %get3A_39 = arith.constant 0 : index
    %get3A_40 = arith.constant 0 : index
    %get3A_41 = vector.load %arg1[%get3A_38, %get3A_39, %get3A_40] : memref<9x8x80xf32, #tpu.memory_space<vmem>>, vector<1x8x80xf32>
    %get3A_42 = vector.shape_cast %get3A_41 : vector<1x8x80xf32> to vector<8x80xf32>
    %convert_element_type3A_43 = arith.fptosi %get3A_42 : vector<8x80xf32> to vector<8x80xi32>
    %reduce_sum3A_44 = vector.shape_cast %convert_element_type3A_43 : vector<8x80xi32> to vector<1x8x80xi32>
    %reduce_sum3A_45 = arith.constant dense<0> : vector<1xi32>
    %reduce_sum3A_46 = vector.multi_reduction <add>, %reduce_sum3A_44, %reduce_sum3A_45 [1, 2] : vector<1x8x80xi32> to vector<1xi32>
    %reduce_sum3A_47 = vector.shape_cast %reduce_sum3A_46 : vector<1xi32> to vector<1x1x1xi32>
    %reduce_sum3A_48 = vector.extract %reduce_sum3A_47[0, 0, 0] : i32 from vector<1x1x1xi32>
    %slice3A_49 = vector.extract_strided_slice %get3A_2 {offsets = [0, 12, 0], sizes = [32, 1, 16], strides = [1, 1, 1]} : vector<32x19x16xf32> to vector<32x1x16xf32>
    %squeeze3A_50 = vector.shape_cast %slice3A_49 : vector<32x1x16xf32> to vector<32x16xf32>
    %convert_element_type3A_51 = arith.fptosi %squeeze3A_50 : vector<32x16xf32> to vector<32x16xi32>
    %reduce_sum3A_52 = vector.shape_cast %convert_element_type3A_51 : vector<32x16xi32> to vector<1x32x16xi32>
    %reduce_sum3A_53 = arith.constant dense<0> : vector<1xi32>
    %reduce_sum3A_54 = vector.multi_reduction <add>, %reduce_sum3A_52, %reduce_sum3A_53 [1, 2] : vector<1x32x16xi32> to vector<1xi32>
    %reduce_sum3A_55 = vector.shape_cast %reduce_sum3A_54 : vector<1xi32> to vector<1x1x1xi32>
    %reduce_sum3A_56 = vector.extract %reduce_sum3A_55[0, 0, 0] : i32 from vector<1x1x1xi32>
    %add3A_57 = arith.addi %reduce_sum3A_48, %reduce_sum3A_56 : i32
    %get3A_58 = arith.constant 3 : index
    %get3A_59 = arith.constant 0 : index
    %get3A_60 = arith.constant 0 : index
    %get3A_61 = vector.load %arg1[%get3A_58, %get3A_59, %get3A_60] : memref<9x8x80xf32, #tpu.memory_space<vmem>>, vector<1x8x80xf32>
    %get3A_62 = vector.shape_cast %get3A_61 : vector<1x8x80xf32> to vector<8x80xf32>
    %convert_element_type3A_63 = arith.fptosi %get3A_62 : vector<8x80xf32> to vector<8x80xi32>
    %reduce_sum3A_64 = vector.shape_cast %convert_element_type3A_63 : vector<8x80xi32> to vector<1x8x80xi32>
    %reduce_sum3A_65 = arith.constant dense<0> : vector<1xi32>
    %reduce_sum3A_66 = vector.multi_reduction <add>, %reduce_sum3A_64, %reduce_sum3A_65 [1, 2] : vector<1x8x80xi32> to vector<1xi32>
    %reduce_sum3A_67 = vector.shape_cast %reduce_sum3A_66 : vector<1xi32> to vector<1x1x1xi32>
    %reduce_sum3A_68 = vector.extract %reduce_sum3A_67[0, 0, 0] : i32 from vector<1x1x1xi32>
    %slice3A_69 = vector.extract_strided_slice %get3A_2 {offsets = [0, 13, 0], sizes = [32, 1, 16], strides = [1, 1, 1]} : vector<32x19x16xf32> to vector<32x1x16xf32>
    %squeeze3A_70 = vector.shape_cast %slice3A_69 : vector<32x1x16xf32> to vector<32x16xf32>
    %convert_element_type3A_71 = arith.fptosi %squeeze3A_70 : vector<32x16xf32> to vector<32x16xi32>
    %reduce_sum3A_72 = vector.shape_cast %convert_element_type3A_71 : vector<32x16xi32> to vector<1x32x16xi32>
    %reduce_sum3A_73 = arith.constant dense<0> : vector<1xi32>
    %reduce_sum3A_74 = vector.multi_reduction <add>, %reduce_sum3A_72, %reduce_sum3A_73 [1, 2] : vector<1x32x16xi32> to vector<1xi32>
    %reduce_sum3A_75 = vector.shape_cast %reduce_sum3A_74 : vector<1xi32> to vector<1x1x1xi32>
    %reduce_sum3A_76 = vector.extract %reduce_sum3A_75[0, 0, 0] : i32 from vector<1x1x1xi32>
    %add3A_77 = arith.addi %reduce_sum3A_68, %reduce_sum3A_76 : i32
    %get3A_78 = arith.constant 4 : index
    %get3A_79 = arith.constant 0 : index
    %get3A_80 = arith.constant 0 : index
    %get3A_81 = vector.load %arg1[%get3A_78, %get3A_79, %get3A_80] : memref<9x8x80xf32, #tpu.memory_space<vmem>>, vector<1x8x80xf32>
    %get3A_82 = vector.shape_cast %get3A_81 : vector<1x8x80xf32> to vector<8x80xf32>
    %convert_element_type3A_83 = arith.fptosi %get3A_82 : vector<8x80xf32> to vector<8x80xi32>
    %reduce_sum3A_84 = vector.shape_cast %convert_element_type3A_83 : vector<8x80xi32> to vector<1x8x80xi32>
    %reduce_sum3A_85 = arith.constant dense<0> : vector<1xi32>
    %reduce_sum3A_86 = vector.multi_reduction <add>, %reduce_sum3A_84, %reduce_sum3A_85 [1, 2] : vector<1x8x80xi32> to vector<1xi32>
    %reduce_sum3A_87 = vector.shape_cast %reduce_sum3A_86 : vector<1xi32> to vector<1x1x1xi32>
    %reduce_sum3A_88 = vector.extract %reduce_sum3A_87[0, 0, 0] : i32 from vector<1x1x1xi32>
    %slice3A_89 = vector.extract_strided_slice %get3A_2 {offsets = [0, 14, 0], sizes = [32, 1, 16], strides = [1, 1, 1]} : vector<32x19x16xf32> to vector<32x1x16xf32>
    %squeeze3A_90 = vector.shape_cast %slice3A_89 : vector<32x1x16xf32> to vector<32x16xf32>
    %convert_element_type3A_91 = arith.fptosi %squeeze3A_90 : vector<32x16xf32> to vector<32x16xi32>
    %reduce_sum3A_92 = vector.shape_cast %convert_element_type3A_91 : vector<32x16xi32> to vector<1x32x16xi32>
    %reduce_sum3A_93 = arith.constant dense<0> : vector<1xi32>
    %reduce_sum3A_94 = vector.multi_reduction <add>, %reduce_sum3A_92, %reduce_sum3A_93 [1, 2] : vector<1x32x16xi32> to vector<1xi32>
    %reduce_sum3A_95 = vector.shape_cast %reduce_sum3A_94 : vector<1xi32> to vector<1x1x1xi32>
    %reduce_sum3A_96 = vector.extract %reduce_sum3A_95[0, 0, 0] : i32 from vector<1x1x1xi32>
    %add3A_97 = arith.addi %reduce_sum3A_88, %reduce_sum3A_96 : i32
    %get3A_98 = arith.constant 5 : index
    %get3A_99 = arith.constant 0 : index
    %get3A_100 = arith.constant 0 : index
    %get3A_101 = vector.load %arg1[%get3A_98, %get3A_99, %get3A_100] : memref<9x8x80xf32, #tpu.memory_space<vmem>>, vector<1x8x80xf32>
    %get3A_102 = vector.shape_cast %get3A_101 : vector<1x8x80xf32> to vector<8x80xf32>
    %convert_element_type3A_103 = arith.fptosi %get3A_102 : vector<8x80xf32> to vector<8x80xi32>
    %reduce_sum3A_104 = vector.shape_cast %convert_element_type3A_103 : vector<8x80xi32> to vector<1x8x80xi32>
    %reduce_sum3A_105 = arith.constant dense<0> : vector<1xi32>
    %reduce_sum3A_106 = vector.multi_reduction <add>, %reduce_sum3A_104, %reduce_sum3A_105 [1, 2] : vector<1x8x80xi32> to vector<1xi32>
    %reduce_sum3A_107 = vector.shape_cast %reduce_sum3A_106 : vector<1xi32> to vector<1x1x1xi32>
    %reduce_sum3A_108 = vector.extract %reduce_sum3A_107[0, 0, 0] : i32 from vector<1x1x1xi32>
    %slice3A_109 = vector.extract_strided_slice %get3A_2 {offsets = [0, 15, 0], sizes = [32, 1, 16], strides = [1, 1, 1]} : vector<32x19x16xf32> to vector<32x1x16xf32>
    %squeeze3A_110 = vector.shape_cast %slice3A_109 : vector<32x1x16xf32> to vector<32x16xf32>
    %convert_element_type3A_111 = arith.fptosi %squeeze3A_110 : vector<32x16xf32> to vector<32x16xi32>
    %reduce_sum3A_112 = vector.shape_cast %convert_element_type3A_111 : vector<32x16xi32> to vector<1x32x16xi32>
    %reduce_sum3A_113 = arith.constant dense<0> : vector<1xi32>
    %reduce_sum3A_114 = vector.multi_reduction <add>, %reduce_sum3A_112, %reduce_sum3A_113 [1, 2] : vector<1x32x16xi32> to vector<1xi32>
    %reduce_sum3A_115 = vector.shape_cast %reduce_sum3A_114 : vector<1xi32> to vector<1x1x1xi32>
    %reduce_sum3A_116 = vector.extract %reduce_sum3A_115[0, 0, 0] : i32 from vector<1x1x1xi32>
    %add3A_117 = arith.addi %reduce_sum3A_108, %reduce_sum3A_116 : i32
    %get3A_118 = arith.constant 6 : index
    %get3A_119 = arith.constant 0 : index
    %get3A_120 = arith.constant 0 : index
    %get3A_121 = vector.load %arg1[%get3A_118, %get3A_119, %get3A_120] : memref<9x8x80xf32, #tpu.memory_space<vmem>>, vector<1x8x80xf32>
    %get3A_122 = vector.shape_cast %get3A_121 : vector<1x8x80xf32> to vector<8x80xf32>
    %convert_element_type3A_123 = arith.fptosi %get3A_122 : vector<8x80xf32> to vector<8x80xi32>
    %reduce_sum3A_124 = vector.shape_cast %convert_element_type3A_123 : vector<8x80xi32> to vector<1x8x80xi32>
    %reduce_sum3A_125 = arith.constant dense<0> : vector<1xi32>
    %reduce_sum3A_126 = vector.multi_reduction <add>, %reduce_sum3A_124, %reduce_sum3A_125 [1, 2] : vector<1x8x80xi32> to vector<1xi32>
    %reduce_sum3A_127 = vector.shape_cast %reduce_sum3A_126 : vector<1xi32> to vector<1x1x1xi32>
    %reduce_sum3A_128 = vector.extract %reduce_sum3A_127[0, 0, 0] : i32 from vector<1x1x1xi32>
    %slice3A_129 = vector.extract_strided_slice %get3A_2 {offsets = [0, 16, 0], sizes = [32, 1, 16], strides = [1, 1, 1]} : vector<32x19x16xf32> to vector<32x1x16xf32>
    %squeeze3A_130 = vector.shape_cast %slice3A_129 : vector<32x1x16xf32> to vector<32x16xf32>
    %convert_element_type3A_131 = arith.fptosi %squeeze3A_130 : vector<32x16xf32> to vector<32x16xi32>
    %reduce_sum3A_132 = vector.shape_cast %convert_element_type3A_131 : vector<32x16xi32> to vector<1x32x16xi32>
    %reduce_sum3A_133 = arith.constant dense<0> : vector<1xi32>
    %reduce_sum3A_134 = vector.multi_reduction <add>, %reduce_sum3A_132, %reduce_sum3A_133 [1, 2] : vector<1x32x16xi32> to vector<1xi32>
    %reduce_sum3A_135 = vector.shape_cast %reduce_sum3A_134 : vector<1xi32> to vector<1x1x1xi32>
    %reduce_sum3A_136 = vector.extract %reduce_sum3A_135[0, 0, 0] : i32 from vector<1x1x1xi32>
    %add3A_137 = arith.addi %reduce_sum3A_128, %reduce_sum3A_136 : i32
    %get3A_138 = arith.constant 7 : index
    %get3A_139 = arith.constant 0 : index
    %get3A_140 = arith.constant 0 : index
    %get3A_141 = vector.load %arg1[%get3A_138, %get3A_139, %get3A_140] : memref<9x8x80xf32, #tpu.memory_space<vmem>>, vector<1x8x80xf32>
    %get3A_142 = vector.shape_cast %get3A_141 : vector<1x8x80xf32> to vector<8x80xf32>
    %convert_element_type3A_143 = arith.fptosi %get3A_142 : vector<8x80xf32> to vector<8x80xi32>
    %reduce_sum3A_144 = vector.shape_cast %convert_element_type3A_143 : vector<8x80xi32> to vector<1x8x80xi32>
    %reduce_sum3A_145 = arith.constant dense<0> : vector<1xi32>
    %reduce_sum3A_146 = vector.multi_reduction <add>, %reduce_sum3A_144, %reduce_sum3A_145 [1, 2] : vector<1x8x80xi32> to vector<1xi32>
    %reduce_sum3A_147 = vector.shape_cast %reduce_sum3A_146 : vector<1xi32> to vector<1x1x1xi32>
    %reduce_sum3A_148 = vector.extract %reduce_sum3A_147[0, 0, 0] : i32 from vector<1x1x1xi32>
    %slice3A_149 = vector.extract_strided_slice %get3A_2 {offsets = [0, 17, 0], sizes = [32, 1, 16], strides = [1, 1, 1]} : vector<32x19x16xf32> to vector<32x1x16xf32>
    %squeeze3A_150 = vector.shape_cast %slice3A_149 : vector<32x1x16xf32> to vector<32x16xf32>
    %convert_element_type3A_151 = arith.fptosi %squeeze3A_150 : vector<32x16xf32> to vector<32x16xi32>
    %reduce_sum3A_152 = vector.shape_cast %convert_element_type3A_151 : vector<32x16xi32> to vector<1x32x16xi32>
    %reduce_sum3A_153 = arith.constant dense<0> : vector<1xi32>
    %reduce_sum3A_154 = vector.multi_reduction <add>, %reduce_sum3A_152, %reduce_sum3A_153 [1, 2] : vector<1x32x16xi32> to vector<1xi32>
    %reduce_sum3A_155 = vector.shape_cast %reduce_sum3A_154 : vector<1xi32> to vector<1x1x1xi32>
    %reduce_sum3A_156 = vector.extract %reduce_sum3A_155[0, 0, 0] : i32 from vector<1x1x1xi32>
    %add3A_157 = arith.addi %reduce_sum3A_148, %reduce_sum3A_156 : i32
    %get3A_158 = arith.constant 8 : index
    %get3A_159 = arith.constant 0 : index
    %get3A_160 = arith.constant 0 : index
    %get3A_161 = vector.load %arg1[%get3A_158, %get3A_159, %get3A_160] : memref<9x8x80xf32, #tpu.memory_space<vmem>>, vector<1x8x80xf32>
    %get3A_162 = vector.shape_cast %get3A_161 : vector<1x8x80xf32> to vector<8x80xf32>
    %convert_element_type3A_163 = arith.fptosi %get3A_162 : vector<8x80xf32> to vector<8x80xi32>
    %reduce_sum3A_164 = vector.shape_cast %convert_element_type3A_163 : vector<8x80xi32> to vector<1x8x80xi32>
    %reduce_sum3A_165 = arith.constant dense<0> : vector<1xi32>
    %reduce_sum3A_166 = vector.multi_reduction <add>, %reduce_sum3A_164, %reduce_sum3A_165 [1, 2] : vector<1x8x80xi32> to vector<1xi32>
    %reduce_sum3A_167 = vector.shape_cast %reduce_sum3A_166 : vector<1xi32> to vector<1x1x1xi32>
    %reduce_sum3A_168 = vector.extract %reduce_sum3A_167[0, 0, 0] : i32 from vector<1x1x1xi32>
    %slice3A_169 = vector.extract_strided_slice %get3A_2 {offsets = [0, 18, 0], sizes = [32, 1, 16], strides = [1, 1, 1]} : vector<32x19x16xf32> to vector<32x1x16xf32>
    %squeeze3A_170 = vector.shape_cast %slice3A_169 : vector<32x1x16xf32> to vector<32x16xf32>
    %convert_element_type3A_171 = arith.fptosi %squeeze3A_170 : vector<32x16xf32> to vector<32x16xi32>
    %reduce_sum3A_172 = vector.shape_cast %convert_element_type3A_171 : vector<32x16xi32> to vector<1x32x16xi32>
    %reduce_sum3A_173 = arith.constant dense<0> : vector<1xi32>
    %reduce_sum3A_174 = vector.multi_reduction <add>, %reduce_sum3A_172, %reduce_sum3A_173 [1, 2] : vector<1x32x16xi32> to vector<1xi32>
    %reduce_sum3A_175 = vector.shape_cast %reduce_sum3A_174 : vector<1xi32> to vector<1x1x1xi32>
    %reduce_sum3A_176 = vector.extract %reduce_sum3A_175[0, 0, 0] : i32 from vector<1x1x1xi32>
    %add3A_177 = arith.addi %reduce_sum3A_168, %reduce_sum3A_176 : i32
    %sub3A = arith.constant 20971520 : i32
    %sub3A_178 = arith.subi %sub3A, %add3A : i32
    %get3A_179 = arith.constant 0 : index
    %get3A_180 = arith.constant 0 : index
    %get3A_181 = arith.constant 0 : index
    %get3A_182 = vector.load %arg0[%get3A_179, %get3A_180, %get3A_181] : memref<10x8x80xf32, #tpu.memory_space<vmem>>, vector<1x8x80xf32>
    %get3A_183 = vector.shape_cast %get3A_182 : vector<1x8x80xf32> to vector<8x80xf32>
    %reduce_sum3A_184 = vector.shape_cast %get3A_183 : vector<8x80xf32> to vector<1x8x80xf32>
    %reduce_sum3A_185 = arith.constant dense<0.000000e+00> : vector<1xf32>
    %reduce_sum3A_186 = vector.multi_reduction <add>, %reduce_sum3A_184, %reduce_sum3A_185 [1, 2] : vector<1x8x80xf32> to vector<1xf32>
    %reduce_sum3A_187 = vector.shape_cast %reduce_sum3A_186 : vector<1xf32> to vector<1x1x1xf32>
    %reduce_sum3A_188 = vector.extract %reduce_sum3A_187[0, 0, 0] : f32 from vector<1x1x1xf32>
    %slice3A_189 = vector.extract_strided_slice %get3A_2 {offsets = [0, 0, 0], sizes = [32, 1, 16], strides = [1, 1, 1]} : vector<32x19x16xf32> to vector<32x1x16xf32>
    %squeeze3A_190 = vector.shape_cast %slice3A_189 : vector<32x1x16xf32> to vector<32x16xf32>
    %reduce_sum3A_191 = vector.shape_cast %squeeze3A_190 : vector<32x16xf32> to vector<1x32x16xf32>
    %reduce_sum3A_192 = arith.constant dense<0.000000e+00> : vector<1xf32>
    %reduce_sum3A_193 = vector.multi_reduction <add>, %reduce_sum3A_191, %reduce_sum3A_192 [1, 2] : vector<1x32x16xf32> to vector<1xf32>
    %reduce_sum3A_194 = vector.shape_cast %reduce_sum3A_193 : vector<1xf32> to vector<1x1x1xf32>
    %reduce_sum3A_195 = vector.extract %reduce_sum3A_194[0, 0, 0] : f32 from vector<1x1x1xf32>
    %add3A_196 = arith.addf %reduce_sum3A_188, %reduce_sum3A_195 : f32
    %gt3A = arith.constant 0 : i32
    %gt3A_197 = arith.cmpi sgt, %sub3A_178, %gt3A : i32
    %convert_element_type3A_198 = arith.extui %gt3A_197 : i1 to i32
    %convert_element_type3A_199 = arith.sitofp %convert_element_type3A_198 : i32 to f32
    %add3A_200 = arith.constant 0.000000e+00 : f32
    %add3A_201 = arith.addf %add3A_200, %convert_element_type3A_199 : f32
    %convert_element_type3A_202 = arith.sitofp %sub3A_178 : i32 to f32
    %max3A = arith.constant 1.000000e+00 : f32
    %max3A_203 = arith.maximumf %convert_element_type3A_202, %max3A : f32
    %div3A = arith.divf %add3A_196, %max3A_203 : f32
    %jit3A = arith.constant 0.000000e+00 : f32
    %select_n3A = arith.select %gt3A_197, %div3A, %jit3A : f32
    %add3A_204 = arith.constant 0.000000e+00 : f32
    %add3A_205 = arith.addf %add3A_204, %select_n3A : f32
    %sub3A_206 = arith.subi %add3A, %add3A_37 : i32
    %get3A_207 = arith.constant 1 : index
    %get3A_208 = arith.constant 0 : index
    %get3A_209 = arith.constant 0 : index
    %get3A_210 = vector.load %arg0[%get3A_207, %get3A_208, %get3A_209] : memref<10x8x80xf32, #tpu.memory_space<vmem>>, vector<1x8x80xf32>
    %get3A_211 = vector.shape_cast %get3A_210 : vector<1x8x80xf32> to vector<8x80xf32>
    %reduce_sum3A_212 = vector.shape_cast %get3A_211 : vector<8x80xf32> to vector<1x8x80xf32>
    %reduce_sum3A_213 = arith.constant dense<0.000000e+00> : vector<1xf32>
    %reduce_sum3A_214 = vector.multi_reduction <add>, %reduce_sum3A_212, %reduce_sum3A_213 [1, 2] : vector<1x8x80xf32> to vector<1xf32>
    %reduce_sum3A_215 = vector.shape_cast %reduce_sum3A_214 : vector<1xf32> to vector<1x1x1xf32>
    %reduce_sum3A_216 = vector.extract %reduce_sum3A_215[0, 0, 0] : f32 from vector<1x1x1xf32>
    %slice3A_217 = vector.extract_strided_slice %get3A_2 {offsets = [0, 1, 0], sizes = [32, 1, 16], strides = [1, 1, 1]} : vector<32x19x16xf32> to vector<32x1x16xf32>
    %squeeze3A_218 = vector.shape_cast %slice3A_217 : vector<32x1x16xf32> to vector<32x16xf32>
    %reduce_sum3A_219 = vector.shape_cast %squeeze3A_218 : vector<32x16xf32> to vector<1x32x16xf32>
    %reduce_sum3A_220 = arith.constant dense<0.000000e+00> : vector<1xf32>
    %reduce_sum3A_221 = vector.multi_reduction <add>, %reduce_sum3A_219, %reduce_sum3A_220 [1, 2] : vector<1x32x16xf32> to vector<1xf32>
    %reduce_sum3A_222 = vector.shape_cast %reduce_sum3A_221 : vector<1xf32> to vector<1x1x1xf32>
    %reduce_sum3A_223 = vector.extract %reduce_sum3A_222[0, 0, 0] : f32 from vector<1x1x1xf32>
    %add3A_224 = arith.addf %reduce_sum3A_216, %reduce_sum3A_223 : f32
    %gt3A_225 = arith.constant 0 : i32
    %gt3A_226 = arith.cmpi sgt, %sub3A_206, %gt3A_225 : i32
    %convert_element_type3A_227 = arith.extui %gt3A_226 : i1 to i32
    %convert_element_type3A_228 = arith.sitofp %convert_element_type3A_227 : i32 to f32
    %add3A_229 = arith.addf %add3A_201, %convert_element_type3A_228 : f32
    %convert_element_type3A_230 = arith.sitofp %sub3A_206 : i32 to f32
    %max3A_231 = arith.constant 1.000000e+00 : f32
    %max3A_232 = arith.maximumf %convert_element_type3A_230, %max3A_231 : f32
    %div3A_233 = arith.divf %add3A_224, %max3A_232 : f32
    %jit3A_234 = arith.constant 0.000000e+00 : f32
    %select_n3A_235 = arith.select %gt3A_226, %div3A_233, %jit3A_234 : f32
    %add3A_236 = arith.addf %add3A_205, %select_n3A_235 : f32
    %sub3A_237 = arith.subi %add3A_37, %add3A_57 : i32
    %get3A_238 = arith.constant 2 : index
    %get3A_239 = arith.constant 0 : index
    %get3A_240 = arith.constant 0 : index
    %get3A_241 = vector.load %arg0[%get3A_238, %get3A_239, %get3A_240] : memref<10x8x80xf32, #tpu.memory_space<vmem>>, vector<1x8x80xf32>
    %get3A_242 = vector.shape_cast %get3A_241 : vector<1x8x80xf32> to vector<8x80xf32>
    %reduce_sum3A_243 = vector.shape_cast %get3A_242 : vector<8x80xf32> to vector<1x8x80xf32>
    %reduce_sum3A_244 = arith.constant dense<0.000000e+00> : vector<1xf32>
    %reduce_sum3A_245 = vector.multi_reduction <add>, %reduce_sum3A_243, %reduce_sum3A_244 [1, 2] : vector<1x8x80xf32> to vector<1xf32>
    %reduce_sum3A_246 = vector.shape_cast %reduce_sum3A_245 : vector<1xf32> to vector<1x1x1xf32>
    %reduce_sum3A_247 = vector.extract %reduce_sum3A_246[0, 0, 0] : f32 from vector<1x1x1xf32>
    %slice3A_248 = vector.extract_strided_slice %get3A_2 {offsets = [0, 2, 0], sizes = [32, 1, 16], strides = [1, 1, 1]} : vector<32x19x16xf32> to vector<32x1x16xf32>
    %squeeze3A_249 = vector.shape_cast %slice3A_248 : vector<32x1x16xf32> to vector<32x16xf32>
    %reduce_sum3A_250 = vector.shape_cast %squeeze3A_249 : vector<32x16xf32> to vector<1x32x16xf32>
    %reduce_sum3A_251 = arith.constant dense<0.000000e+00> : vector<1xf32>
    %reduce_sum3A_252 = vector.multi_reduction <add>, %reduce_sum3A_250, %reduce_sum3A_251 [1, 2] : vector<1x32x16xf32> to vector<1xf32>
    %reduce_sum3A_253 = vector.shape_cast %reduce_sum3A_252 : vector<1xf32> to vector<1x1x1xf32>
    %reduce_sum3A_254 = vector.extract %reduce_sum3A_253[0, 0, 0] : f32 from vector<1x1x1xf32>
    %add3A_255 = arith.addf %reduce_sum3A_247, %reduce_sum3A_254 : f32
    %gt3A_256 = arith.constant 0 : i32
    %gt3A_257 = arith.cmpi sgt, %sub3A_237, %gt3A_256 : i32
    %convert_element_type3A_258 = arith.extui %gt3A_257 : i1 to i32
    %convert_element_type3A_259 = arith.sitofp %convert_element_type3A_258 : i32 to f32
    %add3A_260 = arith.addf %add3A_229, %convert_element_type3A_259 : f32
    %convert_element_type3A_261 = arith.sitofp %sub3A_237 : i32 to f32
    %max3A_262 = arith.constant 1.000000e+00 : f32
    %max3A_263 = arith.maximumf %convert_element_type3A_261, %max3A_262 : f32
    %div3A_264 = arith.divf %add3A_255, %max3A_263 : f32
    %jit3A_265 = arith.constant 0.000000e+00 : f32
    %select_n3A_266 = arith.select %gt3A_257, %div3A_264, %jit3A_265 : f32
    %add3A_267 = arith.addf %add3A_236, %select_n3A_266 : f32
    %sub3A_268 = arith.subi %add3A_57, %add3A_77 : i32
    %get3A_269 = arith.constant 3 : index
    %get3A_270 = arith.constant 0 : index
    %get3A_271 = arith.constant 0 : index
    %get3A_272 = vector.load %arg0[%get3A_269, %get3A_270, %get3A_271] : memref<10x8x80xf32, #tpu.memory_space<vmem>>, vector<1x8x80xf32>
    %get3A_273 = vector.shape_cast %get3A_272 : vector<1x8x80xf32> to vector<8x80xf32>
    %reduce_sum3A_274 = vector.shape_cast %get3A_273 : vector<8x80xf32> to vector<1x8x80xf32>
    %reduce_sum3A_275 = arith.constant dense<0.000000e+00> : vector<1xf32>
    %reduce_sum3A_276 = vector.multi_reduction <add>, %reduce_sum3A_274, %reduce_sum3A_275 [1, 2] : vector<1x8x80xf32> to vector<1xf32>
    %reduce_sum3A_277 = vector.shape_cast %reduce_sum3A_276 : vector<1xf32> to vector<1x1x1xf32>
    %reduce_sum3A_278 = vector.extract %reduce_sum3A_277[0, 0, 0] : f32 from vector<1x1x1xf32>
    %slice3A_279 = vector.extract_strided_slice %get3A_2 {offsets = [0, 3, 0], sizes = [32, 1, 16], strides = [1, 1, 1]} : vector<32x19x16xf32> to vector<32x1x16xf32>
    %squeeze3A_280 = vector.shape_cast %slice3A_279 : vector<32x1x16xf32> to vector<32x16xf32>
    %reduce_sum3A_281 = vector.shape_cast %squeeze3A_280 : vector<32x16xf32> to vector<1x32x16xf32>
    %reduce_sum3A_282 = arith.constant dense<0.000000e+00> : vector<1xf32>
    %reduce_sum3A_283 = vector.multi_reduction <add>, %reduce_sum3A_281, %reduce_sum3A_282 [1, 2] : vector<1x32x16xf32> to vector<1xf32>
    %reduce_sum3A_284 = vector.shape_cast %reduce_sum3A_283 : vector<1xf32> to vector<1x1x1xf32>
    %reduce_sum3A_285 = vector.extract %reduce_sum3A_284[0, 0, 0] : f32 from vector<1x1x1xf32>
    %add3A_286 = arith.addf %reduce_sum3A_278, %reduce_sum3A_285 : f32
    %gt3A_287 = arith.constant 0 : i32
    %gt3A_288 = arith.cmpi sgt, %sub3A_268, %gt3A_287 : i32
    %convert_element_type3A_289 = arith.extui %gt3A_288 : i1 to i32
    %convert_element_type3A_290 = arith.sitofp %convert_element_type3A_289 : i32 to f32
    %add3A_291 = arith.addf %add3A_260, %convert_element_type3A_290 : f32
    %convert_element_type3A_292 = arith.sitofp %sub3A_268 : i32 to f32
    %max3A_293 = arith.constant 1.000000e+00 : f32
    %max3A_294 = arith.maximumf %convert_element_type3A_292, %max3A_293 : f32
    %div3A_295 = arith.divf %add3A_286, %max3A_294 : f32
    %jit3A_296 = arith.constant 0.000000e+00 : f32
    %select_n3A_297 = arith.select %gt3A_288, %div3A_295, %jit3A_296 : f32
    %add3A_298 = arith.addf %add3A_267, %select_n3A_297 : f32
    %sub3A_299 = arith.subi %add3A_77, %add3A_97 : i32
    %get3A_300 = arith.constant 4 : index
    %get3A_301 = arith.constant 0 : index
    %get3A_302 = arith.constant 0 : index
    %get3A_303 = vector.load %arg0[%get3A_300, %get3A_301, %get3A_302] : memref<10x8x80xf32, #tpu.memory_space<vmem>>, vector<1x8x80xf32>
    %get3A_304 = vector.shape_cast %get3A_303 : vector<1x8x80xf32> to vector<8x80xf32>
    %reduce_sum3A_305 = vector.shape_cast %get3A_304 : vector<8x80xf32> to vector<1x8x80xf32>
    %reduce_sum3A_306 = arith.constant dense<0.000000e+00> : vector<1xf32>
    %reduce_sum3A_307 = vector.multi_reduction <add>, %reduce_sum3A_305, %reduce_sum3A_306 [1, 2] : vector<1x8x80xf32> to vector<1xf32>
    %reduce_sum3A_308 = vector.shape_cast %reduce_sum3A_307 : vector<1xf32> to vector<1x1x1xf32>
    %reduce_sum3A_309 = vector.extract %reduce_sum3A_308[0, 0, 0] : f32 from vector<1x1x1xf32>
    %slice3A_310 = vector.extract_strided_slice %get3A_2 {offsets = [0, 4, 0], sizes = [32, 1, 16], strides = [1, 1, 1]} : vector<32x19x16xf32> to vector<32x1x16xf32>
    %squeeze3A_311 = vector.shape_cast %slice3A_310 : vector<32x1x16xf32> to vector<32x16xf32>
    %reduce_sum3A_312 = vector.shape_cast %squeeze3A_311 : vector<32x16xf32> to vector<1x32x16xf32>
    %reduce_sum3A_313 = arith.constant dense<0.000000e+00> : vector<1xf32>
    %reduce_sum3A_314 = vector.multi_reduction <add>, %reduce_sum3A_312, %reduce_sum3A_313 [1, 2] : vector<1x32x16xf32> to vector<1xf32>
    %reduce_sum3A_315 = vector.shape_cast %reduce_sum3A_314 : vector<1xf32> to vector<1x1x1xf32>
    %reduce_sum3A_316 = vector.extract %reduce_sum3A_315[0, 0, 0] : f32 from vector<1x1x1xf32>
    %add3A_317 = arith.addf %reduce_sum3A_309, %reduce_sum3A_316 : f32
    %gt3A_318 = arith.constant 0 : i32
    %gt3A_319 = arith.cmpi sgt, %sub3A_299, %gt3A_318 : i32
    %convert_element_type3A_320 = arith.extui %gt3A_319 : i1 to i32
    %convert_element_type3A_321 = arith.sitofp %convert_element_type3A_320 : i32 to f32
    %add3A_322 = arith.addf %add3A_291, %convert_element_type3A_321 : f32
    %convert_element_type3A_323 = arith.sitofp %sub3A_299 : i32 to f32
    %max3A_324 = arith.constant 1.000000e+00 : f32
    %max3A_325 = arith.maximumf %convert_element_type3A_323, %max3A_324 : f32
    %div3A_326 = arith.divf %add3A_317, %max3A_325 : f32
    %jit3A_327 = arith.constant 0.000000e+00 : f32
    %select_n3A_328 = arith.select %gt3A_319, %div3A_326, %jit3A_327 : f32
    %add3A_329 = arith.addf %add3A_298, %select_n3A_328 : f32
    %sub3A_330 = arith.subi %add3A_97, %add3A_117 : i32
    %get3A_331 = arith.constant 5 : index
    %get3A_332 = arith.constant 0 : index
    %get3A_333 = arith.constant 0 : index
    %get3A_334 = vector.load %arg0[%get3A_331, %get3A_332, %get3A_333] : memref<10x8x80xf32, #tpu.memory_space<vmem>>, vector<1x8x80xf32>
    %get3A_335 = vector.shape_cast %get3A_334 : vector<1x8x80xf32> to vector<8x80xf32>
    %reduce_sum3A_336 = vector.shape_cast %get3A_335 : vector<8x80xf32> to vector<1x8x80xf32>
    %reduce_sum3A_337 = arith.constant dense<0.000000e+00> : vector<1xf32>
    %reduce_sum3A_338 = vector.multi_reduction <add>, %reduce_sum3A_336, %reduce_sum3A_337 [1, 2] : vector<1x8x80xf32> to vector<1xf32>
    %reduce_sum3A_339 = vector.shape_cast %reduce_sum3A_338 : vector<1xf32> to vector<1x1x1xf32>
    %reduce_sum3A_340 = vector.extract %reduce_sum3A_339[0, 0, 0] : f32 from vector<1x1x1xf32>
    %slice3A_341 = vector.extract_strided_slice %get3A_2 {offsets = [0, 5, 0], sizes = [32, 1, 16], strides = [1, 1, 1]} : vector<32x19x16xf32> to vector<32x1x16xf32>
    %squeeze3A_342 = vector.shape_cast %slice3A_341 : vector<32x1x16xf32> to vector<32x16xf32>
    %reduce_sum3A_343 = vector.shape_cast %squeeze3A_342 : vector<32x16xf32> to vector<1x32x16xf32>
    %reduce_sum3A_344 = arith.constant dense<0.000000e+00> : vector<1xf32>
    %reduce_sum3A_345 = vector.multi_reduction <add>, %reduce_sum3A_343, %reduce_sum3A_344 [1, 2] : vector<1x32x16xf32> to vector<1xf32>
    %reduce_sum3A_346 = vector.shape_cast %reduce_sum3A_345 : vector<1xf32> to vector<1x1x1xf32>
    %reduce_sum3A_347 = vector.extract %reduce_sum3A_346[0, 0, 0] : f32 from vector<1x1x1xf32>
    %add3A_348 = arith.addf %reduce_sum3A_340, %reduce_sum3A_347 : f32
    %gt3A_349 = arith.constant 0 : i32
    %gt3A_350 = arith.cmpi sgt, %sub3A_330, %gt3A_349 : i32
    %convert_element_type3A_351 = arith.extui %gt3A_350 : i1 to i32
    %convert_element_type3A_352 = arith.sitofp %convert_element_type3A_351 : i32 to f32
    %add3A_353 = arith.addf %add3A_322, %convert_element_type3A_352 : f32
    %convert_element_type3A_354 = arith.sitofp %sub3A_330 : i32 to f32
    %max3A_355 = arith.constant 1.000000e+00 : f32
    %max3A_356 = arith.maximumf %convert_element_type3A_354, %max3A_355 : f32
    %div3A_357 = arith.divf %add3A_348, %max3A_356 : f32
    %jit3A_358 = arith.constant 0.000000e+00 : f32
    %select_n3A_359 = arith.select %gt3A_350, %div3A_357, %jit3A_358 : f32
    %add3A_360 = arith.addf %add3A_329, %select_n3A_359 : f32
    %sub3A_361 = arith.subi %add3A_117, %add3A_137 : i32
    %get3A_362 = arith.constant 6 : index
    %get3A_363 = arith.constant 0 : index
    %get3A_364 = arith.constant 0 : index
    %get3A_365 = vector.load %arg0[%get3A_362, %get3A_363, %get3A_364] : memref<10x8x80xf32, #tpu.memory_space<vmem>>, vector<1x8x80xf32>
    %get3A_366 = vector.shape_cast %get3A_365 : vector<1x8x80xf32> to vector<8x80xf32>
    %reduce_sum3A_367 = vector.shape_cast %get3A_366 : vector<8x80xf32> to vector<1x8x80xf32>
    %reduce_sum3A_368 = arith.constant dense<0.000000e+00> : vector<1xf32>
    %reduce_sum3A_369 = vector.multi_reduction <add>, %reduce_sum3A_367, %reduce_sum3A_368 [1, 2] : vector<1x8x80xf32> to vector<1xf32>
    %reduce_sum3A_370 = vector.shape_cast %reduce_sum3A_369 : vector<1xf32> to vector<1x1x1xf32>
    %reduce_sum3A_371 = vector.extract %reduce_sum3A_370[0, 0, 0] : f32 from vector<1x1x1xf32>
    %slice3A_372 = vector.extract_strided_slice %get3A_2 {offsets = [0, 6, 0], sizes = [32, 1, 16], strides = [1, 1, 1]} : vector<32x19x16xf32> to vector<32x1x16xf32>
    %squeeze3A_373 = vector.shape_cast %slice3A_372 : vector<32x1x16xf32> to vector<32x16xf32>
    %reduce_sum3A_374 = vector.shape_cast %squeeze3A_373 : vector<32x16xf32> to vector<1x32x16xf32>
    %reduce_sum3A_375 = arith.constant dense<0.000000e+00> : vector<1xf32>
    %reduce_sum3A_376 = vector.multi_reduction <add>, %reduce_sum3A_374, %reduce_sum3A_375 [1, 2] : vector<1x32x16xf32> to vector<1xf32>
    %reduce_sum3A_377 = vector.shape_cast %reduce_sum3A_376 : vector<1xf32> to vector<1x1x1xf32>
    %reduce_sum3A_378 = vector.extract %reduce_sum3A_377[0, 0, 0] : f32 from vector<1x1x1xf32>
    %add3A_379 = arith.addf %reduce_sum3A_371, %reduce_sum3A_378 : f32
    %gt3A_380 = arith.constant 0 : i32
    %gt3A_381 = arith.cmpi sgt, %sub3A_361, %gt3A_380 : i32
    %convert_element_type3A_382 = arith.extui %gt3A_381 : i1 to i32
    %convert_element_type3A_383 = arith.sitofp %convert_element_type3A_382 : i32 to f32
    %add3A_384 = arith.addf %add3A_353, %convert_element_type3A_383 : f32
    %convert_element_type3A_385 = arith.sitofp %sub3A_361 : i32 to f32
    %max3A_386 = arith.constant 1.000000e+00 : f32
    %max3A_387 = arith.maximumf %convert_element_type3A_385, %max3A_386 : f32
    %div3A_388 = arith.divf %add3A_379, %max3A_387 : f32
    %jit3A_389 = arith.constant 0.000000e+00 : f32
    %select_n3A_390 = arith.select %gt3A_381, %div3A_388, %jit3A_389 : f32
    %add3A_391 = arith.addf %add3A_360, %select_n3A_390 : f32
    %sub3A_392 = arith.subi %add3A_137, %add3A_157 : i32
    %get3A_393 = arith.constant 7 : index
    %get3A_394 = arith.constant 0 : index
    %get3A_395 = arith.constant 0 : index
    %get3A_396 = vector.load %arg0[%get3A_393, %get3A_394, %get3A_395] : memref<10x8x80xf32, #tpu.memory_space<vmem>>, vector<1x8x80xf32>
    %get3A_397 = vector.shape_cast %get3A_396 : vector<1x8x80xf32> to vector<8x80xf32>
    %reduce_sum3A_398 = vector.shape_cast %get3A_397 : vector<8x80xf32> to vector<1x8x80xf32>
    %reduce_sum3A_399 = arith.constant dense<0.000000e+00> : vector<1xf32>
    %reduce_sum3A_400 = vector.multi_reduction <add>, %reduce_sum3A_398, %reduce_sum3A_399 [1, 2] : vector<1x8x80xf32> to vector<1xf32>
    %reduce_sum3A_401 = vector.shape_cast %reduce_sum3A_400 : vector<1xf32> to vector<1x1x1xf32>
    %reduce_sum3A_402 = vector.extract %reduce_sum3A_401[0, 0, 0] : f32 from vector<1x1x1xf32>
    %slice3A_403 = vector.extract_strided_slice %get3A_2 {offsets = [0, 7, 0], sizes = [32, 1, 16], strides = [1, 1, 1]} : vector<32x19x16xf32> to vector<32x1x16xf32>
    %squeeze3A_404 = vector.shape_cast %slice3A_403 : vector<32x1x16xf32> to vector<32x16xf32>
    %reduce_sum3A_405 = vector.shape_cast %squeeze3A_404 : vector<32x16xf32> to vector<1x32x16xf32>
    %reduce_sum3A_406 = arith.constant dense<0.000000e+00> : vector<1xf32>
    %reduce_sum3A_407 = vector.multi_reduction <add>, %reduce_sum3A_405, %reduce_sum3A_406 [1, 2] : vector<1x32x16xf32> to vector<1xf32>
    %reduce_sum3A_408 = vector.shape_cast %reduce_sum3A_407 : vector<1xf32> to vector<1x1x1xf32>
    %reduce_sum3A_409 = vector.extract %reduce_sum3A_408[0, 0, 0] : f32 from vector<1x1x1xf32>
    %add3A_410 = arith.addf %reduce_sum3A_402, %reduce_sum3A_409 : f32
    %gt3A_411 = arith.constant 0 : i32
    %gt3A_412 = arith.cmpi sgt, %sub3A_392, %gt3A_411 : i32
    %convert_element_type3A_413 = arith.extui %gt3A_412 : i1 to i32
    %convert_element_type3A_414 = arith.sitofp %convert_element_type3A_413 : i32 to f32
    %add3A_415 = arith.addf %add3A_384, %convert_element_type3A_414 : f32
    %convert_element_type3A_416 = arith.sitofp %sub3A_392 : i32 to f32
    %max3A_417 = arith.constant 1.000000e+00 : f32
    %max3A_418 = arith.maximumf %convert_element_type3A_416, %max3A_417 : f32
    %div3A_419 = arith.divf %add3A_410, %max3A_418 : f32
    %jit3A_420 = arith.constant 0.000000e+00 : f32
    %select_n3A_421 = arith.select %gt3A_412, %div3A_419, %jit3A_420 : f32
    %add3A_422 = arith.addf %add3A_391, %select_n3A_421 : f32
    %sub3A_423 = arith.subi %add3A_157, %add3A_177 : i32
    %get3A_424 = arith.constant 8 : index
    %get3A_425 = arith.constant 0 : index
    %get3A_426 = arith.constant 0 : index
    %get3A_427 = vector.load %arg0[%get3A_424, %get3A_425, %get3A_426] : memref<10x8x80xf32, #tpu.memory_space<vmem>>, vector<1x8x80xf32>
    %get3A_428 = vector.shape_cast %get3A_427 : vector<1x8x80xf32> to vector<8x80xf32>
    %reduce_sum3A_429 = vector.shape_cast %get3A_428 : vector<8x80xf32> to vector<1x8x80xf32>
    %reduce_sum3A_430 = arith.constant dense<0.000000e+00> : vector<1xf32>
    %reduce_sum3A_431 = vector.multi_reduction <add>, %reduce_sum3A_429, %reduce_sum3A_430 [1, 2] : vector<1x8x80xf32> to vector<1xf32>
    %reduce_sum3A_432 = vector.shape_cast %reduce_sum3A_431 : vector<1xf32> to vector<1x1x1xf32>
    %reduce_sum3A_433 = vector.extract %reduce_sum3A_432[0, 0, 0] : f32 from vector<1x1x1xf32>
    %slice3A_434 = vector.extract_strided_slice %get3A_2 {offsets = [0, 8, 0], sizes = [32, 1, 16], strides = [1, 1, 1]} : vector<32x19x16xf32> to vector<32x1x16xf32>
    %squeeze3A_435 = vector.shape_cast %slice3A_434 : vector<32x1x16xf32> to vector<32x16xf32>
    %reduce_sum3A_436 = vector.shape_cast %squeeze3A_435 : vector<32x16xf32> to vector<1x32x16xf32>
    %reduce_sum3A_437 = arith.constant dense<0.000000e+00> : vector<1xf32>
    %reduce_sum3A_438 = vector.multi_reduction <add>, %reduce_sum3A_436, %reduce_sum3A_437 [1, 2] : vector<1x32x16xf32> to vector<1xf32>
    %reduce_sum3A_439 = vector.shape_cast %reduce_sum3A_438 : vector<1xf32> to vector<1x1x1xf32>
    %reduce_sum3A_440 = vector.extract %reduce_sum3A_439[0, 0, 0] : f32 from vector<1x1x1xf32>
    %add3A_441 = arith.addf %reduce_sum3A_433, %reduce_sum3A_440 : f32
    %gt3A_442 = arith.constant 0 : i32
    %gt3A_443 = arith.cmpi sgt, %sub3A_423, %gt3A_442 : i32
    %convert_element_type3A_444 = arith.extui %gt3A_443 : i1 to i32
    %convert_element_type3A_445 = arith.sitofp %convert_element_type3A_444 : i32 to f32
    %add3A_446 = arith.addf %add3A_415, %convert_element_type3A_445 : f32
    %convert_element_type3A_447 = arith.sitofp %sub3A_423 : i32 to f32
    %max3A_448 = arith.constant 1.000000e+00 : f32
    %max3A_449 = arith.maximumf %convert_element_type3A_447, %max3A_448 : f32
    %div3A_450 = arith.divf %add3A_441, %max3A_449 : f32
    %jit3A_451 = arith.constant 0.000000e+00 : f32
    %select_n3A_452 = arith.select %gt3A_443, %div3A_450, %jit3A_451 : f32
    %add3A_453 = arith.addf %add3A_422, %select_n3A_452 : f32
    %sub3A_454 = arith.constant 0 : i32
    %sub3A_455 = arith.subi %add3A_177, %sub3A_454 : i32
    %get3A_456 = arith.constant 9 : index
    %get3A_457 = arith.constant 0 : index
    %get3A_458 = arith.constant 0 : index
    %get3A_459 = vector.load %arg0[%get3A_456, %get3A_457, %get3A_458] : memref<10x8x80xf32, #tpu.memory_space<vmem>>, vector<1x8x80xf32>
    %get3A_460 = vector.shape_cast %get3A_459 : vector<1x8x80xf32> to vector<8x80xf32>
    %reduce_sum3A_461 = vector.shape_cast %get3A_460 : vector<8x80xf32> to vector<1x8x80xf32>
    %reduce_sum3A_462 = arith.constant dense<0.000000e+00> : vector<1xf32>
    %reduce_sum3A_463 = vector.multi_reduction <add>, %reduce_sum3A_461, %reduce_sum3A_462 [1, 2] : vector<1x8x80xf32> to vector<1xf32>
    %reduce_sum3A_464 = vector.shape_cast %reduce_sum3A_463 : vector<1xf32> to vector<1x1x1xf32>
    %reduce_sum3A_465 = vector.extract %reduce_sum3A_464[0, 0, 0] : f32 from vector<1x1x1xf32>
    %slice3A_466 = vector.extract_strided_slice %get3A_2 {offsets = [0, 9, 0], sizes = [32, 1, 16], strides = [1, 1, 1]} : vector<32x19x16xf32> to vector<32x1x16xf32>
    %squeeze3A_467 = vector.shape_cast %slice3A_466 : vector<32x1x16xf32> to vector<32x16xf32>
    %reduce_sum3A_468 = vector.shape_cast %squeeze3A_467 : vector<32x16xf32> to vector<1x32x16xf32>
    %reduce_sum3A_469 = arith.constant dense<0.000000e+00> : vector<1xf32>
    %reduce_sum3A_470 = vector.multi_reduction <add>, %reduce_sum3A_468, %reduce_sum3A_469 [1, 2] : vector<1x32x16xf32> to vector<1xf32>
    %reduce_sum3A_471 = vector.shape_cast %reduce_sum3A_470 : vector<1xf32> to vector<1x1x1xf32>
    %reduce_sum3A_472 = vector.extract %reduce_sum3A_471[0, 0, 0] : f32 from vector<1x1x1xf32>
    %add3A_473 = arith.addf %reduce_sum3A_465, %reduce_sum3A_472 : f32
    %gt3A_474 = arith.constant 0 : i32
    %gt3A_475 = arith.cmpi sgt, %sub3A_455, %gt3A_474 : i32
    %convert_element_type3A_476 = arith.extui %gt3A_475 : i1 to i32
    %convert_element_type3A_477 = arith.sitofp %convert_element_type3A_476 : i32 to f32
    %add3A_478 = arith.addf %add3A_446, %convert_element_type3A_477 : f32
    %convert_element_type3A_479 = arith.sitofp %sub3A_455 : i32 to f32
    %max3A_480 = arith.constant 1.000000e+00 : f32
    %max3A_481 = arith.maximumf %convert_element_type3A_479, %max3A_480 : f32
    %div3A_482 = arith.divf %add3A_473, %max3A_481 : f32
    %jit3A_483 = arith.constant 0.000000e+00 : f32
    %select_n3A_484 = arith.select %gt3A_475, %div3A_482, %jit3A_483 : f32
    %add3A_485 = arith.addf %add3A_453, %select_n3A_484 : f32
    %max3A_486 = arith.constant 1.000000e+00 : f32
    %max3A_487 = arith.maximumf %add3A_478, %max3A_486 : f32
    %div3A_488 = arith.divf %add3A_485, %max3A_487 : f32
    %swap3A = arith.constant 0 : index
    %swap3A_489 = arith.constant 0 : index
    %swap3A_490 = memref.load %arg3[%swap3A, %swap3A_489] : memref<1x1xf32, #tpu.memory_space<smem>>
    memref.store %div3A_488, %arg3[%swap3A, %swap3A_489] : memref<1x1xf32, #tpu.memory_space<smem>>
    return
  }
}

</mosaic_0001>

<sc_bundles>
// kernel: kernel.5.cloned.1.call-start
scs
__scs_entry_jumppad:
0x0: {  	(pc) =	sbr.rel $0x88, $3  }
0x1: {  	(tag) =	ssettag $0x0;
	lr =	simm.s32 $0x1  }
0x2: {  	[smem:$0x3F9F] =	sst lr;
	_ =	strace $0xD0000000  }
0x3: {  	_ = 	snop  }
0x4: {  	_ = 	snop  }
0x5: {  	_ = 	snop  }
0x6: {  	_ = 	snop  }
0x7: {  	_ = 	snop  }
__scs_overlays_trampoline_lowered:
0x8: {  	[smem:$0x3FAE] =	sst s0  }
0x9: {  	[smem:$0x3FAF] =	sst s1  }
0xa: {  	[smem:$0x3FB0] =	sst s2  }
0xb: {  	[smem:$0x3FB1] =	sst s3  }
0xc: {  	[smem:$0x3FB2] =	sst s4  }
0xd: {  	[smem:$0x3FB3] =	sst s5  }
0xe: {  	[smem:$0x3FB4] =	sst s6  }
0xf: {  	[smem:$0x3FB5] =	sst s7  }
0x10: {  	[smem:$0x3FB6] =	sst s8  }
0x11: {  	[smem:$0x3FB7] =	sst s9;
	s0 =	simm.s32 @!p0 $0x0  }
0x12: {  	s1 =	sld [smem:$0x3F9D];
	s0 =	simm.s32 @p0 $0x1  }
0x13: {  	[smem:$0x3FB8] =	sst s0;
	s0 =	simm.s32 @!p1 $0x0  }
0x14: {  	s2 =	sld [smem:$0x3F9C];
	s0 =	simm.s32 @p1 $0x1  }
0x15: {  	[smem:$0x3FB9] =	sst s0;
	s0 =	simm.s32 @!p2 $0x0  }
0x16: {  	s3 =	sld [smem:$0x3FDB];
	s0 =	simm.s32 @p2 $0x1  }
0x17: {  	s4 =	simm.s32 $0x1BF5;
	[smem:$0x3FBB] =	sst s0  }
0x18: {  	s0 =	sld [smem:$0x3F9E];
	_ =	swait.ge [sflag:s4], $0x0  }
0x19: {  	s7 =	sld [smem:$0x3F9F]  }
0x1a: {  	s8 =	sadd.s32 $0xFFFFE003, lr  }
0x1b: {  	s9 =	sadd.s32 $0xFFFFFEF7, lr;
	s5 =	simm.s32 $0xFFFFFFFF;
	p2 =	slt.u32 s8, $0xFFFFF086  }
0x1c: {  	p1 =	slt.u32 s9, $0xF7A;
	s5 =	simm.s32 @!p2 $0x0  }
0x1d: {  	s5 =	simm.s32 @p1 $0x1;
	p0 =	seq.s32 s7, s2  }
0x1e: {  	s7 =	smul.u32 @!p0 $0xF7A, s2;
	p2 =	seq.s32 @!p0 s5, $0x0  }
0x1f: {  	s9 =	smul.u32 $0xF7A, s1;
	s8 =	simm.s32 @!p0 $0x1BF5;
	p2 =	por !p2, p0  }
0x20: {  	[sflag:s8] =	ssyncset.s32 @!p0 $0xFFFFF086;
	s6 =	sadd.s32 @!p0 s3, s7;
	s7 =	simm.s32 @!p0 $0x108  }
0x21: {  	s3 =	sadd.s32 s3, s9;
	s6 =	sadd.s32 @!p0 $0x88, s6;
	s7 =	simm.s32 @p2 $0x1082  }
0x22: {  	[simem:s7], [sflag:s8] =	dma.local @!p0 [hbm:s6], $0xF7A  }
0x23: {  	s9 =	sor.u32 $0xD0000000, s2;
	s6 =	simm.s32 $0x108;
	_ =	swait.ge @!p0 [sflag:s8], $0x0  }
0x24: {  	s3 =	sadd.s32 $0x88, s3;
	s6 =	simm.s32 @!p1 $0x1082;
	[sflag:s4] =	ssyncset.s32 $0xFFFFF086  }
0x25: {  	[simem:s6], [sflag:s4] =	dma.local [hbm:s3], $0xF7A  }
0x26: {  	[smem:$0x3F9F] =	sst s1;
	(tag) =	ssettag s2;
	_ =	strace s9  }
0x27: {  	s1 =	sld [smem:$0x3FAF]  }
0x28: {  	s2 =	sld [smem:$0x3FB0]  }
0x29: {  	s4 =	sld [smem:$0x3FB2]  }
0x2a: {  	p0 =	seq.s32 s5, $0x0;
	s5 =	sld [smem:$0x3FB3]  }
0x2b: {  	s6 =	sld [smem:$0x3FB4]  }
0x2c: {  	s7 =	sld [smem:$0x3FB5]  }
0x2d: {  	s3 =	simm.s32 $0x108;
	s8 =	sld [smem:$0x3FB6]  }
0x2e: {  	s3 =	simm.s32 @!p0 $0x1082;
	s9 =	sld [smem:$0x3FB7]  }
0x2f: {  	lr =	sadd.s32 s0, s3;
	s0 =	sld [smem:$0x3FAE]  }
0x30: {  	s3 =	sld [smem:$0x3FB1]  }
0x31: {  	[smem:$0x3FBA] =	sst s10  }
0x32: {  	s10 =	sld [smem:$0x3FB8];
	_ =	sdelay $0x3  }
0x33: {  	p0 =	seq.s32 s10, $0x1;
	s10 =	sld [smem:$0x3FBA];
	_ =	sdelay $0x3  }
0x34: {  	[smem:$0x3FBA] =	sst s10  }
0x35: {  	s10 =	sld [smem:$0x3FB9];
	_ =	sdelay $0x3  }
0x36: {  	p1 =	seq.s32 s10, $0x1;
	s10 =	sld [smem:$0x3FBA];
	_ =	sdelay $0x3  }
0x37: {  	[smem:$0x3FBA] =	sst s10  }
0x38: {  	s10 =	sld [smem:$0x3FBB]  }
0x39: {  	_ = 	snop;
	(pc) =	sbr.ind lr, $3  }
0x3a: {  	_ = 	snop  }
0x3b: {  	_ = 	snop  }
0x3c: {  	p2 =	seq.s32 s10, $0x1;
	s10 =	sld [smem:$0x3FBA]  }
0x3d: {  	_ =	shalt  }
0x3e: {  	_ =	shalt  }
0x3f: {  	_ =	shalt  }
0x40: {  	_ =	shalt  }
0x41: {  	_ =	shalt  }
0x42: {  	_ =	shalt  }
0x43: {  	_ =	shalt  }
0x44: {  	_ =	shalt  }
0x45: {  	_ =	shalt  }
0x46: {  	_ =	shalt  }
0x47: {  	_ =	shalt  }
0x48: {  	_ =	shalt  }
0x49: {  	_ =	shalt  }
0x4a: {  	_ =	shalt  }
0x4b: {  	_ =	shalt  }
0x4c: {  	_ =	shalt  }
0x4d: {  	_ =	shalt  }
0x4e: {  	_ =	shalt  }
0x4f: {  	_ =	shalt  }
0x50: {  	_ =	shalt  }
0x51: {  	_ =	shalt  }
0x52: {  	_ =	shalt  }
0x53: {  	_ =	shalt  }
0x54: {  	_ =	shalt  }
0x55: {  	_ =	shalt  }
0x56: {  	_ =	shalt  }
0x57: {  	_ =	shalt  }
0x58: {  	_ =	shalt  }
0x59: {  	_ =	shalt  }
0x5a: {  	_ =	shalt  }
0x5b: {  	_ =	shalt  }
0x5c: {  	_ =	shalt  }
0x5d: {  	_ =	shalt  }
0x5e: {  	_ =	shalt  }
0x5f: {  	_ =	shalt  }
0x60: {  	_ =	shalt  }
0x61: {  	_ =	shalt  }
0x62: {  	_ =	shalt  }
0x63: {  	_ =	shalt  }
0x64: {  	_ =	shalt  }
0x65: {  	_ =	shalt  }
0x66: {  	_ =	shalt  }
0x67: {  	_ =	shalt  }
0x68: {  	_ =	shalt  }
0x69: {  	_ =	shalt  }
0x6a: {  	_ =	shalt  }
0x6b: {  	_ =	shalt  }
0x6c: {  	_ =	shalt  }
0x6d: {  	_ =	shalt  }
0x6e: {  	_ =	shalt  }
0x6f: {  	_ =	shalt  }
0x70: {  	_ =	shalt  }
0x71: {  	_ =	shalt  }
0x72: {  	_ =	shalt  }
0x73: {  	_ =	shalt  }
0x74: {  	_ =	shalt  }
0x75: {  	_ =	shalt  }
0x76: {  	_ =	shalt  }
0x77: {  	_ =	shalt  }
0x78: {  	_ =	shalt  }
0x79: {  	_ =	shalt  }
0x7a: {  	_ =	shalt  }
0x7b: {  	_ =	shalt  }
0x7c: {  	_ =	shalt  }
0x7d: {  	_ =	shalt  }
0x7e: {  	_ =	shalt  }
0x7f: {  	_ =	shalt  }
0x80: {  	_ =	shalt  }
0x81: {  	_ =	shalt  }
0x82: {  	_ =	shalt  }
0x83: {  	_ =	shalt  }
0x84: {  	_ =	shalt  }
0x85: {  	_ =	shalt  }
0x86: {  	_ =	shalt  }
0x87: {  	_ =	shalt  }
.Lfunc_end0:
.L_simem_size_0:
called_computation_lowered:
.L_overlay_start_0:
0x88: {  	s2 =	sld [smem:$0x3FD9]  }
0x89: {  	s3 =	sld [smem:$0x3FFE];
	_ =	sdelay $0x1  }
0x8a: {  	s1 =	srdreg.scid  }
0x8b: {  	s0 =	sand.u32 $0x1, s1  }
0x8c: {  	s16 =	sshll.u32 s0, $0xA;
	s2 =	sadd.s32 s3, s2  }
0x8d: {  	s2 =	sadd.s32 s2, s16  }
0x8e: {  	[smem:$0x3FC6] =	sst s2  }
0x8f: {  	_ = 	snop  }
0x90: {  	(tm) =	ssettm $0x1  }
0x91: {  	s17 =	sld [smem:$0x3FFB];
	_ =	sdelay $0x3  }
0x92: {  	_ =	strace s17  }
0x93: {  	s2 =	sld [smem:$0x3FFC];
	_ =	sdelay $0x3  }
0x94: {  	_ =	strace s2  }
0x95: {  	s2 =	sld [smem:$0x3FFD];
	_ =	sdelay $0x3  }
0x96: {  	_ =	strace s2  }
0x97: {  	_ =	strace $0x8FFFFFFF  }
0x98: {  	s18 =	sld [smem:$0x3FDB];
	_ =	sdelay $0x1  }
0x99: {  	s19 =	simm.s32 $_scs_section_size  }
0x9a: {  	s4 =	simm.s32 $_size__tile_overlayer_lowered;
	s5 =	simm.s32 $_tile_overlayer_lowered  }
0x9b: {  	s22 =	simm.s32 $0x1BFF;
	s21 =	sshll.u32 s5, $0x1;
	s2 =	sadd.s32 s19, s18  }
0x9c: {  	s6 =	simm.s32 $0x0;
	s20 =	sshll.u32 s4, $0x1;
	s4 =	sadd.s32 s21, s2  }
0x9d: {  	[timem:s6], [sflag:s22] =	dma.local [hbm:s4], s20  }
0x9e: {  	_ =	swait.ge [sflag:s22], s20  }
0x9f: {  	s3 =	ssub.s32 $0x0, s20;
	[sflag:s22] =	ssyncset.done $0x0  }
0xa0: {  	[sflag:s22] =	ssyncadd.s32 s3;
	_ =	sdelay $0x1  }
0xa1: {  	s23 =	simm.s32 $0x1B8B  }
0xa2: {  	_ =	swait.ge [sflag:s23], $0x1  }
0xa3: {  	[sflag:s23] =	ssyncset.done $0x0  }
0xa4: {  	s25 =	simm.s32 $0x1B8E;
	s24 =	sld [smem:$0x3FFE];
	[sflag:s23] =	ssyncadd.s32 $0xFFFFFFFF  }
0xa5: {  	s26 =	simm.s32 $execute0_lowered;
	[smem:$0x3FD2] =	sst s25  }
0xa6: {  	s4 =	sshll.u32 s26, $0x1;
	_ =	strace $0x80000046;
	[dreg:$0x1] =	wrdreg $0xFFFFFFFF  }
0xa7: {  	s28 =	simm.s32 $_size_execute0_lowered;
	s2 =	sadd.s32 s2, s4;
	[dreg:$0x0] =	wrdreg $0x0  }
0xa8: {  	s4 =	sshll.u32 s28, $0x1;
	[dreg:$0x2] =	wrdreg s2  }
0xa9: {  	[dreg:$0x3] =	wrdreg s4  }
0xaa: {  	[dreg:$0x4] =	wrdreg $0xC0  }
0xab: {  	_ =	task [dreg:s6], $0x5FFFF  }
0xac: {  	[dreg:$0x1] =	wrdreg $0xFFFFFFFF  }
0xad: {  	[dreg:$0x0] =	wrdreg $0x60  }
0xae: {  	[dreg:$0x2] =	wrdreg s24  }
0xaf: {  	[dreg:$0x3] =	wrdreg $0x9  }
0xb0: {  	_ =	task.clear_ibuf [dreg:s6], $0x4FFFF;
	_ =	strace $0x90000046  }
0xb1: {  	s29 =	simm.s32 $0x9;
	_ =	strace $0x80000048  }
0xb2: {  	_ =	swait.ge [sflag:s29], $0x1  }
0xb3: {  	[sflag:s29] =	ssyncadd.s32 $0xFFFFFFFF  }
0xb4: {  	_ =	strace $0x90000048  }
0xb5: {  	_ =	sfence  }
0xb6: {  	s30 =	sld [smem:$0x0];
	_ =	sdelay $0x2  }
0xb7: {  	s31 =	sshll.u32 s1, $0xD;
	s1 =	sshrl.u32 s1, $0x2  }
0xb8: {  	s3 =	sand.u32 $0x4000, s31;
	s1 =	sadd.s32 s1, s30  }
0xb9: {  	s0 =	sor.u32 s3, s0;
	s1 =	sshll.u32 s1, $0x11  }
0xba: {  	s0 =	sor.u32 s1, s0  }
0xbb: {  	s0 =	sadd.s32 $0x8F2B, s0  }
0xbc: {  	[sflag:s0] =	ssyncadd.remote.s32 $0x1  }
0xbd: {  	_ =	sfence.sel $0xFFFF  }
0xbe: {  	[dreg:$0x0] =	wrdreg $0xFFFFFFFF;
	(pc) =	sbr.abs _section_cstart, $3  }
0xbf: {  	[dreg:$0x1] =	wrdreg $0xFFFFFFFF  }
0xc0: {  	_ =	task.clear_ibuf [dreg:s6], $0x2FFFF;
	_ =	strace $0x9FFFFFFF  }
0xc1: {  	(tm) =	ssettm $0x7FFFFFFF  }
tec
execute0_lowered:
.L_overlay_start_1:
0x0: {  	(tag) =	ssettag $0x1  }
0x1: {  	s5 =	rddreg [dreg:$0x0]  }
0x2: {  	s0 =	rddreg [dreg:$0x1];
	s3 =	srdreg.scid  }
0x3: {  	s1 =	stileid.u32;
	s2 =	simm.s32 $0x0;
	s10 =	simm.s32 $0x2880  }
0x4: {  	v14 =	vlaneseq.u32;
	s11 =	simm.s32 $0x0;
	s3 =	sand.u32 $0x1, s3;
	s4 =	sshll.u32 s1, $0x1  }
0x5: {  	[smem:$0x7FF] =	sst s2;
	v6 =	vor.u32 $0x20, v14;
	s6 =	sor.u32 s3, s4;
	s8 =	ssub.s32 $0x2, s3  }
0x6: {  	v7 =	vor.u32 $0x30, v14;
	_ =	strace $0x80000047;
	[tilespmem:$0x1FFC0] =	vst v6;
	s7 =	smul.u32 $0x180, s6;
	s9 =	sshrl.u32 s8, $0x1  }
0x7: {  	v9 =	vor.u32 $0x40, v14;
	s3 =	sadd.s32 $0xA00, s5;
	s4 =	sadd.s32 $0x8CA00, s5;
	[tilespmem:$0x1FFD0] =	vst v7;
	s8 =	ssub.s32 s8, s9  }
0x8: {  	v8 =	vor.u32 $0x10, v14;
	[tilespmem:$0x1FFE0] =	vst v9;
	s9 =	simm.s32 $0x2800;
	s7 =	sadd.s32 s7, s5;
	s5 =	smul.u32 $0x700, s6  }
0x9: {  	v1 =	vimm.f32 $0.0e+00;
	[tilespmem:$0x1FFF0] =	vst v8;
	s6 =	sadd.s32 $0x8E600, s7;
	s7 =	smax.u32 s8, $0x1;
	s8 =	simm.s32 $0x1  }
.LBB2_1:
0xa: {  	v0 =	vimm.f32 $0.0e+00  }
0xb: {  	v3 =	vimm.f32 $0.0e+00;
	v2 =	vimm.f32 $0.0e+00;
	v13 =	vimm.f32 $0.0e+00  }
0xc: {  	v5 =	vimm.f32 $0.0e+00;
	v10 =	vimm.f32 $0.0e+00;
	v11 =	vimm.f32 $0.0e+00  }
0xd: {  	v12 =	vimm.f32 $0.0e+00;
	v15 =	vimm.f32 $0.0e+00;
	v16 =	vimm.f32 $0.0e+00  }
0xe: {  	v17 =	vimm.f32 $0.0e+00;
	v18 =	vimm.f32 $0.0e+00;
	v19 =	vimm.f32 $0.0e+00  }
0xf: {  	v20 =	vimm.f32 $0.0e+00;
	v26 =	vimm.f32 $0.0e+00;
	v27 =	vimm.f32 $0.0e+00  }
0x10: {  	v54 =	vimm.f32 $0.0e+00;
	v37 =	vimm.f32 $0.0e+00;
	v36 =	vimm.f32 $0.0e+00;
	s12 =	simm.s32 $0x0  }
.LBB2_2:
0x11: {  	s13 =	sshll.u32 s12, $0x7  }
0x12: {  	s14 =	sadd.s32 s5, s13  }
0x13: {  	s13 =	smul.u32 $0xA, s14;
	_ =	sdelay $0x1  }
0x14: {  	s15 =	sadd.s32 s3, s13;
	s13 =	simm.s32 $0x0  }
0x15: {  	[tilespmem:s13], [sflag:$0x1] =	stream.linear.gather [hbm4b:s15+s13], $0x2800, $0x38;
	[tilespmem:$0x3480] =	vst v63  }
0x16: {  	_ =	swait.ge [sflag:s8], $0x2800  }
0x17: {  	s14 =	sshrl.u32 s14, $0x3;
	[sflag:s8] =	ssyncset.done $0x0  }
0x18: {  	s14 =	sadd.s32 s4, s14;
	[sflag:s8] =	ssyncadd.s32 $0xFFFFD800  }
0x19: {  	[tilespmem:s9], [sflag:$0x1] =	stream.linear.gather [hbm4b:s14+s13], $0x80, $0x38;
	[tilespmem:$0x3480] =	vst v63  }
0x1a: {  	_ =	swait.ge [sflag:s8], $0x80  }
0x1b: {  	s16 =	simm.s32 $0x0;
	[sflag:s8] =	ssyncset.done $0x0  }
0x1c: {  	s15 =	simm.s32 $0x0;
	s14 =	simm.s32 $0x20;
	[sflag:s8] =	ssyncadd.s32 $0xFFFFFF80  }
.LBB2_3:
0x1d: {  	[tilespmem:$0x1FD50] =	vst v0;
	s17 =	sshll.u32 s16, $0x4;
	v0 =	vld [tilespmem:s14+$0x20]  }
0x1e: {  	[tilespmem:$0x1FD40] =	vst v2;
	v2 =	vld [tilespmem:s14+$0x10];
	s17 =	sand.u32 $0x3FFFFFF0, s17  }
0x1f: {  	[tilespmem:$0x1FD00] =	vst v10;
	v10 =	vld [tilespmem:s17+$0x2800]  }
0x20: {  	[tilespmem:$0x1FD20] =	vst v5;
	v5 =	vld [tilespmem:s14+$0xFFFFFFF0]  }
0x21: {  	[tilespmem:$0x1FD30] =	vst v3;
	v3 =	vld [tilespmem:s14+$0x0];
	_ =	sdelay $0x1  }
0x22: {  	[tilespmem:$0x1FCE0] =	vst v12;
	v4 =	vmov s13  }
0x23: {  	[tilespmem:$0x1FCF0] =	vst v11;
	v11 =	vand.u32 $0x7FFFFFFF, v2;
	v12 =	vand.u32 $0x7FFFFFFF, v0;
	v4 =	vperm.xlane v10, v4  }
0x24: {  	[tilespmem:$0x1FD10] =	vst v13;
	v13 =	vand.u32 $0x7FFFFFFF, v5;
	v11 =	vsub.f32 $0.0e+00, v11;
	v12 =	vsub.f32 $0.0e+00, v12  }
0x25: {  	[tilespmem:$0x1FD60] =	vst v10;
	v10 =	vand.u32 $0x7FFFFFFF, v3;
	vm0 =	veq.s32 v4, v9;
	vm1 =	veq.s32 v4, v7  }
0x26: {  	vm3 =	veq.s32 v4, v6;
	v6 =	vsub.f32 $0.0e+00, v2;
	vm4 =	veq.s32 v4, v8  }
0x27: {  	v9 =	vsub.f32 $0.0e+00, v3;
	vm2 =	veq.s32 v4, v14;
	v4 =	vimm.s32 $0x0  }
0x28: {  	v7 =	vsub.f32 $0.0e+00, v0;
	v8 =	vsub.f32 $0.0e+00, v5;
	v4 =	vsel vm2, $0xFFFFFFFF, v4  }
0x29: {  	v10 =	vsub.f32 $0.0e+00, v10;
	[tilespmem:$0x1FD80] =	vst v4;
	v4 =	vsub.f32 $0.0e+00, v13;
	v9 =	vsel vm3, v9, v3  }
0x2a: {  	v2 =	vsel vm1, v6, v2;
	v0 =	vsel vm0, v7, v0;
	v7 =	vsel vm4, v8, v5  }
0x2b: {  	v6 =	vmul.f32 $1.442695020e+00, v11;
	vm0 =	vge.f32 v0, $-2.197224620e+00;
	vm1 =	vge.f32 v0, $-1.386294360e+00  }
0x2c: {  	vm4 =	vge.f32 v0, $-8.472977870e-01;
	vm7 =	vge.f32 v0, $-4.054650960e-01;
	vm8 =	vge.f32 v0, $0.0e+00  }
0x2d: {  	vm11 =	vge.f32 v0, $4.054652150e-01;
	vm12 =	vge.f32 v0, $8.472977870e-01;
	vm13 =	vge.f32 v0, $1.386294480e+00  }
0x2e: {  	vm14 =	vge.f32 v2, $-2.197224620e+00;
	v3 =	vmax.f32 v0, $0.0e+00;
	vm15 =	vge.f32 v0, $2.197224380e+00  }
0x2f: {  	vm2 =	vge.f32 v2, $-1.386294360e+00;
	vm3 =	vge.f32 v2, $-8.472977870e-01;
	vm5 =	vge.f32 v2, $-4.054650960e-01  }
0x30: {  	vm6 =	vge.f32 v2, $0.0e+00;
	vm9 =	vge.f32 v2, $4.054652150e-01;
	vm10 =	vge.f32 v2, $8.472977870e-01  }
0x31: {  	v0 =	vmax.f32 v2, $0.0e+00;
	v5 =	vmax.f32 v9, $0.0e+00;
	v61 =	vsel vm0, $0x3F800000, v1  }
0x32: {  	v40 =	vsel vm1, $0x3F800000, v1;
	vm1 =	vge.f32 v2, $1.386294480e+00;
	v41 =	vsel vm4, $0x3F800000, v1  }
0x33: {  	[tilespmem:$0x1FDF0] =	vst v0;
	vm0 =	vge.f32 v2, $2.197224380e+00;
	v0 =	vimm.s32 $0x0;
	v42 =	vsel vm7, $0x3F800000, v1  }
0x34: {  	v44 =	vsel vm8, $0x3F800000, v1;
	vm4 =	vge.f32 v9, $-1.386294360e+00;
	v35 =	vsel vm11, $0x3F800000, v1  }
0x35: {  	[tilespmem:$0x1FC50] =	vst v37;
	vm7 =	vge.f32 v9, $-8.472977870e-01;
	v37 =	vsel vm12, $0x3F800000, v1;
	vm8 =	vge.f32 v9, $-4.054650960e-01  }
0x36: {  	s31 =	sadd.s32 $0x0, s15;
	v55 =	vsel vm14, $0x3F800000, v1;
	vm11 =	vge.f32 v9, $0.0e+00;
	vm12 =	vge.f32 v9, $4.054652150e-01  }
0x37: {  	s18 =	sand.u32 $0x70, s13;
	s17 =	sand.u32 $0x7F80, s31;
	v39 =	vsel vm15, $0x3F800000, v1;
	v49 =	vsel vm2, $0x3F800000, v1;
	vm14 =	vge.f32 v9, $1.386294480e+00  }
0x38: {  	s17 =	sor.u32 s18, s17;
	v50 =	vsel vm3, $0x3F800000, v1;
	vm2 =	vge.f32 v7, $-2.197224620e+00;
	v2 =	vimm.s32 $0x0  }
0x39: {  	v8 =	vld [tilespmem:s17+$0x0];
	vm15 =	vge.f32 v9, $2.197224380e+00;
	v51 =	vsel vm5, $0x3F800000, v1;
	v2 =	vsel vm2, $0xFFFFFFFF, v2  }
0x3a: {  	v52 =	vsel vm6, $0x3F800000, v1;
	vm3 =	vge.f32 v7, $-1.386294360e+00;
	[tilespmem:$0x1FF80] =	vst v2;
	v2 =	vmul.f32 $1.442695020e+00, v12  }
0x3b: {  	v43 =	vsel vm9, $0x3F800000, v1;
	v45 =	vsel vm10, $0x3F800000, v1;
	vm10 =	vge.f32 v7, $-4.054650960e-01  }
0x3c: {  	[tilespmem:$0x1FD90] =	vst v3;
	v3 =	vimm.s32 $0x0;
	(erf) = vpow2.f32 v2;
	v2 =	vmul.f32 $1.442695020e+00, v10  }
0x3d: {  	vm5 =	vge.f32 v7, $0.0e+00;
	vm6 =	vge.f32 v7, $4.054652150e-01;
	(erf) = vpow2.f32 v6  }
0x3e: {  	v0 =	vsel vm0, $0xFFFFFFFF, v0;
	(erf) = vpow2.f32 v2;
	v2 =	vand.u32 $0x7FFFFFFF, v8  }
0x3f: {  	vm9 =	vge.f32 v7, $8.472977870e-01;
	v3 =	vsel vm10, $0xFFFFFFFF, v3;
	[tilespmem:$0x1FD70] =	vst v0;
	v2 =	vsub.f32 $0.0e+00, v2  }
0x40: {  	vm2 =	vge.f32 v7, $-8.472977870e-01;
	vm10 =	vge.f32 v7, $1.386294480e+00;
	v58 =	vsel vm7, $0x3F800000, v1;
	[tilespmem:$0x1FF90] =	vst v3;
	v3 =	vld [tilespmem:$0x1FD70]  }
0x41: {  	vm7 =	vge.f32 v7, $2.197224380e+00;
	v6 =	vmax.f32 v7, $0.0e+00;
	v7 =	vmul.f32 $1.442695020e+00, v2;
	v2 =	vld [tilespmem:$0x1FD80]  }
0x42: {  	v4 =	vmul.f32 $1.442695020e+00, v4;
	vm0 =	vge.f32 v9, $-2.197224620e+00;
	v46 =	vsel vm1, $0x3F800000, v1  }
0x43: {  	v60 =	vsel vm4, $0x3F800000, v1;
	v63 =	vsel vm8, $0x3F800000, v1;
	v62 =	vsel vm11, $0x3F800000, v1  }
0x44: {  	v53 =	vsel vm14, $0x3F800000, v1;
	(erf) = vpow2.f32 v4;
	v4 =	vsub.f32 $0.0e+00, v8  }
0x45: {  	v0 =	vsel vm13, $0x3F800000, v1;
	v59 =	vsel vm0, $0x3F800000, v1;
	vm0 =	vnez.u8 v3  }
0x46: {  	vm13 =	vge.f32 v9, $8.472977870e-01;
	v47 =	vsel vm0, $0x3F800000, v1;
	vm0 =	vnez.u8 v2  }
0x47: {  	[tilespmem:$0x1FC60] =	vst v27;
	v57 =	vsel vm15, $0x3F800000, v1;
	v56 =	vsel vm13, $0x3F800000, v1;
	v3 =	vmovc v36;
	v38 =	vsel vm0, v4, v8  }
0x48: {  	[tilespmem:$0x1FCB0] =	vst v17;
	v36 =	vsel vm12, $0x3F800000, v1;
	v4 =	vpop (erf);
	(erf) = vpow2.f32 v7;
	vm0 =	vge.f32 v38, $-2.197224620e+00  }
0x49: {  	[tilespmem:$0x1FCC0] =	vst v16;
	v8 =	vmul.f32 $9.999574420e-01, v4;
	vm11 =	vge.f32 v38, $-1.386294360e+00;
	v10 =	vmul.f32 v4, v4  }
0x4a: {  	v7 =	vpop (erf);
	vm12 =	vge.f32 v38, $-8.472977870e-01;
	v11 =	vmul.f32 $1.307637390e-01, v4;
	v12 =	vmul.f32 $3.269725140e-01, v4  }
0x4b: {  	vm14 =	vge.f32 v38, $-4.054650960e-01;
	v4 =	vmul.f32 $1.011894270e-02, v4;
	v9 =	vmul.f32 $9.999574420e-01, v7  }
0x4c: {  	[tilespmem:$0x1FCD0] =	vst v15;
	vm15 =	vge.f32 v38, $0.0e+00;
	v15 =	vmul.f32 v7, v7;
	v16 =	vmul.f32 $1.307637390e-01, v7  }
0x4d: {  	vm13 =	vge.f32 v38, $4.054652150e-01;
	v13 =	vpop (erf);
	v17 =	vmul.f32 $3.269725140e-01, v7;
	v7 =	vmul.f32 $1.011894270e-02, v7  }
0x4e: {  	[tilespmem:$0x1FC80] =	vst v20;
	vm1 =	vge.f32 v38, $8.472977870e-01;
	v14 =	vmul.f32 $9.999574420e-01, v13;
	v20 =	vmul.f32 v13, v13  }
0x4f: {  	[tilespmem:$0x1FCA0] =	vst v18;
	v25 =	vmax.f32 v38, $0.0e+00;
	v21 =	vmul.f32 $1.307637390e-01, v13;
	v22 =	vmul.f32 $3.269725140e-01, v13  }
0x50: {  	v18 =	vpop (erf);
	v13 =	vmul.f32 $1.011894270e-02, v13;
	v8 =	vadd.f32 $5.627649100e-07, v8;
	v11 =	vadd.f32 $-2.228350640e-01, v11  }
0x51: {  	[tilespmem:$0x1FC90] =	vst v19;
	v27 =	vmul.f32 v10, v10;
	v12 =	vadd.f32 $-4.992064240e-01, v12;
	v19 =	vmul.f32 $9.999574420e-01, v18  }
0x52: {  	[tilespmem:$0x1FC70] =	vst v26;
	v4 =	vadd.f32 $-5.262415860e-02, v4;
	v23 =	vmul.f32 v18, v18;
	v24 =	vmul.f32 $1.307637390e-01, v18  }
0x53: {  	v26 =	vmul.f32 $3.269725140e-01, v18;
	v18 =	vmul.f32 $1.011894270e-02, v18;
	v9 =	vadd.f32 $5.627649100e-07, v9  }
0x54: {  	v28 =	vmul.f32 v15, v15;
	v16 =	vadd.f32 $-2.228350640e-01, v16;
	v17 =	vadd.f32 $-4.992064240e-01, v17  }
0x55: {  	v7 =	vadd.f32 $-5.262415860e-02, v7;
	v14 =	vadd.f32 $5.627649100e-07, v14;
	v29 =	vmul.f32 v20, v20  }
0x56: {  	v21 =	vadd.f32 $-2.228350640e-01, v21;
	v22 =	vadd.f32 $-4.992064240e-01, v22;
	v12 =	vmul.f32 v12, v10  }
0x57: {  	v4 =	vmul.f32 v4, v10;
	v13 =	vadd.f32 $-5.262415860e-02, v13;
	v19 =	vadd.f32 $5.627649100e-07, v19  }
0x58: {  	v31 =	vmul.f32 v23, v23;
	v24 =	vadd.f32 $-2.228350640e-01, v24;
	v26 =	vadd.f32 $-4.992064240e-01, v26  }
0x59: {  	v17 =	vmul.f32 v17, v15;
	v18 =	vadd.f32 $-5.262415860e-02, v18;
	v7 =	vmul.f32 v7, v15  }
0x5a: {  	v22 =	vmul.f32 v22, v20;
	v4 =	vadd.f32 v4, v11;
	v11 =	vmul.f32 v13, v20  }
0x5b: {  	v8 =	vadd.f32 v12, v8;
	v15 =	vmul.f32 v26, v23;
	v18 =	vmul.f32 v18, v23;
	v30 =	vpop (erf)  }
0x5c: {  	v2 =	vld [tilespmem:$0x1FD90];
	v9 =	vadd.f32 v17, v9;
	v4 =	vmul.f32 v4, v27;
	v32 =	vmul.f32 v30, v30  }
0x5d: {  	v7 =	vadd.f32 v7, v16;
	v33 =	vmul.f32 $9.999574420e-01, v30;
	v34 =	vmul.f32 $1.307637390e-01, v30  }
0x5e: {  	v11 =	vadd.f32 v11, v21;
	v10 =	vmul.f32 $3.269725140e-01, v30;
	v30 =	vmul.f32 $1.011894270e-02, v30  }
0x5f: {  	v7 =	vmul.f32 v7, v28;
	v4 =	vadd.f32 v4, v8;
	v13 =	vadd.f32 $-2.228350640e-01, v34  }
0x60: {  	v11 =	vmul.f32 v11, v29;
	v20 =	vadd.f32 $5.627649100e-07, v33;
	v23 =	vadd.f32 $-5.262415860e-02, v30  }
0x61: {  	v12 =	vmul.f32 v32, v32;
	v10 =	vadd.f32 $-4.992064240e-01, v10;
	v2 =	vadd.f32 v4, v2  }
0x62: {  	v7 =	vadd.f32 v7, v9;
	v4 =	vadd.f32 v22, v14;
	v17 =	vmul.f32 v23, v32  }
0x63: {  	v8 =	vmul.f32 v10, v32;
	v10 =	vadd.f32 v18, v24;
	v14 =	vmul.f32 v2, v61  }
0x64: {  	v9 =	vmul.f32 v2, v40;
	v18 =	vmul.f32 v2, v42;
	v13 =	vadd.f32 v17, v13  }
0x65: {  	v48 =	vsel vm0, $0x3F800000, v1;
	v21 =	vmul.f32 v2, v35;
	v10 =	vmul.f32 v10, v31  }
0x66: {  	v8 =	vadd.f32 v8, v20;
	v12 =	vmul.f32 v13, v12;
	v13 =	vadd.f32 v15, v19;
	v15 =	vld [tilespmem:$0x1FDF0]  }
0x67: {  	[tilespmem:$0x1FDA0] =	vst v61;
	vm0 =	vge.f32 v38, $1.386294480e+00;
	v22 =	vmul.f32 v2, v37;
	v17 =	vmul.f32 v2, v41  }
0x68: {  	[tilespmem:$0x1FDB0] =	vst v40;
	v61 =	vsel vm10, $0x3F800000, v1;
	v10 =	vadd.f32 v10, v13;
	v8 =	vadd.f32 v12, v8  }
0x69: {  	[tilespmem:$0x1FDC0] =	vst v41;
	v20 =	vmul.f32 v2, v44;
	v16 =	vsub.f32 v2, v14;
	v19 =	vsub.f32 v9, v17  }
0x6a: {  	[tilespmem:$0x1FDE0] =	vst v44;
	v44 =	vsel vm2, $0x3F800000, v1;
	v33 =	vadd.f32 v10, v6;
	v13 =	vadd.f32 v8, v25  }
0x6b: {  	[tilespmem:$0x1FDD0] =	vst v42;
	vm2 =	vge.f32 v38, $2.197224380e+00;
	v6 =	vsub.f32 v17, v18;
	v26 =	vadd.f32 v7, v15  }
0x6c: {  	[tilespmem:$0x1FE00] =	vst v35;
	v8 =	vsub.f32 v18, v20;
	v7 =	vadd.f32 v11, v4;
	v11 =	vmul.f32 v2, v0  }
0x6d: {  	[tilespmem:$0x1FE20] =	vst v0;
	v0 =	vmul.f32 v2, v39;
	v15 =	vsub.f32 v14, v9;
	v23 =	vmul.f32 v26, v55  }
0x6e: {  	[tilespmem:$0x1FE10] =	vst v37;
	v9 =	vsub.f32 v21, v22;
	v27 =	vmul.f32 v26, v49;
	v28 =	vmul.f32 v26, v50  }
0x6f: {  	[tilespmem:$0x1FE30] =	vst v39;
	v4 =	vsel vm11, $0x3F800000, v1;
	v29 =	vmul.f32 v26, v51;
	v30 =	vmul.f32 v26, v52  }
0x70: {  	[tilespmem:$0x1FE50] =	vst v49;
	v12 =	vadd.f32 v7, v5;
	v31 =	vmul.f32 v26, v43;
	v10 =	vmul.f32 v26, v45  }
0x71: {  	[tilespmem:$0x1FE70] =	vst v51;
	v24 =	vmul.f32 v26, v46;
	v7 =	vsub.f32 v20, v21;
	v5 =	vmul.f32 v26, v47  }
0x72: {  	[tilespmem:$0x1FEB0] =	vst v46;
	v2 =	vsub.f32 v22, v11;
	v46 =	vmul.f32 v13, v48;
	v49 =	vsel vm5, $0x3F800000, v1  }
0x73: {  	[tilespmem:$0x1FF00] =	vst v0;
	v0 =	vsub.f32 v11, v0;
	v51 =	vmul.f32 v33, v49;
	v14 =	vmul.f32 v12, v59  }
0x74: {  	[tilespmem:$0x1FE90] =	vst v43;
	v22 =	vmul.f32 v12, v60;
	v25 =	vsub.f32 v26, v23;
	v26 =	vsub.f32 v23, v27  }
0x75: {  	[tilespmem:$0x1FF20] =	vst v58;
	v43 =	vmul.f32 v12, v58;
	v27 =	vsub.f32 v27, v28;
	v17 =	vsub.f32 v28, v29  }
0x76: {  	[tilespmem:$0x1FF30] =	vst v63;
	v18 =	vsub.f32 v29, v30;
	v23 =	vmul.f32 v12, v63;
	v21 =	vsub.f32 v30, v31  }
0x77: {  	[tilespmem:$0x1FEC0] =	vst v59;
	v20 =	vsub.f32 v31, v10;
	v29 =	vmul.f32 v12, v62;
	v10 =	vsub.f32 v10, v24  }
0x78: {  	[tilespmem:$0x1FF40] =	vst v36;
	v28 =	vsub.f32 v13, v46;
	v30 =	vmul.f32 v12, v36;
	v11 =	vsub.f32 v24, v5  }
0x79: {  	[tilespmem:$0x1FF10] =	vst v0;
	v58 =	vmovc v48;
	v24 =	vmul.f32 v12, v56;
	v0 =	vld [tilespmem:$0x1FF80];
	v48 =	vmul.f32 v33, v44;
	v59 =	vsel vm12, $0x3F800000, v1  }
0x7a: {  	[tilespmem:$0x1FEE0] =	vst v2;
	v2 =	vld [tilespmem:$0x1FF90];
	v63 =	vsel vm14, $0x3F800000, v1;
	v36 =	vsub.f32 v12, v14;
	v35 =	vsub.f32 v14, v22  }
0x7b: {  	[tilespmem:$0x1FEA0] =	vst v45;
	v45 =	vadd.f32 v28, v3;
	v14 =	vmul.f32 v12, v53;
	v37 =	vsub.f32 v22, v43  }
0x7c: {  	[tilespmem:$0x1FE40] =	vst v55;
	v28 =	vsub.f32 v43, v23;
	v12 =	vmul.f32 v12, v57;
	v31 =	vsub.f32 v23, v29  }
0x7d: {  	[tilespmem:$0x1FE60] =	vst v50;
	v29 =	vsub.f32 v29, v30;
	v32 =	vsub.f32 v30, v24;
	v22 =	vsel vm3, $0x3F800000, v1  }
0x7e: {  	[tilespmem:$0x1FF70] =	vst v57;
	v57 =	vmul.f32 v33, v61;
	v30 =	vmul.f32 v33, v22;
	vm8 =	vnez.u8 v0  }
0x7f: {  	[tilespmem:$0x1FE80] =	vst v52;
	v55 =	vmovc v22;
	v22 =	vsub.f32 v24, v14;
	vm3 =	vnez.u8 v2;
	v23 =	vsel vm8, $0x3F800000, v1  }
0x80: {  	[tilespmem:$0x1FED0] =	vst v47;
	v0 =	vmovc v23;
	v47 =	vmul.f32 v33, v23;
	v23 =	vsub.f32 v14, v12;
	v14 =	vsel vm3, $0x3F800000, v1  }
0x81: {  	[tilespmem:$0x1FEF0] =	vst v60;
	v24 =	vmovc v44;
	v44 =	vsub.f32 v30, v48;
	v2 =	vsel vm6, $0x3F800000, v1;
	v50 =	vmul.f32 v33, v14  }
0x82: {  	[tilespmem:$0x1FF60] =	vst v53;
	v52 =	vmovc v14;
	v14 =	vmul.f32 v33, v2;
	v43 =	vsub.f32 v47, v30;
	v30 =	vsel vm9, $0x3F800000, v1  }
0x83: {  	[tilespmem:$0x1FF50] =	vst v56;
	v42 =	vsub.f32 v33, v47;
	v47 =	vmul.f32 v13, v59;
	v53 =	vmul.f32 v33, v30  }
0x84: {  	v38 =	vsub.f32 v48, v50;
	[tilespmem:$0x1FFA0] =	vst v30;
	v39 =	vsub.f32 v50, v51;
	v30 =	vsel vm7, $0x3F800000, v1  }
0x85: {  	v40 =	vsub.f32 v51, v14;
	[tilespmem:$0x1FFB0] =	vst v30;
	v30 =	vmul.f32 v33, v30;
	v41 =	vsub.f32 v14, v53  }
0x86: {  	v56 =	vmovc v49;
	v3 =	vmovc v59;
	v33 =	vsub.f32 v53, v57;
	v53 =	vsel vm15, $0x3F800000, v1;
	v14 =	vmul.f32 v13, v4  }
0x87: {  	v60 =	vmovc v2;
	v34 =	vsub.f32 v57, v30;
	v57 =	vmul.f32 v13, v63;
	v48 =	vmul.f32 v13, v53  }
0x88: {  	v2 =	vmovc v4;
	v59 =	vmovc v63;
	v50 =	vsub.f32 v46, v14;
	v51 =	vsub.f32 v14, v47;
	v14 =	vsel vm13, $0x3F800000, v1  }
0x89: {  	s19 =	simm.s32 $0x0;
	s18 =	smov.u32 s14;
	s17 =	simm.s32 $0x1;
	v63 =	vmovc v53;
	v46 =	vsub.f32 v47, v57;
	v47 =	vsub.f32 v57, v48;
	v49 =	vmul.f32 v13, v14  }
.LBB2_4:
0x8a: {  	v57 =	vld [tilespmem:$0x1FC50];
	_ =	sdelay $0x4  }
0x8b: {  	v50 =	vadd.f32 v50, v57;
	_ =	sdelay $0x1  }
0x8c: {  	v51 =	vadd.f32 v51, v54;
	v43 =	vadd.f32 v43, v50;
	_ =	sdelay $0x1  }
0x8d: {  	v44 =	vadd.f32 v44, v51;
	v35 =	vadd.f32 v35, v43  }
0x8e: {  	v42 =	vadd.f32 v42, v45  }
0x8f: {  	v37 =	vadd.f32 v37, v44;
	v26 =	vadd.f32 v26, v35  }
0x90: {  	v36 =	vadd.f32 v36, v42  }
0x91: {  	v27 =	vadd.f32 v27, v37;
	v15 =	vadd.f32 v15, v26  }
0x92: {  	v25 =	vadd.f32 v25, v36  }
0x93: {  	[tilespmem:$0x1FC50] =	vst v15;
	v15 =	vadd.f32 v19, v27  }
0x94: {  	v16 =	vadd.f32 v16, v25  }
0x95: {  	[tilespmem:$0x1FC40] =	vst v15;
	v15 =	vld [tilespmem:$0x1FC60]  }
0x96: {  	[tilespmem:$0x1FC30] =	vst v16;
	v16 =	vld [tilespmem:$0x1FC70];
	_ =	sdelay $0x2  }
0x97: {  	v19 =	vld [tilespmem:$0x1FC80]  }
0x98: {  	v53 =	vsel vm1, $0x3F800000, v1;
	v25 =	vld [tilespmem:$0x1FC90];
	v15 =	vadd.f32 v46, v15  }
0x99: {  	v57 =	vmul.f32 v13, v53;
	v16 =	vadd.f32 v47, v16  }
0x9a: {  	v48 =	vsub.f32 v48, v49;
	v15 =	vadd.f32 v38, v15  }
0x9b: {  	v49 =	vsub.f32 v49, v57;
	v16 =	vadd.f32 v39, v16  }
0x9c: {  	v19 =	vadd.f32 v48, v19;
	v15 =	vadd.f32 v28, v15  }
0x9d: {  	v25 =	vadd.f32 v49, v25;
	v16 =	vadd.f32 v31, v16  }
0x9e: {  	v19 =	vadd.f32 v40, v19;
	v15 =	vadd.f32 v17, v15  }
0x9f: {  	v25 =	vadd.f32 v41, v25;
	v16 =	vadd.f32 v18, v16  }
0xa0: {  	v19 =	vadd.f32 v29, v19;
	v6 =	vadd.f32 v6, v15  }
0xa1: {  	v25 =	vadd.f32 v32, v25  }
0xa2: {  	v17 =	vadd.f32 v21, v19;
	[tilespmem:$0x1FC60] =	vst v6;
	v6 =	vadd.f32 v8, v16;
	_ =	sdelay $0x1  }
0xa3: {  	v18 =	vadd.f32 v20, v25;
	[tilespmem:$0x1FC70] =	vst v6;
	v6 =	vadd.f32 v7, v17;
	_ =	sdelay $0x1  }
0xa4: {  	[tilespmem:$0x1FC80] =	vst v6;
	v6 =	vadd.f32 v9, v18;
	v9 =	vld [tilespmem:$0x1FCD0];
	_ =	sdelay $0x3  }
0xa5: {  	v45 =	vsel vm0, $0x3F800000, v1;
	[tilespmem:$0x1FC90] =	vst v6;
	v6 =	vld [tilespmem:$0x1FCA0]  }
0xa6: {  	v50 =	vmul.f32 v13, v45;
	v9 =	vadd.f32 v58, v9;
	_ =	sdelay $0x1  }
0xa7: {  	v57 =	vsub.f32 v57, v50;
	v9 =	vadd.f32 v0, v9;
	v0 =	vld [tilespmem:$0x1FEC0];
	_ =	sdelay $0x1  }
0xa8: {  	v51 =	vsel vm2, $0x3F800000, v1;
	v7 =	vld [tilespmem:$0x1FCB0];
	v6 =	vadd.f32 v57, v6  }
0xa9: {  	v13 =	vmul.f32 v13, v51  }
0xaa: {  	v6 =	vadd.f32 v33, v6  }
0xab: {  	v37 =	vsub.f32 v50, v13;
	v9 =	vadd.f32 v0, v9;
	v0 =	vld [tilespmem:$0x1FEE0]  }
0xac: {  	v6 =	vadd.f32 v22, v6  }
0xad: {  	v8 =	vld [tilespmem:$0x1FCC0];
	v7 =	vadd.f32 v37, v7  }
0xae: {  	v6 =	vadd.f32 v10, v6  }
0xaf: {  	v7 =	vadd.f32 v34, v7  }
0xb0: {  	v6 =	vadd.f32 v0, v6;
	v0 =	vld [tilespmem:$0x1FF10]  }
0xb1: {  	v7 =	vadd.f32 v23, v7  }
0xb2: {  	v8 =	vadd.f32 v13, v8  }
0xb3: {  	v7 =	vadd.f32 v11, v7  }
0xb4: {  	v8 =	vadd.f32 v30, v8  }
0xb5: {  	[tilespmem:$0x1FCA0] =	vst v6;
	v6 =	vadd.f32 v0, v7;
	v0 =	vld [tilespmem:$0x1FF00]  }
0xb6: {  	v8 =	vadd.f32 v12, v8;
	_ =	sdelay $0x1  }
0xb7: {  	v5 =	vadd.f32 v5, v8;
	_ =	sdelay $0x1  }
0xb8: {  	v8 =	vld [tilespmem:$0x1FE40];
	v4 =	vadd.f32 v0, v5;
	_ =	sdelay $0x1  }
0xb9: {  	[tilespmem:$0x1FCC0] =	vst v4;
	v4 =	vld [tilespmem:$0x1FDA0]  }
0xba: {  	v5 =	vld [tilespmem:$0x1FCF0];
	_ =	sdelay $0x1  }
0xbb: {  	v8 =	vadd.f32 v8, v9;
	_ =	sdelay $0x1  }
0xbc: {  	v4 =	vadd.f32 v4, v8  }
0xbd: {  	v0 =	vadd.f32 v3, v5;
	v5 =	vld [tilespmem:$0x1FD00]  }
0xbe: {  	[tilespmem:$0x1FCD0] =	vst v4;
	v4 =	vld [tilespmem:$0x1FCE0];
	_ =	sdelay $0x4  }
0xbf: {  	v4 =	vadd.f32 v2, v4;
	v2 =	vadd.f32 v59, v5;
	v5 =	vld [tilespmem:$0x1FD20];
	_ =	sdelay $0x4  }
0xc0: {  	v3 =	vadd.f32 v63, v5;
	v5 =	vld [tilespmem:$0x1FEF0];
	_ =	sdelay $0x2  }
0xc1: {  	v4 =	vadd.f32 v55, v4;
	_ =	sdelay $0x1  }
0xc2: {  	v4 =	vadd.f32 v5, v4;
	v5 =	vld [tilespmem:$0x1FF20];
	_ =	sdelay $0x2  }
0xc3: {  	v0 =	vadd.f32 v24, v0;
	_ =	sdelay $0x1  }
0xc4: {  	v0 =	vadd.f32 v5, v0;
	v5 =	vld [tilespmem:$0x1FF30];
	_ =	sdelay $0x2  }
0xc5: {  	v2 =	vadd.f32 v52, v2;
	_ =	sdelay $0x1  }
0xc6: {  	v2 =	vadd.f32 v5, v2;
	v5 =	vld [tilespmem:$0x1FE50];
	_ =	sdelay $0x4  }
0xc7: {  	v4 =	vadd.f32 v5, v4;
	v5 =	vld [tilespmem:$0x1FE60];
	_ =	sdelay $0x4  }
0xc8: {  	v0 =	vadd.f32 v5, v0;
	v5 =	vld [tilespmem:$0x1FE70];
	_ =	sdelay $0x4  }
0xc9: {  	v2 =	vadd.f32 v5, v2;
	v5 =	vld [tilespmem:$0x1FE80]  }
0xca: {  	v3 =	vadd.f32 v56, v3;
	_ =	sdelay $0x1  }
0xcb: {  	v3 =	vadd.f32 v62, v3;
	_ =	sdelay $0x1  }
0xcc: {  	v3 =	vadd.f32 v5, v3;
	v5 =	vld [tilespmem:$0x1FDB0];
	_ =	sdelay $0x4  }
0xcd: {  	v4 =	vadd.f32 v5, v4;
	_ =	sdelay $0x1  }
0xce: {  	[tilespmem:$0x1FCE0] =	vst v4;
	v4 =	vld [tilespmem:$0x1FDC0];
	_ =	sdelay $0x4  }
0xcf: {  	v0 =	vadd.f32 v4, v0;
	_ =	sdelay $0x1  }
0xd0: {  	[tilespmem:$0x1FCF0] =	vst v0;
	v0 =	vld [tilespmem:$0x1FDD0];
	_ =	sdelay $0x4  }
0xd1: {  	v0 =	vadd.f32 v0, v2;
	_ =	sdelay $0x1  }
0xd2: {  	[tilespmem:$0x1FD00] =	vst v0;
	v0 =	vld [tilespmem:$0x1FDE0];
	_ =	sdelay $0x4  }
0xd3: {  	v0 =	vadd.f32 v0, v3;
	_ =	sdelay $0x1  }
0xd4: {  	[tilespmem:$0x1FD20] =	vst v0;
	v0 =	vld [tilespmem:$0x1FD10];
	_ =	sdelay $0x3  }
0xd5: {  	v7 =	vld [tilespmem:$0x1FF40]  }
0xd6: {  	v2 =	vld [tilespmem:$0x1FD40];
	v0 =	vadd.f32 v14, v0  }
0xd7: {  	v10 =	vld [tilespmem:$0x1FE90]  }
0xd8: {  	v5 =	vld [tilespmem:$0x1FFA0];
	v0 =	vadd.f32 v60, v0;
	_ =	sdelay $0x1  }
0xd9: {  	v0 =	vadd.f32 v7, v0;
	v7 =	vld [tilespmem:$0x1FF50]  }
0xda: {  	v2 =	vadd.f32 v53, v2;
	v3 =	vld [tilespmem:$0x1FD30]  }
0xdb: {  	v0 =	vadd.f32 v10, v0;
	v10 =	vld [tilespmem:$0x1FEA0]  }
0xdc: {  	v2 =	vadd.f32 v5, v2;
	_ =	sdelay $0x1  }
0xdd: {  	v9 =	vld [tilespmem:$0x1FF60];
	v2 =	vadd.f32 v7, v2  }
0xde: {  	v4 =	vld [tilespmem:$0x1FD50];
	v3 =	vadd.f32 v45, v3  }
0xdf: {  	v2 =	vadd.f32 v10, v2;
	v10 =	vld [tilespmem:$0x1FEB0]  }
0xe0: {  	[tilespmem:$0x1FCB0] =	vst v6;
	v6 =	vld [tilespmem:$0x1FFB0];
	v3 =	vadd.f32 v61, v3;
	_ =	sdelay $0x1  }
0xe1: {  	v3 =	vadd.f32 v9, v3;
	v9 =	vld [tilespmem:$0x1FF70]  }
0xe2: {  	v4 =	vadd.f32 v51, v4  }
0xe3: {  	v3 =	vadd.f32 v10, v3;
	v10 =	vld [tilespmem:$0x1FED0]  }
0xe4: {  	v4 =	vadd.f32 v6, v4;
	_ =	sdelay $0x1  }
0xe5: {  	v4 =	vadd.f32 v9, v4;
	v9 =	vld [tilespmem:$0x1FD60];
	_ =	sdelay $0x1  }
0xe6: {  	v4 =	vadd.f32 v10, v4;
	v10 =	vld [tilespmem:$0x1FFE0];
	_ =	sdelay $0x1  }
0xe7: {  	v7 =	vmov s17  }
0xe8: {  	v7 =	vperm.xlane v9, v7;
	_ =	sdelay $0x1  }
0xe9: {  	vm0 =	veq.s32 v7, v10;
	v10 =	vld [tilespmem:$0x1FE00];
	_ =	sdelay $0x4  }
0xea: {  	v0 =	vadd.f32 v10, v0;
	_ =	sdelay $0x1  }
0xeb: {  	[tilespmem:$0x1FD10] =	vst v0;
	v0 =	vld [tilespmem:$0x1FE10];
	_ =	sdelay $0x4  }
0xec: {  	v0 =	vadd.f32 v0, v2;
	_ =	sdelay $0x1  }
0xed: {  	[tilespmem:$0x1FD40] =	vst v0;
	v0 =	vld [tilespmem:$0x1FFD0];
	_ =	sdelay $0x4  }
0xee: {  	vm1 =	veq.s32 v7, v0;
	v0 =	vld [tilespmem:$0x1FE20];
	_ =	sdelay $0x4  }
0xef: {  	v0 =	vadd.f32 v0, v3;
	_ =	sdelay $0x1  }
0xf0: {  	[tilespmem:$0x1FD30] =	vst v0;
	v0 =	vld [tilespmem:$0x1FE30];
	_ =	sdelay $0x2  }
0xf1: {  	s18 =	sadd.s32 $0x50, s18  }
0xf2: {  	v8 =	vld [tilespmem:s18+$0x0]  }
0xf3: {  	v5 =	vld [tilespmem:s18+$0x20];
	v0 =	vadd.f32 v0, v4  }
0xf4: {  	v3 =	vld [tilespmem:$0x1FFF0]  }
0xf5: {  	[tilespmem:$0x1FD50] =	vst v0;
	v0 =	vld [tilespmem:$0x1FFC0];
	_ =	sdelay $0x2  }
0xf6: {  	v14 =	vlaneseq.u32  }
0xf7: {  	vm4 =	veq.s32 v7, v14;
	v2 =	vsub.f32 $0.0e+00, v5;
	vm3 =	veq.s32 v7, v3  }
0xf8: {  	v4 =	vsub.f32 $0.0e+00, v8;
	vm2 =	veq.s32 v7, v0;
	v7 =	vimm.s32 $0x0  }
0xf9: {  	v2 =	vsel vm0, v2, v5;
	v7 =	vsel vm4, $0xFFFFFFFF, v7  }
0xfa: {  	vm0 =	vge.f32 v2, $-2.197224620e+00;
	[tilespmem:$0x1FB40] =	vst v7;
	v7 =	vsel vm2, v4, v8;
	v4 =	vimm.s32 $0x0  }
0xfb: {  	v4 =	vsel vm0, $0xFFFFFFFF, v4  }
0xfc: {  	vm0 =	vge.f32 v2, $-1.386294360e+00;
	[tilespmem:$0x1FA20] =	vst v4;
	v4 =	vimm.s32 $0x0  }
0xfd: {  	v4 =	vsel vm0, $0xFFFFFFFF, v4  }
0xfe: {  	vm0 =	vge.f32 v2, $-8.472977870e-01;
	[tilespmem:$0x1FA30] =	vst v4;
	v4 =	vimm.s32 $0x0  }
0xff: {  	v4 =	vsel vm0, $0xFFFFFFFF, v4  }
0x100: {  	vm0 =	vge.f32 v2, $-4.054650960e-01;
	[tilespmem:$0x1FA40] =	vst v4;
	v4 =	vimm.s32 $0x0  }
0x101: {  	v4 =	vsel vm0, $0xFFFFFFFF, v4  }
0x102: {  	v6 =	vld [tilespmem:s18+$0x10];
	vm0 =	vge.f32 v2, $0.0e+00;
	[tilespmem:$0x1FA50] =	vst v4;
	v4 =	vimm.s32 $0x0  }
0x103: {  	v4 =	vsel vm0, $0xFFFFFFFF, v4  }
0x104: {  	vm0 =	vge.f32 v2, $4.054652150e-01;
	[tilespmem:$0x1FA60] =	vst v4;
	v4 =	vimm.s32 $0x0  }
0x105: {  	v4 =	vsel vm0, $0xFFFFFFFF, v4  }
0x106: {  	vm0 =	vge.f32 v2, $8.472977870e-01;
	[tilespmem:$0x1FA70] =	vst v4;
	v4 =	vimm.s32 $0x0  }
0x107: {  	v0 =	vsub.f32 $0.0e+00, v6;
	v4 =	vsel vm0, $0xFFFFFFFF, v4  }
0x108: {  	vm0 =	vge.f32 v2, $1.386294480e+00;
	[tilespmem:$0x1FA80] =	vst v4;
	v4 =	vimm.s32 $0x0  }
0x109: {  	v12 =	vand.u32 $0x7FFFFFFF, v5;
	v0 =	vsel vm1, v0, v6;
	v4 =	vsel vm0, $0xFFFFFFFF, v4  }
0x10a: {  	v5 =	vmax.f32 v2, $0.0e+00;
	vm0 =	vge.f32 v0, $-2.197224620e+00;
	[tilespmem:$0x1FAA0] =	vst v4;
	v4 =	vimm.s32 $0x0  }
0x10b: {  	v4 =	vsel vm0, $0xFFFFFFFF, v4;
	vm0 =	vge.f32 v2, $2.197224380e+00;
	v2 =	vimm.s32 $0x0  }
0x10c: {  	v2 =	vsel vm0, $0xFFFFFFFF, v2  }
0x10d: {  	vm0 =	vge.f32 v0, $-1.386294360e+00;
	[tilespmem:$0x1FAB0] =	vst v2;
	v2 =	vimm.s32 $0x0  }
0x10e: {  	v2 =	vsel vm0, $0xFFFFFFFF, v2  }
0x10f: {  	vm0 =	vge.f32 v0, $-8.472977870e-01;
	[tilespmem:$0x1FAC0] =	vst v2;
	v2 =	vimm.s32 $0x0  }
0x110: {  	v2 =	vsel vm0, $0xFFFFFFFF, v2  }
0x111: {  	vm0 =	vge.f32 v0, $-4.054650960e-01;
	[tilespmem:$0x1FAD0] =	vst v2;
	v2 =	vimm.s32 $0x0  }
0x112: {  	v9 =	vld [tilespmem:s18+$0xFFFFFFF0];
	v2 =	vsel vm0, $0xFFFFFFFF, v2  }
0x113: {  	vm0 =	vge.f32 v0, $0.0e+00;
	[tilespmem:$0x1FAE0] =	vst v2;
	v2 =	vimm.s32 $0x0  }
0x114: {  	v2 =	vsel vm0, $0xFFFFFFFF, v2  }
0x115: {  	vm0 =	vge.f32 v0, $4.054652150e-01;
	[tilespmem:$0x1FAF0] =	vst v2;
	v2 =	vimm.s32 $0x0  }
0x116: {  	v2 =	vsel vm0, $0xFFFFFFFF, v2  }
0x117: {  	v3 =	vsub.f32 $0.0e+00, v9;
	vm0 =	vge.f32 v0, $8.472977870e-01;
	[tilespmem:$0x1FB00] =	vst v2;
	v2 =	vimm.s32 $0x0  }
0x118: {  	vm13 =	vge.f32 v0, $1.386294480e+00;
	vm11 =	vge.f32 v0, $2.197224380e+00;
	v2 =	vsel vm0, $0xFFFFFFFF, v2  }
0x119: {  	vm1 =	vge.f32 v7, $4.054652150e-01;
	[tilespmem:$0x1FB10] =	vst v2;
	v2 =	vmax.f32 v0, $0.0e+00;
	v0 =	vimm.s32 $0x0  }
0x11a: {  	[tilespmem:$0x1FB80] =	vst v2;
	v0 =	vsel vm1, $0xFFFFFFFF, v0;
	vm1 =	vge.f32 v7, $2.197224380e+00;
	v2 =	vimm.s32 $0x0  }
0x11b: {  	v3 =	vsel vm3, v3, v9;
	v2 =	vsel vm1, $0xFFFFFFFF, v2  }
0x11c: {  	vm14 =	vge.f32 v3, $8.472977870e-01;
	[tilespmem:$0x1FB30] =	vst v2;
	v2 =	vimm.s32 $0x0  }
0x11d: {  	[tilespmem:$0x1FA90] =	vst v4;
	v2 =	vsel vm14, $0xFFFFFFFF, v2  }
0x11e: {  	v4 =	vld [tilespmem:$0x1FA20];
	vm14 =	vge.f32 v3, $1.386294480e+00;
	[tilespmem:$0x1FB50] =	vst v2;
	v2 =	vimm.s32 $0x0  }
0x11f: {  	v2 =	vsel vm14, $0xFFFFFFFF, v2  }
0x120: {  	[tilespmem:$0x1FB60] =	vst v2;
	v2 =	vmax.f32 v3, $0.0e+00  }
0x121: {  	v12 =	vsub.f32 $0.0e+00, v12;
	vm14 =	vge.f32 v3, $2.197224380e+00;
	[tilespmem:$0x1FB90] =	vst v2;
	v2 =	vimm.s32 $0x0  }
0x122: {  	v2 =	vsel vm14, $0xFFFFFFFF, v2  }
0x123: {  	vm14 =	vnez.u8 v4;
	v4 =	vld [tilespmem:$0x1FA30];
	[tilespmem:$0x1FB70] =	vst v2;
	v2 =	vmul.f32 $1.442695020e+00, v12  }
0x124: {  	vm6 =	vge.f32 v7, $0.0e+00  }
0x125: {  	[tilespmem:$0x1FB20] =	vst v0;
	(erf) = vpow2.f32 v2;
	v2 =	vsel vm6, $0x3F800000, v1  }
0x126: {  	[tilespmem:$0x1FBA0] =	vst v2;
	v2 =	vld [tilespmem:$0x1FB20];
	_ =	sdelay $0x1  }
0x127: {  	v50 =	vsel vm14, $0x3F800000, v1;
	vm14 =	vnez.u8 v4;
	v4 =	vld [tilespmem:$0x1FA40];
	_ =	sdelay $0x1  }
0x128: {  	vm0 =	vge.f32 v7, $-2.197224620e+00;
	vm1 =	vge.f32 v3, $-2.197224620e+00  }
0x129: {  	v59 =	vsel vm0, $0x3F800000, v1;
	vm0 =	vnez.u8 v2;
	v2 =	vsel vm1, $0x3F800000, v1  }
0x12a: {  	[tilespmem:$0x1FBB0] =	vst v2;
	v2 =	vld [tilespmem:$0x1FB30]  }
0x12b: {  	v42 =	vsel vm14, $0x3F800000, v1;
	vm14 =	vnez.u8 v4;
	v4 =	vld [tilespmem:$0x1FA50];
	_ =	sdelay $0x3  }
0x12c: {  	vm15 =	vge.f32 v3, $-1.386294360e+00;
	v61 =	vsel vm0, $0x3F800000, v1;
	vm0 =	vnez.u8 v2  }
0x12d: {  	s19 =	sadd.s32 $0x50, s19;
	v43 =	vsel vm14, $0x3F800000, v1;
	vm14 =	vnez.u8 v4;
	v4 =	vld [tilespmem:$0x1FA60];
	v2 =	vsel vm0, $0x3F800000, v1  }
0x12e: {  	s20 =	sadd.s32 s19, s15;
	vm9 =	vge.f32 v3, $-8.472977870e-01;
	[tilespmem:$0x1FF70] =	vst v2;
	v2 =	vsel vm15, $0x3F800000, v1  }
0x12f: {  	s21 =	sand.u32 $0x70, s19;
	s20 =	sand.u32 $0x7F80, s20;
	vm10 =	vge.f32 v3, $-4.054650960e-01;
	[tilespmem:$0x1FBC0] =	vst v2;
	v2 =	vsel vm9, $0x3F800000, v1  }
0x130: {  	s20 =	sor.u32 s21, s20;
	vm12 =	vge.f32 v3, $0.0e+00;
	[tilespmem:$0x1FBD0] =	vst v2;
	v2 =	vsel vm10, $0x3F800000, v1  }
0x131: {  	vm2 =	vge.f32 v3, $4.054652150e-01;
	v0 =	vld [tilespmem:s20+$0x0];
	[tilespmem:$0x1FBE0] =	vst v2;
	v2 =	vsel vm12, $0x3F800000, v1  }
0x132: {  	v44 =	vsel vm14, $0x3F800000, v1;
	vm14 =	vnez.u8 v4;
	v4 =	vld [tilespmem:$0x1FA70];
	[tilespmem:$0x1FBF0] =	vst v2;
	v2 =	vsel vm2, $0x3F800000, v1  }
0x133: {  	[tilespmem:$0x1FC00] =	vst v2;
	v2 =	vld [tilespmem:$0x1FB40];
	_ =	sdelay $0x1  }
0x134: {  	v10 =	vand.u32 $0x7FFFFFFF, v8  }
0x135: {  	v10 =	vsub.f32 $0.0e+00, v10  }
0x136: {  	v3 =	vsub.f32 $0.0e+00, v0;
	v46 =	vsel vm14, $0x3F800000, v1;
	vm14 =	vnez.u8 v4;
	v4 =	vld [tilespmem:$0x1FA80]  }
0x137: {  	vm0 =	vnez.u8 v2  }
0x138: {  	v8 =	vmul.f32 $1.442695020e+00, v10;
	v10 =	vand.u32 $0x7FFFFFFF, v0;
	v0 =	vsel vm0, v3, v0;
	v3 =	vld [tilespmem:$0x1FB50];
	_ =	sdelay $0x2  }
0x139: {  	v38 =	vsel vm14, $0x3F800000, v1;
	vm14 =	vnez.u8 v4;
	v4 =	vld [tilespmem:$0x1FA90];
	_ =	sdelay $0x1  }
0x13a: {  	vm0 =	vnez.u8 v3  }
0x13b: {  	v3 =	vsel vm0, $0x3F800000, v1  }
0x13c: {  	v11 =	vand.u32 $0x7FFFFFFF, v6;
	[tilespmem:$0x1FFA0] =	vst v3;
	v3 =	vld [tilespmem:$0x1FB60]  }
0x13d: {  	v11 =	vsub.f32 $0.0e+00, v11;
	v39 =	vsel vm14, $0x3F800000, v1;
	vm14 =	vnez.u8 v4;
	v4 =	vld [tilespmem:$0x1FAA0];
	_ =	sdelay $0x1  }
0x13e: {  	v13 =	vand.u32 $0x7FFFFFFF, v9;
	v9 =	vmul.f32 $1.442695020e+00, v11;
	_ =	sdelay $0x1  }
0x13f: {  	v13 =	vsub.f32 $0.0e+00, v13;
	(erf) = vpow2.f32 v9;
	vm0 =	vnez.u8 v3  }
0x140: {  	v55 =	vsel vm14, $0x3F800000, v1;
	vm14 =	vnez.u8 v4;
	v4 =	vld [tilespmem:$0x1FAB0];
	v3 =	vsel vm0, $0x3F800000, v1  }
0x141: {  	v11 =	vmul.f32 $1.442695020e+00, v13;
	vm3 =	vge.f32 v7, $-1.386294360e+00;
	[tilespmem:$0x1FC10] =	vst v3;
	v3 =	vld [tilespmem:$0x1FB70]  }
0x142: {  	vm7 =	vge.f32 v7, $8.472977870e-01;
	(erf) = vpow2.f32 v8;
	v2 =	vsub.f32 $0.0e+00, v10  }
0x143: {  	v48 =	vsel vm13, $0x3F800000, v1;
	v60 =	vsel vm3, $0x3F800000, v1;
	v58 =	vsel vm7, $0x3F800000, v1  }
0x144: {  	(erf) = vpow2.f32 v11;
	vm7 =	vge.f32 v0, $-2.197224620e+00;
	v2 =	vmul.f32 $1.442695020e+00, v2  }
0x145: {  	vm12 =	vge.f32 v0, $-1.386294360e+00;
	vm13 =	vge.f32 v0, $-8.472977870e-01;
	v40 =	vsel vm14, $0x3F800000, v1  }
0x146: {  	vm14 =	vnez.u8 v4;
	v4 =	vld [tilespmem:$0x1FAC0];
	vm0 =	vnez.u8 v3;
	v3 =	vpop (erf);
	(erf) = vpow2.f32 v2  }
0x147: {  	vm15 =	vge.f32 v0, $0.0e+00;
	v9 =	vmul.f32 $9.999574420e-01, v3;
	v12 =	vmul.f32 v3, v3  }
0x148: {  	vm3 =	vge.f32 v0, $4.054652150e-01;
	v10 =	vpop (erf);
	v13 =	vmul.f32 $1.307637390e-01, v3;
	v14 =	vmul.f32 $3.269725140e-01, v3  }
0x149: {  	vm1 =	vge.f32 v0, $8.472977870e-01;
	v22 =	vmul.f32 $1.011894270e-02, v3;
	v11 =	vmul.f32 $9.999574420e-01, v10  }
0x14a: {  	v41 =	vsel vm14, $0x3F800000, v1;
	v17 =	vmul.f32 v10, v10;
	v18 =	vmul.f32 $1.307637390e-01, v10  }
0x14b: {  	v15 =	vpop (erf);
	v19 =	vmul.f32 $3.269725140e-01, v10;
	v10 =	vmul.f32 $1.011894270e-02, v10;
	vm14 =	vnez.u8 v4;
	v4 =	vld [tilespmem:$0x1FAD0]  }
0x14c: {  	vm2 =	vge.f32 v0, $2.197224380e+00;
	v16 =	vmul.f32 $9.999574420e-01, v15;
	v23 =	vmul.f32 v15, v15  }
0x14d: {  	v8 =	vmax.f32 v0, $0.0e+00;
	v24 =	vmul.f32 $1.307637390e-01, v15;
	v25 =	vmul.f32 $3.269725140e-01, v15  }
0x14e: {  	v15 =	vmul.f32 $1.011894270e-02, v15;
	v9 =	vadd.f32 $5.627649100e-07, v9;
	v13 =	vadd.f32 $-2.228350640e-01, v13  }
0x14f: {  	v20 =	vpop (erf);
	v30 =	vmul.f32 v12, v12;
	v14 =	vadd.f32 $-4.992064240e-01, v14;
	v51 =	vsel vm14, $0x3F800000, v1  }
0x150: {  	v21 =	vmul.f32 $9.999574420e-01, v20;
	v26 =	vmul.f32 v20, v20;
	vm14 =	vnez.u8 v4;
	v4 =	vld [tilespmem:$0x1FAE0]  }
0x151: {  	v22 =	vadd.f32 $-5.262415860e-02, v22;
	v27 =	vmul.f32 $1.307637390e-01, v20;
	v28 =	vmul.f32 $3.269725140e-01, v20  }
0x152: {  	v20 =	vmul.f32 $1.011894270e-02, v20;
	v11 =	vadd.f32 $5.627649100e-07, v11;
	v18 =	vadd.f32 $-2.228350640e-01, v18  }
0x153: {  	v31 =	vmul.f32 v17, v17;
	v19 =	vadd.f32 $-4.992064240e-01, v19;
	v10 =	vadd.f32 $-5.262415860e-02, v10  }
0x154: {  	v16 =	vadd.f32 $5.627649100e-07, v16;
	v32 =	vmul.f32 v23, v23;
	v24 =	vadd.f32 $-2.228350640e-01, v24  }
0x155: {  	v25 =	vadd.f32 $-4.992064240e-01, v25;
	v52 =	vsel vm14, $0x3F800000, v1;
	vm14 =	vnez.u8 v4;
	v4 =	vld [tilespmem:$0x1FAF0]  }
0x156: {  	v14 =	vmul.f32 v14, v12;
	v15 =	vadd.f32 $-5.262415860e-02, v15;
	v12 =	vmul.f32 v22, v12  }
0x157: {  	v21 =	vadd.f32 $5.627649100e-07, v21;
	v33 =	vmul.f32 v26, v26;
	v27 =	vadd.f32 $-2.228350640e-01, v27  }
0x158: {  	v28 =	vadd.f32 $-4.992064240e-01, v28;
	v19 =	vmul.f32 v19, v17;
	v10 =	vmul.f32 v10, v17  }
0x159: {  	v20 =	vadd.f32 $-5.262415860e-02, v20;
	v22 =	vmul.f32 v25, v23;
	v15 =	vmul.f32 v15, v23  }
0x15a: {  	v17 =	vmul.f32 v28, v26;
	v29 =	vpop (erf);
	v53 =	vsel vm14, $0x3F800000, v1;
	vm14 =	vnez.u8 v4;
	v4 =	vld [tilespmem:$0x1FB00]  }
0x15b: {  	v12 =	vadd.f32 v12, v13;
	v20 =	vmul.f32 v20, v26;
	v34 =	vmul.f32 v29, v29  }
0x15c: {  	v9 =	vadd.f32 v14, v9;
	v35 =	vmul.f32 $9.999574420e-01, v29;
	v36 =	vmul.f32 $1.307637390e-01, v29  }
0x15d: {  	v11 =	vadd.f32 v19, v11;
	v37 =	vmul.f32 $3.269725140e-01, v29;
	v29 =	vmul.f32 $1.011894270e-02, v29  }
0x15e: {  	v10 =	vadd.f32 v10, v18;
	v12 =	vmul.f32 v12, v30;
	v15 =	vadd.f32 v15, v24  }
0x15f: {  	v25 =	vadd.f32 $-5.262415860e-02, v29;
	v54 =	vsel vm14, $0x3F800000, v1;
	vm14 =	vnez.u8 v4;
	v4 =	vld [tilespmem:$0x1FB10]  }
0x160: {  	v18 =	vadd.f32 v20, v27;
	v10 =	vmul.f32 v10, v31;
	v9 =	vadd.f32 v12, v9  }
0x161: {  	v13 =	vadd.f32 $-2.228350640e-01, v36;
	v23 =	vadd.f32 $5.627649100e-07, v35;
	v19 =	vmul.f32 v25, v34  }
0x162: {  	v14 =	vmul.f32 v34, v34;
	v26 =	vadd.f32 $-4.992064240e-01, v37;
	v9 =	vadd.f32 v9, v5  }
0x163: {  	v5 =	vmul.f32 v18, v33;
	v13 =	vadd.f32 v19, v13;
	v45 =	vsel vm14, $0x3F800000, v1  }
0x164: {  	vm14 =	vnez.u8 v4;
	v4 =	vsel vm0, $0x3F800000, v1;
	vm0 =	vge.f32 v0, $1.386294480e+00  }
0x165: {  	v3 =	vld [tilespmem:$0x1FB90];
	v47 =	vsel vm14, $0x3F800000, v1;
	vm14 =	vge.f32 v0, $-4.054650960e-01;
	v0 =	vsel vm12, $0x3F800000, v1  }
0x166: {  	v12 =	vmul.f32 v26, v34;
	v13 =	vmul.f32 v13, v14;
	v14 =	vadd.f32 v17, v21;
	[tilespmem:$0x1FC20] =	vst v0;
	v0 =	vld [tilespmem:$0x1FB80]  }
0x167: {  	v16 =	vadd.f32 v22, v16;
	v15 =	vmul.f32 v15, v32;
	v26 =	vmul.f32 v9, v40  }
0x168: {  	v12 =	vadd.f32 v12, v23;
	v23 =	vmul.f32 v9, v39;
	v5 =	vadd.f32 v5, v14  }
0x169: {  	v6 =	vmax.f32 v7, $0.0e+00;
	v10 =	vadd.f32 v10, v11;
	v15 =	vadd.f32 v15, v16  }
0x16a: {  	v11 =	vmul.f32 v9, v42;
	v33 =	vadd.f32 v5, v3;
	v3 =	vsub.f32 v23, v26  }
0x16b: {  	v18 =	vmul.f32 v9, v43;
	v10 =	vadd.f32 v10, v0;
	v0 =	vmul.f32 v9, v41  }
0x16c: {  	v28 =	vadd.f32 v15, v6;
	v17 =	vmul.f32 v9, v50;
	[tilespmem:$0x1FEE0] =	vst v3;
	v3 =	vld [tilespmem:$0x1FBB0]  }
0x16d: {  	v20 =	vmul.f32 v9, v44;
	v19 =	vsub.f32 v11, v18;
	[tilespmem:$0x1FF00] =	vst v0;
	v0 =	vsub.f32 v26, v0  }
0x16e: {  	v6 =	vadd.f32 v13, v12;
	v16 =	vsub.f32 v9, v17;
	v29 =	vmul.f32 v10, v52  }
0x16f: {  	v15 =	vsub.f32 v17, v11;
	v30 =	vmul.f32 v10, v53;
	v31 =	vmul.f32 v10, v54  }
0x170: {  	v13 =	vadd.f32 v6, v8;
	v6 =	vsub.f32 v18, v20;
	[tilespmem:$0x1FF10] =	vst v0  }
0x171: {  	v17 =	vsub.f32 v29, v30;
	v18 =	vsub.f32 v30, v31;
	v30 =	vmul.f32 v33, v3;
	v0 =	vmovc v3;
	v3 =	vld [tilespmem:$0x1FBC0]  }
0x172: {  	[tilespmem:$0x1FDA0] =	vst v50;
	v21 =	vmul.f32 v9, v46  }
0x173: {  	[tilespmem:$0x1FDD0] =	vst v44;
	v14 =	vmul.f32 v10, v55;
	v27 =	vmul.f32 v10, v51  }
0x174: {  	v49 =	vsel vm11, $0x3F800000, v1;
	[tilespmem:$0x1FE90] =	vst v45;
	v44 =	vmul.f32 v10, v45;
	v45 =	vmul.f32 v10, v47  }
0x175: {  	[tilespmem:$0x1FDE0] =	vst v46;
	v46 =	vmul.f32 v10, v48;
	v5 =	vmul.f32 v10, v49;
	v25 =	vsub.f32 v10, v14;
	v10 =	vld [tilespmem:$0x1FF70]  }
0x176: {  	[tilespmem:$0x1FE40] =	vst v55;
	v55 =	vmov v3;
	v50 =	vmul.f32 v33, v3;
	v3 =	vld [tilespmem:$0x1FBD0];
	_ =	sdelay $0x2  }
0x177: {  	vm5 =	vge.f32 v7, $-4.054650960e-01  }
0x178: {  	v62 =	vsel vm5, $0x3F800000, v1;
	[tilespmem:$0x1FEB0] =	vst v48;
	v8 =	vsub.f32 v20, v21;
	v20 =	vsub.f32 v44, v45  }
0x179: {  	v12 =	vmul.f32 v28, v10;
	v10 =	vsub.f32 v45, v46;
	v24 =	vmovc v3;
	v45 =	vmul.f32 v33, v3;
	v3 =	vld [tilespmem:$0x1FBE0]  }
0x17a: {  	vm4 =	vge.f32 v7, $-8.472977870e-01;
	[tilespmem:$0x1FF30] =	vst v62  }
0x17b: {  	vm8 =	vge.f32 v7, $1.386294480e+00;
	v7 =	vsel vm4, $0x3F800000, v1;
	[tilespmem:$0x1FEC0] =	vst v59  }
0x17c: {  	[tilespmem:$0x1FF20] =	vst v7;
	v48 =	vmul.f32 v28, v62;
	v62 =	vld [tilespmem:$0x1FBA0]  }
0x17d: {  	[tilespmem:$0x1FE60] =	vst v52;
	v22 =	vmul.f32 v9, v38  }
0x17e: {  	v56 =	vsel vm8, $0x3F800000, v1;
	[tilespmem:$0x1FE70] =	vst v53;
	v52 =	vmov v3;
	v53 =	vmul.f32 v33, v3;
	v3 =	vld [tilespmem:$0x1FBF0]  }
0x17f: {  	[tilespmem:$0x1FEA0] =	vst v47;
	v9 =	vsub.f32 v22, v23;
	v23 =	vmul.f32 v28, v58;
	v47 =	vmul.f32 v28, v59  }
0x180: {  	[tilespmem:$0x1FE50] =	vst v51;
	v51 =	vmul.f32 v28, v60;
	v59 =	vmul.f32 v28, v7;
	v7 =	vsub.f32 v21, v22  }
0x181: {  	[tilespmem:$0x1FED0] =	vst v49;
	v22 =	vmul.f32 v28, v61;
	v26 =	vsub.f32 v14, v27;
	v49 =	vmul.f32 v28, v62  }
0x182: {  	[tilespmem:$0x1FF60] =	vst v56;
	v14 =	vmul.f32 v28, v56;
	v21 =	vsub.f32 v31, v44;
	v36 =	vsub.f32 v28, v47  }
0x183: {  	v28 =	vsub.f32 v59, v48;
	v31 =	vsub.f32 v48, v49;
	v56 =	vmovc v3;
	v48 =	vmul.f32 v33, v3;
	v3 =	vld [tilespmem:$0x1FFA0];
	_ =	sdelay $0x2  }
0x184: {  	v27 =	vsub.f32 v27, v29  }
0x185: {  	[tilespmem:$0x1FFB0] =	vst v4;
	v32 =	vsub.f32 v22, v23;
	v29 =	vsub.f32 v49, v22  }
0x186: {  	v22 =	vsub.f32 v23, v14;
	v23 =	vsub.f32 v14, v12;
	v14 =	vmul.f32 v33, v3;
	v3 =	vld [tilespmem:$0x1FFB0]  }
0x187: {  	[tilespmem:$0x1FF50] =	vst v58  }
0x188: {  	[tilespmem:$0x1FEF0] =	vst v60;
	v60 =	vld [tilespmem:$0x1FC00]  }
0x189: {  	[tilespmem:$0x1FF40] =	vst v61;
	v61 =	vld [tilespmem:$0x1FC10]  }
0x18a: {  	[tilespmem:$0x1FDB0] =	vst v42;
	v63 =	vsel vm13, $0x3F800000, v1  }
0x18b: {  	[tilespmem:$0x1FDC0] =	vst v43;
	v42 =	vsub.f32 v33, v30;
	v43 =	vsub.f32 v30, v50;
	v30 =	vmul.f32 v33, v3;
	v3 =	vld [tilespmem:$0x1FC20]  }
0x18c: {  	[tilespmem:$0x1FE00] =	vst v38;
	v57 =	vsel vm15, $0x3F800000, v1;
	v2 =	vsel vm7, $0x3F800000, v1;
	v11 =	vsub.f32 v46, v5  }
0x18d: {  	[tilespmem:$0x1FE10] =	vst v39;
	v35 =	vsub.f32 v47, v51;
	v47 =	vmul.f32 v13, v63;
	v49 =	vmul.f32 v33, v60  }
0x18e: {  	[tilespmem:$0x1FE20] =	vst v40;
	v44 =	vsub.f32 v50, v45;
	v50 =	vmul.f32 v33, v61;
	v38 =	vsub.f32 v45, v53  }
0x18f: {  	v58 =	vmovc v2;
	v45 =	vmul.f32 v13, v2;
	v39 =	vsub.f32 v53, v48;
	v40 =	vsub.f32 v48, v49  }
0x190: {  	p0 =	sne.s32 s17, $0xF;
	v48 =	vmul.f32 v13, v57;
	v2 =	vmovc v3;
	v46 =	vmul.f32 v13, v3;
	v3 =	vmovc v63;
	v63 =	vmov v57;
	v57 =	vld [tilespmem:$0x1FC30]  }
.Ltmp0:
0x191: {  	[tilespmem:$0x1FE80] =	vst v54;
	v4 =	vsel vm14, $0x3F800000, v1;
	v37 =	vsub.f32 v51, v59;
	v54 =	vsub.f32 v13, v45;
	(pc) =	sbr.rel @p0 .LBB2_4-.Ltmp0, $4  }
0x192: {  	[tilespmem:$0x1FE30] =	vst v41;
	v53 =	vmul.f32 v13, v4;
	v41 =	vsub.f32 v49, v14;
	v33 =	vsub.f32 v14, v50  }
0x193: {  	v34 =	vsub.f32 v50, v30;
	v50 =	vsub.f32 v45, v46  }
0x194: {  	v14 =	vsel vm3, $0x3F800000, v1;
	v51 =	vsub.f32 v46, v47;
	v46 =	vsub.f32 v47, v53  }
0x195: {  	s17 =	sadd.s32 $0x1, s17;
	v59 =	vmovc v4;
	v49 =	vmul.f32 v13, v14;
	v47 =	vsub.f32 v53, v48;
	v45 =	vadd.f32 v54, v57;
	v54 =	vld [tilespmem:$0x1FC40]  }
0x196: {  	_ =	sdelay $0x1  }
0x197: {  	v53 =	vld [tilespmem:$0x1FC50];
	_ =	sdelay $0x1  }
0x198: {  	v51 =	vadd.f32 v51, v54;
	_ =	sdelay $0x1  }
0x199: {  	v44 =	vadd.f32 v44, v51  }
0x19a: {  	v50 =	vadd.f32 v50, v53  }
0x19b: {  	v37 =	vadd.f32 v37, v44  }
0x19c: {  	v43 =	vadd.f32 v43, v50  }
0x19d: {  	v42 =	vadd.f32 v42, v45;
	v27 =	vadd.f32 v27, v37  }
0x19e: {  	v35 =	vadd.f32 v35, v43  }
0x19f: {  	v36 =	vadd.f32 v36, v42;
	v54 =	vadd.f32 v19, v27;
	v27 =	vld [tilespmem:$0x1FC80]  }
0x1a0: {  	v26 =	vadd.f32 v26, v35  }
0x1a1: {  	v25 =	vadd.f32 v25, v36  }
0x1a2: {  	v37 =	vadd.f32 v15, v26;
	v15 =	vsub.f32 v48, v49  }
0x1a3: {  	v36 =	vadd.f32 v16, v25;
	v25 =	vld [tilespmem:$0x1FC60]  }
0x1a4: {  	v57 =	vsel vm1, $0x3F800000, v1;
	v15 =	vadd.f32 v15, v27;
	v27 =	vld [tilespmem:$0x1FC90]  }
0x1a5: {  	v16 =	vmul.f32 v13, v57  }
0x1a6: {  	v26 =	vld [tilespmem:$0x1FC70]  }
0x1a7: {  	v19 =	vsub.f32 v49, v16  }
0x1a8: {  	v25 =	vadd.f32 v46, v25  }
0x1a9: {  	v19 =	vadd.f32 v19, v27  }
0x1aa: {  	v25 =	vadd.f32 v38, v25  }
0x1ab: {  	v26 =	vadd.f32 v47, v26;
	v19 =	vadd.f32 v41, v19  }
0x1ac: {  	v25 =	vadd.f32 v28, v25;
	v15 =	vadd.f32 v40, v15  }
0x1ad: {  	v26 =	vadd.f32 v39, v26;
	v19 =	vadd.f32 v32, v19  }
0x1ae: {  	v17 =	vadd.f32 v17, v25;
	v15 =	vadd.f32 v29, v15  }
0x1af: {  	v26 =	vadd.f32 v31, v26;
	v19 =	vadd.f32 v20, v19  }
0x1b0: {  	v25 =	vsel vm2, $0x3F800000, v1;
	v15 =	vadd.f32 v21, v15;
	v21 =	vsel vm0, $0x3F800000, v1  }
0x1b1: {  	v18 =	vadd.f32 v18, v26;
	v20 =	vmul.f32 v13, v21;
	v19 =	vadd.f32 v9, v19;
	v9 =	vld [tilespmem:$0x1FCD0]  }
0x1b2: {  	v27 =	vadd.f32 v6, v17;
	v13 =	vmul.f32 v13, v25  }
0x1b3: {  	v26 =	vadd.f32 v8, v18;
	v6 =	vsub.f32 v16, v20  }
0x1b4: {  	v8 =	vsub.f32 v20, v13;
	v20 =	vadd.f32 v7, v15;
	v7 =	vld [tilespmem:$0x1FCA0];
	_ =	sdelay $0x1  }
0x1b5: {  	v9 =	vadd.f32 v58, v9;
	_ =	sdelay $0x1  }
0x1b6: {  	v9 =	vadd.f32 v0, v9;
	v0 =	vld [tilespmem:$0x1FEC0]  }
0x1b7: {  	v6 =	vadd.f32 v6, v7;
	v7 =	vld [tilespmem:$0x1FCB0];
	_ =	sdelay $0x2  }
0x1b8: {  	v6 =	vadd.f32 v33, v6  }
0x1b9: {  	v9 =	vadd.f32 v0, v9;
	v0 =	vld [tilespmem:$0x1FEE0]  }
0x1ba: {  	v6 =	vadd.f32 v22, v6;
	v7 =	vadd.f32 v8, v7;
	v8 =	vld [tilespmem:$0x1FCC0];
	_ =	sdelay $0x1  }
0x1bb: {  	v6 =	vadd.f32 v10, v6  }
0x1bc: {  	v7 =	vadd.f32 v34, v7  }
0x1bd: {  	v18 =	vadd.f32 v0, v6;
	v0 =	vld [tilespmem:$0x1FF10]  }
0x1be: {  	v7 =	vadd.f32 v23, v7;
	v8 =	vadd.f32 v13, v8;
	_ =	sdelay $0x1  }
0x1bf: {  	v7 =	vadd.f32 v11, v7;
	v8 =	vadd.f32 v30, v8;
	_ =	sdelay $0x1  }
0x1c0: {  	v8 =	vadd.f32 v12, v8;
	v17 =	vadd.f32 v0, v7;
	v0 =	vld [tilespmem:$0x1FF00];
	_ =	sdelay $0x1  }
0x1c1: {  	v5 =	vadd.f32 v5, v8;
	v8 =	vld [tilespmem:$0x1FE40];
	_ =	sdelay $0x1  }
0x1c2: {  	v4 =	vld [tilespmem:$0x1FDA0]  }
0x1c3: {  	v16 =	vadd.f32 v0, v5;
	v5 =	vld [tilespmem:$0x1FCF0];
	_ =	sdelay $0x1  }
0x1c4: {  	v8 =	vadd.f32 v8, v9;
	_ =	sdelay $0x1  }
0x1c5: {  	v15 =	vadd.f32 v4, v8;
	v4 =	vld [tilespmem:$0x1FCE0]  }
0x1c6: {  	v0 =	vadd.f32 v3, v5;
	v5 =	vld [tilespmem:$0x1FD00];
	_ =	sdelay $0x4  }
0x1c7: {  	v4 =	vadd.f32 v2, v4;
	v2 =	vadd.f32 v59, v5;
	v5 =	vld [tilespmem:$0x1FD20];
	_ =	sdelay $0x4  }
0x1c8: {  	v3 =	vadd.f32 v63, v5;
	v5 =	vld [tilespmem:$0x1FEF0];
	_ =	sdelay $0x2  }
0x1c9: {  	v4 =	vadd.f32 v55, v4;
	_ =	sdelay $0x1  }
0x1ca: {  	v4 =	vadd.f32 v5, v4;
	v5 =	vld [tilespmem:$0x1FF20];
	_ =	sdelay $0x2  }
0x1cb: {  	v0 =	vadd.f32 v24, v0;
	_ =	sdelay $0x1  }
0x1cc: {  	v0 =	vadd.f32 v5, v0;
	v5 =	vld [tilespmem:$0x1FF30];
	_ =	sdelay $0x2  }
0x1cd: {  	v2 =	vadd.f32 v52, v2;
	_ =	sdelay $0x1  }
0x1ce: {  	v2 =	vadd.f32 v5, v2;
	v5 =	vld [tilespmem:$0x1FE50];
	_ =	sdelay $0x4  }
0x1cf: {  	v4 =	vadd.f32 v5, v4;
	v5 =	vld [tilespmem:$0x1FE60];
	_ =	sdelay $0x4  }
0x1d0: {  	v0 =	vadd.f32 v5, v0;
	v5 =	vld [tilespmem:$0x1FE70];
	_ =	sdelay $0x4  }
0x1d1: {  	v2 =	vadd.f32 v5, v2;
	v5 =	vld [tilespmem:$0x1FE80]  }
0x1d2: {  	v3 =	vadd.f32 v56, v3;
	_ =	sdelay $0x1  }
0x1d3: {  	v3 =	vadd.f32 v62, v3;
	_ =	sdelay $0x1  }
0x1d4: {  	v3 =	vadd.f32 v5, v3;
	v5 =	vld [tilespmem:$0x1FDB0];
	_ =	sdelay $0x4  }
0x1d5: {  	v12 =	vadd.f32 v5, v4;
	v4 =	vld [tilespmem:$0x1FDC0];
	_ =	sdelay $0x4  }
0x1d6: {  	v11 =	vadd.f32 v4, v0;
	v0 =	vld [tilespmem:$0x1FDD0];
	_ =	sdelay $0x4  }
0x1d7: {  	v10 =	vadd.f32 v0, v2;
	v2 =	vld [tilespmem:$0x1FD40];
	_ =	sdelay $0x1  }
0x1d8: {  	v6 =	vld [tilespmem:$0x1FFA0]  }
0x1d9: {  	v0 =	vld [tilespmem:$0x1FDE0];
	_ =	sdelay $0x1  }
0x1da: {  	v4 =	vld [tilespmem:$0x1FD50];
	v2 =	vadd.f32 v57, v2;
	_ =	sdelay $0x1  }
0x1db: {  	v2 =	vadd.f32 v6, v2;
	v6 =	vld [tilespmem:$0x1FFB0]  }
0x1dc: {  	v5 =	vadd.f32 v0, v3;
	v0 =	vld [tilespmem:$0x1FD10];
	_ =	sdelay $0x1  }
0x1dd: {  	v4 =	vadd.f32 v25, v4;
	_ =	sdelay $0x1  }
0x1de: {  	v4 =	vadd.f32 v6, v4;
	v6 =	vld [tilespmem:$0x1FF40]  }
0x1df: {  	v0 =	vadd.f32 v14, v0;
	_ =	sdelay $0x1  }
0x1e0: {  	v0 =	vadd.f32 v60, v0;
	_ =	sdelay $0x1  }
0x1e1: {  	v0 =	vadd.f32 v6, v0;
	v6 =	vld [tilespmem:$0x1FF50]  }
0x1e2: {  	v3 =	vld [tilespmem:$0x1FD30];
	_ =	sdelay $0x3  }
0x1e3: {  	v2 =	vadd.f32 v6, v2;
	v6 =	vld [tilespmem:$0x1FF60]  }
0x1e4: {  	v3 =	vadd.f32 v21, v3;
	_ =	sdelay $0x1  }
0x1e5: {  	v3 =	vadd.f32 v61, v3;
	_ =	sdelay $0x1  }
0x1e6: {  	v3 =	vadd.f32 v6, v3;
	v6 =	vld [tilespmem:$0x1FF70];
	_ =	sdelay $0x4  }
0x1e7: {  	v4 =	vadd.f32 v6, v4;
	v6 =	vld [tilespmem:$0x1FE90];
	_ =	sdelay $0x4  }
0x1e8: {  	v0 =	vadd.f32 v6, v0;
	v6 =	vld [tilespmem:$0x1FEA0];
	_ =	sdelay $0x4  }
0x1e9: {  	v2 =	vadd.f32 v6, v2;
	v6 =	vld [tilespmem:$0x1FEB0];
	_ =	sdelay $0x4  }
0x1ea: {  	v3 =	vadd.f32 v6, v3;
	v6 =	vld [tilespmem:$0x1FED0];
	_ =	sdelay $0x4  }
0x1eb: {  	v4 =	vadd.f32 v6, v4;
	v6 =	vld [tilespmem:$0x1FE00];
	_ =	sdelay $0x4  }
0x1ec: {  	v13 =	vadd.f32 v6, v0;
	v0 =	vld [tilespmem:$0x1FE10];
	_ =	sdelay $0x4  }
0x1ed: {  	v2 =	vadd.f32 v0, v2;
	v0 =	vld [tilespmem:$0x1FE20];
	_ =	sdelay $0x4  }
0x1ee: {  	s16 =	sadd.s32 $0x1, s16;
	v3 =	vadd.f32 v0, v3;
	v0 =	vld [tilespmem:$0x1FE30]  }
0x1ef: {  	p0 =	sne.s32 s16, $0x8  }
.Ltmp1:
0x1f0: {  	_ = 	snop;
	(pc) =	sbr.rel @p0 .LBB2_3-.Ltmp1, $4  }
0x1f1: {  	v7 =	vld [tilespmem:$0x1FFD0]  }
0x1f2: {  	v9 =	vld [tilespmem:$0x1FFE0]  }
0x1f3: {  	v8 =	vld [tilespmem:$0x1FFF0];
	v0 =	vadd.f32 v0, v4  }
0x1f4: {  	s15 =	sadd.s32 $0x500, s15;
	s14 =	sadd.s32 $0x500, s14;
	v14 =	vlaneseq.u32;
	v6 =	vld [tilespmem:$0x1FFC0]  }
0x1f5: {  	s12 =	sadd.s32 $0x1, s12  }
0x1f6: {  	p0 =	sne.s32 s12, $0xE  }
.Ltmp2:
0x1f7: {  	_ = 	snop;
	(pc) =	sbr.rel @p0 .LBB2_2-.Ltmp2, $1  }
0x1f8: {  	_ =	sdelay $0x3  }
0x1f9: {  	[tilespmem:$0x2880] =	vst v36  }
0x1fa: {  	[tilespmem:$0x2900] =	vst v37  }
0x1fb: {  	[tilespmem:$0x2980] =	vst v54  }
0x1fc: {  	[tilespmem:$0x2A00] =	vst v27  }
0x1fd: {  	[tilespmem:$0x2A80] =	vst v26  }
0x1fe: {  	[tilespmem:$0x2B00] =	vst v20  }
0x1ff: {  	[tilespmem:$0x2B80] =	vst v19  }
0x200: {  	[tilespmem:$0x2C00] =	vst v18  }
0x201: {  	[tilespmem:$0x2C80] =	vst v17  }
0x202: {  	[tilespmem:$0x2D00] =	vst v16  }
0x203: {  	[tilespmem:$0x2D80] =	vst v15  }
0x204: {  	[tilespmem:$0x2E00] =	vst v12  }
0x205: {  	[tilespmem:$0x2E80] =	vst v11  }
0x206: {  	[tilespmem:$0x2F00] =	vst v10  }
0x207: {  	[tilespmem:$0x2F80] =	vst v5  }
0x208: {  	[tilespmem:$0x3000] =	vst v13  }
0x209: {  	[tilespmem:$0x3080] =	vst v2;
	s11 =	sadd.s32 $0x1, s11  }
0x20a: {  	[tilespmem:$0x3100] =	vst v3;
	p0 =	sne.s32 s11, s7  }
.Ltmp3:
0x20b: {  	[tilespmem:$0x3180] =	vst v0;
	(pc) =	sbr.rel @p0 .LBB2_1-.Ltmp3, $4  }
0x20c: {  	[hbm4b:s6+s2] =	stream.linear.scatter [tilespmem:s10], [sflag:$0x1], $0x980, $0x38;
	[tilespmem:$0x3480] =	vst v63  }
0x20d: {  	_ =	swait.ge [sflag:s8], $0x980  }
0x20e: {  	[sflag:s8] =	ssyncset.done $0x0  }
0x20f: {  	[sflag:s8] =	ssyncadd.s32 $0xFFFFF680  }
0x210: {  	_ =	sfence.sel $0x180000  }
0x211: {  	[bflag:$0x0] =	sbarrier.arrive $0xFFFF  }
0x212: {  	p0 =	sne.s32 s1, $0x0;
	_ =	strace $0x90000047  }
0x213: {  	s0 =	sadd.s32 @!p0 $0x100000, s0;
	[bflag:$0x2] =	sbarrier.arrive $0xFFFF  }
0x214: {  	[sflag:s0] =	ssyncadd.tile.s32 @!p0 $0x1;
	_ =	shalt  }
.Lfunc_end2:
_tile_overlayer_lowered:
.L_overlay_start_2:
0x215: {  	(tag) =	ssettag $0x2  }
0x216: {  	s0 =	rddreg [dreg:$0x0];
	s2 =	stileid.u32  }
0x217: {  	s1 =	rddreg [dreg:$0x1];
	p0 =	sne.s32 s2, $0x0  }
0x218: {  	s3 =	rddreg [dreg:$0x2];
	[bflag:$0x3] =	sbarrier.arrive $0xFFFF;
	s2 =	simm.s32 @!p0 $0x1C01  }
0x219: {  	[timem:s3], [sflag:s2] =	dma.local @!p0 [hbm:s0], s1  }
0x21a: {  	s0 =	simm.s32 @!p0 $0x1  }
0x21b: {  	_ =	swait.ge @!p0 [sflag:s0], s1  }
0x21c: {  	s1 =	ssub.s32 @!p0 $0x0, s1;
	[sflag:s0] =	ssyncset.done @!p0 $0x0  }
0x21d: {  	[sflag:s0] =	ssyncadd.s32 @!p0 s1  }
0x21e: {  	[bflag:$0x3] =	sbarrier.arrive $0xFFFF  }
0x21f: {  	_ =	shalt  }

</sc_bundles>
